<compile_context>
chip_gen: v7x
topology: tpu7x:2x2x1
jax: 0.10.2.dev20260603
libtpu: 0.0.44.dev20260713+nightly
codegen_flags: <defaults>
</compile_context>

<pallas_src>
import jax
import jax.numpy as jnp
from jax import lax
from jax.experimental import pallas as pl
from jax.experimental.pallas import tpu as pltpu
from jax.experimental.pallas import tpu_sc as plsc

N = 10000
E = 320000
D = 128
H = 128
OUT = 16

NC = 2
NS = 16
EPW = E // (NC * NS)
CH = 128
NF = EPW // CH
TAIL = EPW - NF * CH
RPW = 624
EXTRA_ROW0 = NS * RPW
RCH = 104
NRCH = RPW // RCH


def _segsum_body(m_hbm, src_hbm, dst_hbm, parts_hbm,
                 acc, src0, dst0, src1, dst1, src2, dst2, src3, dst3,
                 srct, dstt, rows0, rows1, zbuf,
                 semi0, semi1, semi2, semi3, semg0, semg1, sems0, sems1):
    c = lax.axis_index("c")
    s = lax.axis_index("s")
    row0 = s * RPW
    erow = EXTRA_ROW0 + s * 8
    SRC = (src0, src1, src2, src3)
    DST = (dst0, dst1, dst2, dst3)
    ROWS = (rows0, rows1)
    SEMI = (semi0, semi1, semi2, semi3)
    SEMG = (semg0, semg1)
    SEMS = (sems0, sems1)

    base0 = (c * NS + s) * EPW

    def issue_idx(j, q):
        b = base0 + jnp.minimum(j, NF - 1) * CH
        pltpu.async_copy(src_hbm.at[pl.ds(b, CH)], SRC[q], SEMI[q])
        pltpu.async_copy(dst_hbm.at[pl.ds(b, CH)], DST[q], SEMI[q])

    def wait_idx(q):
        pltpu.make_async_copy(src_hbm.at[pl.ds(0, CH)], SRC[q], SEMI[q]).wait()
        pltpu.make_async_copy(dst_hbm.at[pl.ds(0, CH)], DST[q], SEMI[q]).wait()

    def issue_gather(p, q):
        pltpu.async_copy(m_hbm.at[SRC[q]], ROWS[p], SEMG[p])

    def wait_gather(p, q):
        pltpu.make_async_copy(m_hbm.at[SRC[q]], ROWS[p], SEMG[p]).wait()

    def issue_scatter(p, q):
        pltpu.async_copy(ROWS[p], acc.at[DST[q]], SEMS[p], add=True)

    def wait_scatter(p, q):
        pltpu.make_async_copy(ROWS[p], acc.at[DST[q]], SEMS[p]).wait()

    def hstep(j, q, p):
        wait_idx((q + 1) % 4)
        wait_scatter(1 - p, (q + 3) % 4)
        issue_gather(1 - p, (q + 1) % 4)
        issue_idx(j + 3, (q + 3) % 4)
        wait_gather(p, q)
        issue_scatter(p, q)

    issue_idx(0, 0)
    issue_idx(1, 1)
    issue_idx(2, 2)
    wait_idx(0)
    issue_gather(0, 0)
    wait_idx(1)
    issue_gather(1, 1)
    issue_idx(3, 3)

    def zrow(r, carry):
        for u in range(8):
            zbuf[r, pl.ds(u * 16, 16)] = jnp.zeros((16,), jnp.float32)
        return carry
    lax.fori_loop(0, RCH, zrow, 0)

    def zacc(j, carry):
        pltpu.sync_copy(zbuf, acc.at[pl.ds(row0 + j * RCH, RCH)])
        return carry
    lax.fori_loop(0, NRCH, zacc, 0)

    @pl.when(s < 2)
    def _():
        pltpu.sync_copy(zbuf.at[pl.ds(0, 8)], acc.at[pl.ds(erow, 8)])
    plsc.subcore_barrier()

    wait_gather(0, 0)
    issue_scatter(0, 0)
    hstep(1, 1, 1)

    def step4(t, carry):
        j = 4 * t + 2
        hstep(j, 2, 0)
        hstep(j + 1, 3, 1)
        hstep(j + 2, 0, 0)
        hstep(j + 3, 1, 1)
        return carry
    lax.fori_loop(0, (NF - 2) // 4, step4, 0)

    wait_idx(3)
    wait_idx(0)
    wait_gather(0, 2)
    wait_scatter(1, 1)

    bt = base0 + NF * CH
    pltpu.sync_copy(src_hbm.at[pl.ds(bt, TAIL)], srct)
    pltpu.sync_copy(dst_hbm.at[pl.ds(bt, TAIL)], dstt)
    pltpu.async_copy(m_hbm.at[srct], rows0.at[pl.ds(0, TAIL)], semg0).wait()
    pltpu.sync_copy(rows0.at[pl.ds(0, TAIL)], acc.at[dstt], add=True)
    plsc.subcore_barrier()

    pltpu.sync_copy(acc.at[pl.ds(row0, RPW)], parts_hbm.at[c, pl.ds(row0, RPW)])

    @pl.when(s < 2)
    def _():
        pltpu.sync_copy(acc.at[pl.ds(erow, 8)], parts_hbm.at[c, pl.ds(erow, 8)])


_segsum = pl.kernel(
    _segsum_body,
    out_type=jax.ShapeDtypeStruct((NC, N, H), jnp.float32),
    mesh=plsc.VectorSubcoreMesh(core_axis_name="c", subcore_axis_name="s",
                                num_cores=NC, num_subcores=NS),
    scratch_types=[
        pltpu.VMEM_SHARED((N, H), jnp.float32),
        pltpu.VMEM((CH,), jnp.int32),
        pltpu.VMEM((CH,), jnp.int32),
        pltpu.VMEM((CH,), jnp.int32),
        pltpu.VMEM((CH,), jnp.int32),
        pltpu.VMEM((CH,), jnp.int32),
        pltpu.VMEM((CH,), jnp.int32),
        pltpu.VMEM((CH,), jnp.int32),
        pltpu.VMEM((CH,), jnp.int32),
        pltpu.VMEM((TAIL,), jnp.int32),
        pltpu.VMEM((TAIL,), jnp.int32),
        pltpu.VMEM((CH, H), jnp.float32),
        pltpu.VMEM((CH, H), jnp.float32),
        pltpu.VMEM((RCH, H), jnp.float32),
        pltpu.SemaphoreType.DMA,
        pltpu.SemaphoreType.DMA,
        pltpu.SemaphoreType.DMA,
        pltpu.SemaphoreType.DMA,
        pltpu.SemaphoreType.DMA,
        pltpu.SemaphoreType.DMA,
        pltpu.SemaphoreType.DMA,
        pltpu.SemaphoreType.DMA,
    ],
)


BLK = 2000


def _layer_body(p_ref, x_ref, wr_ref, wo_ref, b_ref, h_ref):
    pp = p_ref[...]
    agg = pp[0] + pp[1]
    h_ref[...] = jnp.maximum(
        jnp.dot(agg, wr_ref[...], preferred_element_type=jnp.float32)
        + b_ref[...]
        + jnp.dot(x_ref[...], wo_ref[...], preferred_element_type=jnp.float32),
        0.0)


_layer = pl.pallas_call(
    _layer_body,
    grid=(N // BLK,),
    in_specs=[
        pl.BlockSpec((NC, BLK, H), lambda i: (0, i, 0)),
        pl.BlockSpec((BLK, H), lambda i: (i, 0)),
        pl.BlockSpec((H, H), lambda i: (0, 0)),
        pl.BlockSpec((H, H), lambda i: (0, 0)),
        pl.BlockSpec((1, H), lambda i: (0, 0)),
    ],
    out_specs=pl.BlockSpec((BLK, H), lambda i: (i, 0)),
    out_shape=jax.ShapeDtypeStruct((N, H), jnp.float32),
)


NP = N // 2
DP = 2 * H
BLKP = 1000


def _mlp_body(hr_ref, w1_ref, b1_ref, w2_ref, b2_ref, out_ref):
    hid = jnp.maximum(
        jnp.dot(hr_ref[...], w1_ref[...], preferred_element_type=jnp.float32)
        + b1_ref[...], 0.0)
    z = jnp.dot(hid, w2_ref[...], preferred_element_type=jnp.float32) + b2_ref[...]
    out_ref[...] = jax.nn.sigmoid(z)


_mlp = pl.pallas_call(
    _mlp_body,
    grid=(NP // BLKP,),
    in_specs=[
        pl.BlockSpec((BLKP, DP), lambda i: (i, 0)),
        pl.BlockSpec((DP, 3 * H), lambda i: (0, 0)),
        pl.BlockSpec((1, 3 * H), lambda i: (0, 0)),
        pl.BlockSpec((3 * H, OUT), lambda i: (0, 0)),
        pl.BlockSpec((1, OUT), lambda i: (0, 0)),
    ],
    out_specs=pl.BlockSpec((BLKP, OUT), lambda i: (i, 0)),
    out_shape=jax.ShapeDtypeStruct((NP, OUT), jnp.float32),
)


def kernel(x, edge_index, batch, W_rel0, b_rel0, W_root0, W_rel1, b_rel1,
           W_root1, mlp_W1, mlp_b1, mlp_W2, mlp_b2):
    src = edge_index[0]
    dst = edge_index[1]

    parts0 = _segsum(x, src, dst)
    h1 = _layer(parts0, x, W_rel0, W_root0, b_rel0.reshape(1, H))
    parts1 = _segsum(h1, src, dst)
    h2 = _layer(parts1, h1, W_rel1, W_root1, b_rel1.reshape(1, H))

    hr = h2.reshape(NP, DP)
    out = _mlp(hr, mlp_W1, mlp_b1.reshape(1, 3 * H), mlp_W2,
               mlp_b2.reshape(1, OUT))
    return (out, hr, hr[:, :H], hr[:, H:])

# --- scband reference (transcript-rebuilt; emitter-appended) ---
"""Pipeline reference for scband-gconvstack-words-60224031425325 (READ-ONLY COPY).

The authoritative reference and input builder live on the scoring server;
editing this copy changes nothing except your own understanding.
"""

import jax, jax.numpy as jnp
import numpy as np

N = 10000
E = 320000
D = 128
H = 128
OUT = 16


def setup_inputs(seed: int = 0) -> dict:
    key = jax.random.key(seed)
    ks = jax.random.split(key, 16)
    x = jax.random.normal(ks[0], (N, D), dtype=jnp.float32)
    edge_index = jax.random.randint(ks[1], (2, E), 0, N, dtype=jnp.int32)
    batch = jnp.sort(jax.random.randint(ks[2], (N,), 0, 64, dtype=jnp.int32))
    s_in = 1.0 / np.sqrt(D)
    s_h = 1.0 / np.sqrt(H)
    s_m1 = 1.0 / np.sqrt(2 * H)
    s_m2 = 1.0 / np.sqrt(3 * H)
    return {
        "x": x,
        "edge_index": edge_index,
        "batch": batch,
        "W_rel0": jax.random.normal(ks[3], (D, H), dtype=jnp.float32) * s_in,
        "b_rel0": jnp.zeros((H,), dtype=jnp.float32),
        "W_root0": jax.random.normal(ks[4], (D, H), dtype=jnp.float32) * s_in,
        "W_rel1": jax.random.normal(ks[5], (H, H), dtype=jnp.float32) * s_h,
        "b_rel1": jnp.zeros((H,), dtype=jnp.float32),
        "W_root1": jax.random.normal(ks[6], (H, H), dtype=jnp.float32) * s_h,
        "mlp_W1": jax.random.normal(ks[7], (2 * H, 3 * H), dtype=jnp.float32) * s_m1,
        "mlp_b1": jnp.zeros((3 * H,), dtype=jnp.float32),
        "mlp_W2": jax.random.normal(ks[8], (3 * H, OUT), dtype=jnp.float32) * s_m2,
        "mlp_b2": jnp.zeros((OUT,), dtype=jnp.float32),
    }


def reference(x, edge_index, batch, W_rel0, b_rel0, W_root0, W_rel1, b_rel1, W_root1, mlp_W1, mlp_b1, mlp_W2, mlp_b2):
    src = edge_index[0]
    dst = edge_index[1]

    def gconv(h, Wr, b, Wroot):
        # PyG GraphConv with aggr='add': out_i = lin_rel(sum_{j->i} x_j) + lin_root(x_i)
        msgs = h[src]
        agg = jax.ops.segment_sum(msgs, dst, num_segments=h.shape[0])
        return agg @ Wr + b + h @ Wroot

    h = jax.nn.relu(gconv(x, W_rel0, b_rel0, W_root0))
    h = jax.nn.relu(gconv(h, W_rel1, b_rel1, W_root1))
    hr = jnp.reshape(h, (-1, 2 * H))
    x1 = hr[:, :H]
    x2 = hr[:, H:]
    hid = jax.nn.relu(hr @ mlp_W1 + mlp_b1)
    out = jax.nn.sigmoid(hid @ mlp_W2 + mlp_b2)
    return (out, hr, x1, x2)

if __name__ == "__main__":
    import jax
    _d = setup_inputs()
    print(jax.jit(kernel)(*tuple(_d.values())))

</pallas_src>

<mosaic_0001>
#map = affine_map<(d0, d1) -> (0, 0)>
#map1 = affine_map<(d0, d1) -> (0)>
#map2 = affine_map<(d0, d1) -> (0, 0, 0)>
module attributes {stable_mosaic.version = 14 : i64} {
  func.func @_segsum_body(%arg0: i32, %arg1: i32, %arg2: memref<10000x128xf32, #tpu.memory_space<hbm>>, %arg3: memref<320000xi32, #tpu.memory_space<hbm>>, %arg4: memref<320000xi32, #tpu.memory_space<hbm>>, %arg5: memref<2x10000x128xf32, #tpu.memory_space<hbm>>, %arg6: memref<10000x128xf32, #tpu.memory_space<vmem_shared>>, %arg7: memref<128xi32, #tpu.memory_space<vmem>>, %arg8: memref<128xi32, #tpu.memory_space<vmem>>, %arg9: memref<128xi32, #tpu.memory_space<vmem>>, %arg10: memref<128xi32, #tpu.memory_space<vmem>>, %arg11: memref<128xi32, #tpu.memory_space<vmem>>, %arg12: memref<128xi32, #tpu.memory_space<vmem>>, %arg13: memref<128xi32, #tpu.memory_space<vmem>>, %arg14: memref<128xi32, #tpu.memory_space<vmem>>, %arg15: memref<16xi32, #tpu.memory_space<vmem>>, %arg16: memref<16xi32, #tpu.memory_space<vmem>>, %arg17: memref<128x128xf32, #tpu.memory_space<vmem>>, %arg18: memref<128x128xf32, #tpu.memory_space<vmem>>, %arg19: memref<104x128xf32, #tpu.memory_space<vmem>>, %arg20: memref<!tpu.dma_semaphore, #tpu.memory_space<semaphore_mem>>, %arg21: memref<!tpu.dma_semaphore, #tpu.memory_space<semaphore_mem>>, %arg22: memref<!tpu.dma_semaphore, #tpu.memory_space<semaphore_mem>>, %arg23: memref<!tpu.dma_semaphore, #tpu.memory_space<semaphore_mem>>, %arg24: memref<!tpu.dma_semaphore, #tpu.memory_space<semaphore_mem>>, %arg25: memref<!tpu.dma_semaphore, #tpu.memory_space<semaphore_mem>>, %arg26: memref<!tpu.dma_semaphore, #tpu.memory_space<semaphore_mem>>, %arg27: memref<!tpu.dma_semaphore, #tpu.memory_space<semaphore_mem>>) attributes {dimension_semantics = [#tpu.dimension_semantics<core_parallel>, #tpu.dimension_semantics<subcore_parallel>], iteration_bounds = array<i64: 2, 16>, scalar_prefetch = 0 : i64, scratch_operands = 22 : i64, tpu.core_type = #tpu.core_type<sc_vector_subcore>, window_params = [{transform_indices = #map}, {transform_indices = #map1}, {transform_indices = #map1}, {transform_indices = #map2}]} {
    %mul3A = arith.constant 624 : i32
    %mul3A_0 = arith.muli %arg1, %mul3A : i32
    %mul3A_1 = arith.constant 8 : i32
    %mul3A_2 = arith.muli %arg1, %mul3A_1 : i32
    %add3A = arith.constant 9984 : i32
    %add3A_3 = arith.addi %add3A, %mul3A_2 : i32
    %mul3A_4 = arith.constant 16 : i32
    %mul3A_5 = arith.muli %arg0, %mul3A_4 : i32
    %add3A_6 = arith.addi %mul3A_5, %arg1 : i32
    %mul3A_7 = arith.constant 10000 : i32
    %mul3A_8 = arith.muli %add3A_6, %mul3A_7 : i32
    %min3A = arith.constant 0 : i32
    %min3A_9 = arith.constant 77 : i32
    %min3A_10 = arith.minsi %min3A, %min3A_9 : i32
    %mul3A_11 = arith.constant 128 : i32
    %mul3A_12 = arith.muli %min3A_10, %mul3A_11 : i32
    %add3A_13 = arith.addi %mul3A_8, %mul3A_12 : i32
    %dma_start3A = tpu.memref_slice %arg3[%add3A_13] : memref<320000xi32, #tpu.memory_space<hbm>> -> memref<128xi32, #tpu.memory_space<hbm>>
    %dma_start3A_14 = tpu.memref_slice %arg3[%add3A_13] : memref<320000xi32, #tpu.memory_space<hbm>> -> memref<128xi32, #tpu.memory_space<hbm>>
    tpu.enqueue_dma source(%dma_start3A_14 : memref<128xi32, #tpu.memory_space<hbm>>) target(%arg7 : memref<128xi32, #tpu.memory_space<vmem>>) target_semaphore(%arg20 : memref<!tpu.dma_semaphore, #tpu.memory_space<semaphore_mem>>)
    %dma_start3A_15 = tpu.memref_slice %arg4[%add3A_13] : memref<320000xi32, #tpu.memory_space<hbm>> -> memref<128xi32, #tpu.memory_space<hbm>>
    %dma_start3A_16 = tpu.memref_slice %arg4[%add3A_13] : memref<320000xi32, #tpu.memory_space<hbm>> -> memref<128xi32, #tpu.memory_space<hbm>>
    tpu.enqueue_dma source(%dma_start3A_16 : memref<128xi32, #tpu.memory_space<hbm>>) target(%arg8 : memref<128xi32, #tpu.memory_space<vmem>>) target_semaphore(%arg20 : memref<!tpu.dma_semaphore, #tpu.memory_space<semaphore_mem>>)
    %min3A_17 = arith.constant 1 : i32
    %min3A_18 = arith.constant 77 : i32
    %min3A_19 = arith.minsi %min3A_17, %min3A_18 : i32
    %mul3A_20 = arith.constant 128 : i32
    %mul3A_21 = arith.muli %min3A_19, %mul3A_20 : i32
    %add3A_22 = arith.addi %mul3A_8, %mul3A_21 : i32
    %dma_start3A_23 = tpu.memref_slice %arg3[%add3A_22] : memref<320000xi32, #tpu.memory_space<hbm>> -> memref<128xi32, #tpu.memory_space<hbm>>
    %dma_start3A_24 = tpu.memref_slice %arg3[%add3A_22] : memref<320000xi32, #tpu.memory_space<hbm>> -> memref<128xi32, #tpu.memory_space<hbm>>
    tpu.enqueue_dma source(%dma_start3A_24 : memref<128xi32, #tpu.memory_space<hbm>>) target(%arg9 : memref<128xi32, #tpu.memory_space<vmem>>) target_semaphore(%arg21 : memref<!tpu.dma_semaphore, #tpu.memory_space<semaphore_mem>>)
    %dma_start3A_25 = tpu.memref_slice %arg4[%add3A_22] : memref<320000xi32, #tpu.memory_space<hbm>> -> memref<128xi32, #tpu.memory_space<hbm>>
    %dma_start3A_26 = tpu.memref_slice %arg4[%add3A_22] : memref<320000xi32, #tpu.memory_space<hbm>> -> memref<128xi32, #tpu.memory_space<hbm>>
    tpu.enqueue_dma source(%dma_start3A_26 : memref<128xi32, #tpu.memory_space<hbm>>) target(%arg10 : memref<128xi32, #tpu.memory_space<vmem>>) target_semaphore(%arg21 : memref<!tpu.dma_semaphore, #tpu.memory_space<semaphore_mem>>)
    %min3A_27 = arith.constant 2 : i32
    %min3A_28 = arith.constant 77 : i32
    %min3A_29 = arith.minsi %min3A_27, %min3A_28 : i32
    %mul3A_30 = arith.constant 128 : i32
    %mul3A_31 = arith.muli %min3A_29, %mul3A_30 : i32
    %add3A_32 = arith.addi %mul3A_8, %mul3A_31 : i32
    %dma_start3A_33 = tpu.memref_slice %arg3[%add3A_32] : memref<320000xi32, #tpu.memory_space<hbm>> -> memref<128xi32, #tpu.memory_space<hbm>>
    %dma_start3A_34 = tpu.memref_slice %arg3[%add3A_32] : memref<320000xi32, #tpu.memory_space<hbm>> -> memref<128xi32, #tpu.memory_space<hbm>>
    tpu.enqueue_dma source(%dma_start3A_34 : memref<128xi32, #tpu.memory_space<hbm>>) target(%arg11 : memref<128xi32, #tpu.memory_space<vmem>>) target_semaphore(%arg22 : memref<!tpu.dma_semaphore, #tpu.memory_space<semaphore_mem>>)
    %dma_start3A_35 = tpu.memref_slice %arg4[%add3A_32] : memref<320000xi32, #tpu.memory_space<hbm>> -> memref<128xi32, #tpu.memory_space<hbm>>
    %dma_start3A_36 = tpu.memref_slice %arg4[%add3A_32] : memref<320000xi32, #tpu.memory_space<hbm>> -> memref<128xi32, #tpu.memory_space<hbm>>
    tpu.enqueue_dma source(%dma_start3A_36 : memref<128xi32, #tpu.memory_space<hbm>>) target(%arg12 : memref<128xi32, #tpu.memory_space<vmem>>) target_semaphore(%arg22 : memref<!tpu.dma_semaphore, #tpu.memory_space<semaphore_mem>>)
    %dma_wait3A = arith.constant 0 : i32
    %dma_wait3A_37 = tpu.memref_slice %arg3[%dma_wait3A] : memref<320000xi32, #tpu.memory_space<hbm>> -> memref<128xi32, #tpu.memory_space<hbm>>
    %dma_wait3A_38 = arith.constant 0 : i32
    %dma_wait3A_39 = tpu.memref_slice %arg3[%dma_wait3A_38] : memref<320000xi32, #tpu.memory_space<hbm>> -> memref<128xi32, #tpu.memory_space<hbm>>
    tpu.wait_dma2 semaphore(%arg20 : memref<!tpu.dma_semaphore, #tpu.memory_space<semaphore_mem>>) src(%dma_wait3A_39 : memref<128xi32, #tpu.memory_space<hbm>>) dst(%arg7 : memref<128xi32, #tpu.memory_space<vmem>>)
    %dma_wait3A_40 = arith.constant 0 : i32
    %dma_wait3A_41 = tpu.memref_slice %arg4[%dma_wait3A_40] : memref<320000xi32, #tpu.memory_space<hbm>> -> memref<128xi32, #tpu.memory_space<hbm>>
    %dma_wait3A_42 = arith.constant 0 : i32
    %dma_wait3A_43 = tpu.memref_slice %arg4[%dma_wait3A_42] : memref<320000xi32, #tpu.memory_space<hbm>> -> memref<128xi32, #tpu.memory_space<hbm>>
    tpu.wait_dma2 semaphore(%arg20 : memref<!tpu.dma_semaphore, #tpu.memory_space<semaphore_mem>>) src(%dma_wait3A_43 : memref<128xi32, #tpu.memory_space<hbm>>) dst(%arg8 : memref<128xi32, #tpu.memory_space<vmem>>)
    %dma_start3A_44 = arith.constant 0 : i32
    %dma_start3A_45 = arith.constant 0 : i32
    %dma_start3A_46 = tpu.memref_slice %arg2[%dma_start3A_44, %dma_start3A_45] : memref<10000x128xf32, #tpu.memory_space<hbm>> -> memref<10000x128xf32, #tpu.memory_space<hbm>>
    tpu.enqueue_indirect_dma source(%dma_start3A_46 : memref<10000x128xf32, #tpu.memory_space<hbm>>) target(%arg17 : memref<128x128xf32, #tpu.memory_space<vmem>>) offsets(%arg7 : memref<128xi32, #tpu.memory_space<vmem>>) semaphore(%arg24 : memref<!tpu.dma_semaphore, #tpu.memory_space<semaphore_mem>>)
    %dma_wait3A_47 = arith.constant 0 : i32
    %dma_wait3A_48 = tpu.memref_slice %arg3[%dma_wait3A_47] : memref<320000xi32, #tpu.memory_space<hbm>> -> memref<128xi32, #tpu.memory_space<hbm>>
    %dma_wait3A_49 = arith.constant 0 : i32
    %dma_wait3A_50 = tpu.memref_slice %arg3[%dma_wait3A_49] : memref<320000xi32, #tpu.memory_space<hbm>> -> memref<128xi32, #tpu.memory_space<hbm>>
    tpu.wait_dma2 semaphore(%arg21 : memref<!tpu.dma_semaphore, #tpu.memory_space<semaphore_mem>>) src(%dma_wait3A_50 : memref<128xi32, #tpu.memory_space<hbm>>) dst(%arg9 : memref<128xi32, #tpu.memory_space<vmem>>)
    %dma_wait3A_51 = arith.constant 0 : i32
    %dma_wait3A_52 = tpu.memref_slice %arg4[%dma_wait3A_51] : memref<320000xi32, #tpu.memory_space<hbm>> -> memref<128xi32, #tpu.memory_space<hbm>>
    %dma_wait3A_53 = arith.constant 0 : i32
    %dma_wait3A_54 = tpu.memref_slice %arg4[%dma_wait3A_53] : memref<320000xi32, #tpu.memory_space<hbm>> -> memref<128xi32, #tpu.memory_space<hbm>>
    tpu.wait_dma2 semaphore(%arg21 : memref<!tpu.dma_semaphore, #tpu.memory_space<semaphore_mem>>) src(%dma_wait3A_54 : memref<128xi32, #tpu.memory_space<hbm>>) dst(%arg10 : memref<128xi32, #tpu.memory_space<vmem>>)
    %dma_start3A_55 = arith.constant 0 : i32
    %dma_start3A_56 = arith.constant 0 : i32
    %dma_start3A_57 = tpu.memref_slice %arg2[%dma_start3A_55, %dma_start3A_56] : memref<10000x128xf32, #tpu.memory_space<hbm>> -> memref<10000x128xf32, #tpu.memory_space<hbm>>
    tpu.enqueue_indirect_dma source(%dma_start3A_57 : memref<10000x128xf32, #tpu.memory_space<hbm>>) target(%arg18 : memref<128x128xf32, #tpu.memory_space<vmem>>) offsets(%arg9 : memref<128xi32, #tpu.memory_space<vmem>>) semaphore(%arg25 : memref<!tpu.dma_semaphore, #tpu.memory_space<semaphore_mem>>)
    %min3A_58 = arith.constant 3 : i32
    %min3A_59 = arith.constant 77 : i32
    %min3A_60 = arith.minsi %min3A_58, %min3A_59 : i32
    %mul3A_61 = arith.constant 128 : i32
    %mul3A_62 = arith.muli %min3A_60, %mul3A_61 : i32
    %add3A_63 = arith.addi %mul3A_8, %mul3A_62 : i32
    %dma_start3A_64 = tpu.memref_slice %arg3[%add3A_63] : memref<320000xi32, #tpu.memory_space<hbm>> -> memref<128xi32, #tpu.memory_space<hbm>>
    %dma_start3A_65 = tpu.memref_slice %arg3[%add3A_63] : memref<320000xi32, #tpu.memory_space<hbm>> -> memref<128xi32, #tpu.memory_space<hbm>>
    tpu.enqueue_dma source(%dma_start3A_65 : memref<128xi32, #tpu.memory_space<hbm>>) target(%arg13 : memref<128xi32, #tpu.memory_space<vmem>>) target_semaphore(%arg23 : memref<!tpu.dma_semaphore, #tpu.memory_space<semaphore_mem>>)
    %dma_start3A_66 = tpu.memref_slice %arg4[%add3A_63] : memref<320000xi32, #tpu.memory_space<hbm>> -> memref<128xi32, #tpu.memory_space<hbm>>
    %dma_start3A_67 = tpu.memref_slice %arg4[%add3A_63] : memref<320000xi32, #tpu.memory_space<hbm>> -> memref<128xi32, #tpu.memory_space<hbm>>
    tpu.enqueue_dma source(%dma_start3A_67 : memref<128xi32, #tpu.memory_space<hbm>>) target(%arg14 : memref<128xi32, #tpu.memory_space<vmem>>) target_semaphore(%arg23 : memref<!tpu.dma_semaphore, #tpu.memory_space<semaphore_mem>>)
    %scan3A = arith.constant 0 : i32
    %scan3A_68 = arith.constant 0 : i32
    %scan3A_69 = arith.constant 104 : i32
    %scan3A_70 = arith.addi %scan3A_68, %scan3A_69 : i32
    %scan3A_71 = arith.constant 1 : i32
    scf.for %scan3A_165 = %scan3A_68 to %scan3A_70 step %scan3A_71  : i32 {
      %broadcast_in_dim3A = arith.constant 0.000000e+00 : f32
      %broadcast_in_dim3A_166 = vector.broadcast %broadcast_in_dim3A : f32 to vector<16xf32>
      %swap3A = arith.index_cast %scan3A_165 : i32 to index
      %swap3A_167 = arith.constant 0 : index
      %swap3A_168 = tpu.vector_load %arg19[%swap3A, %swap3A_167] {strides = array<i32>} : memref<104x128xf32, #tpu.memory_space<vmem>>, vector<1x16xf32>,
      %swap3A_169 = vector.shape_cast %swap3A_168 : vector<1x16xf32> to vector<16xf32>
      %swap3A_170 = vector.shape_cast %broadcast_in_dim3A_166 : vector<16xf32> to vector<1x16xf32>
      tpu.vector_store %arg19[%swap3A, %swap3A_167], %swap3A_170 {strides = array<i32>} : memref<104x128xf32, #tpu.memory_space<vmem>>, vector<1x16xf32>,
      %broadcast_in_dim3A_171 = arith.constant 0.000000e+00 : f32
      %broadcast_in_dim3A_172 = vector.broadcast %broadcast_in_dim3A_171 : f32 to vector<16xf32>
      %swap3A_173 = arith.index_cast %scan3A_165 : i32 to index
      %swap3A_174 = arith.constant 16 : index
      %swap3A_175 = tpu.vector_load %arg19[%swap3A_173, %swap3A_174] {strides = array<i32>} : memref<104x128xf32, #tpu.memory_space<vmem>>, vector<1x16xf32>,
      %swap3A_176 = vector.shape_cast %swap3A_175 : vector<1x16xf32> to vector<16xf32>
      %swap3A_177 = vector.shape_cast %broadcast_in_dim3A_172 : vector<16xf32> to vector<1x16xf32>
      tpu.vector_store %arg19[%swap3A_173, %swap3A_174], %swap3A_177 {strides = array<i32>} : memref<104x128xf32, #tpu.memory_space<vmem>>, vector<1x16xf32>,
      %broadcast_in_dim3A_178 = arith.constant 0.000000e+00 : f32
      %broadcast_in_dim3A_179 = vector.broadcast %broadcast_in_dim3A_178 : f32 to vector<16xf32>
      %swap3A_180 = arith.index_cast %scan3A_165 : i32 to index
      %swap3A_181 = arith.constant 32 : index
      %swap3A_182 = tpu.vector_load %arg19[%swap3A_180, %swap3A_181] {strides = array<i32>} : memref<104x128xf32, #tpu.memory_space<vmem>>, vector<1x16xf32>,
      %swap3A_183 = vector.shape_cast %swap3A_182 : vector<1x16xf32> to vector<16xf32>
      %swap3A_184 = vector.shape_cast %broadcast_in_dim3A_179 : vector<16xf32> to vector<1x16xf32>
      tpu.vector_store %arg19[%swap3A_180, %swap3A_181], %swap3A_184 {strides = array<i32>} : memref<104x128xf32, #tpu.memory_space<vmem>>, vector<1x16xf32>,
      %broadcast_in_dim3A_185 = arith.constant 0.000000e+00 : f32
      %broadcast_in_dim3A_186 = vector.broadcast %broadcast_in_dim3A_185 : f32 to vector<16xf32>
      %swap3A_187 = arith.index_cast %scan3A_165 : i32 to index
      %swap3A_188 = arith.constant 48 : index
      %swap3A_189 = tpu.vector_load %arg19[%swap3A_187, %swap3A_188] {strides = array<i32>} : memref<104x128xf32, #tpu.memory_space<vmem>>, vector<1x16xf32>,
      %swap3A_190 = vector.shape_cast %swap3A_189 : vector<1x16xf32> to vector<16xf32>
      %swap3A_191 = vector.shape_cast %broadcast_in_dim3A_186 : vector<16xf32> to vector<1x16xf32>
      tpu.vector_store %arg19[%swap3A_187, %swap3A_188], %swap3A_191 {strides = array<i32>} : memref<104x128xf32, #tpu.memory_space<vmem>>, vector<1x16xf32>,
      %broadcast_in_dim3A_192 = arith.constant 0.000000e+00 : f32
      %broadcast_in_dim3A_193 = vector.broadcast %broadcast_in_dim3A_192 : f32 to vector<16xf32>
      %swap3A_194 = arith.index_cast %scan3A_165 : i32 to index
      %swap3A_195 = arith.constant 64 : index
      %swap3A_196 = tpu.vector_load %arg19[%swap3A_194, %swap3A_195] {strides = array<i32>} : memref<104x128xf32, #tpu.memory_space<vmem>>, vector<1x16xf32>,
      %swap3A_197 = vector.shape_cast %swap3A_196 : vector<1x16xf32> to vector<16xf32>
      %swap3A_198 = vector.shape_cast %broadcast_in_dim3A_193 : vector<16xf32> to vector<1x16xf32>
      tpu.vector_store %arg19[%swap3A_194, %swap3A_195], %swap3A_198 {strides = array<i32>} : memref<104x128xf32, #tpu.memory_space<vmem>>, vector<1x16xf32>,
      %broadcast_in_dim3A_199 = arith.constant 0.000000e+00 : f32
      %broadcast_in_dim3A_200 = vector.broadcast %broadcast_in_dim3A_199 : f32 to vector<16xf32>
      %swap3A_201 = arith.index_cast %scan3A_165 : i32 to index
      %swap3A_202 = arith.constant 80 : index
      %swap3A_203 = tpu.vector_load %arg19[%swap3A_201, %swap3A_202] {strides = array<i32>} : memref<104x128xf32, #tpu.memory_space<vmem>>, vector<1x16xf32>,
      %swap3A_204 = vector.shape_cast %swap3A_203 : vector<1x16xf32> to vector<16xf32>
      %swap3A_205 = vector.shape_cast %broadcast_in_dim3A_200 : vector<16xf32> to vector<1x16xf32>
      tpu.vector_store %arg19[%swap3A_201, %swap3A_202], %swap3A_205 {strides = array<i32>} : memref<104x128xf32, #tpu.memory_space<vmem>>, vector<1x16xf32>,
      %broadcast_in_dim3A_206 = arith.constant 0.000000e+00 : f32
      %broadcast_in_dim3A_207 = vector.broadcast %broadcast_in_dim3A_206 : f32 to vector<16xf32>
      %swap3A_208 = arith.index_cast %scan3A_165 : i32 to index
      %swap3A_209 = arith.constant 96 : index
      %swap3A_210 = tpu.vector_load %arg19[%swap3A_208, %swap3A_209] {strides = array<i32>} : memref<104x128xf32, #tpu.memory_space<vmem>>, vector<1x16xf32>,
      %swap3A_211 = vector.shape_cast %swap3A_210 : vector<1x16xf32> to vector<16xf32>
      %swap3A_212 = vector.shape_cast %broadcast_in_dim3A_207 : vector<16xf32> to vector<1x16xf32>
      tpu.vector_store %arg19[%swap3A_208, %swap3A_209], %swap3A_212 {strides = array<i32>} : memref<104x128xf32, #tpu.memory_space<vmem>>, vector<1x16xf32>,
      %broadcast_in_dim3A_213 = arith.constant 0.000000e+00 : f32
      %broadcast_in_dim3A_214 = vector.broadcast %broadcast_in_dim3A_213 : f32 to vector<16xf32>
      %swap3A_215 = arith.index_cast %scan3A_165 : i32 to index
      %swap3A_216 = arith.constant 112 : index
      %swap3A_217 = tpu.vector_load %arg19[%swap3A_215, %swap3A_216] {strides = array<i32>} : memref<104x128xf32, #tpu.memory_space<vmem>>, vector<1x16xf32>,
      %swap3A_218 = vector.shape_cast %swap3A_217 : vector<1x16xf32> to vector<16xf32>
      %swap3A_219 = vector.shape_cast %broadcast_in_dim3A_214 : vector<16xf32> to vector<1x16xf32>
      tpu.vector_store %arg19[%swap3A_215, %swap3A_216], %swap3A_219 {strides = array<i32>} : memref<104x128xf32, #tpu.memory_space<vmem>>, vector<1x16xf32>,
    }
    %scan3A_72 = arith.constant 104 : i32
    %scan3A_73 = arith.constant 0 : i32
    %scan3A_74 = arith.constant 0 : i32
    %scan3A_75 = arith.constant 6 : i32
    %scan3A_76 = arith.addi %scan3A_74, %scan3A_75 : i32
    %scan3A_77 = arith.constant 1 : i32
    scf.for %scan3A_165 = %scan3A_74 to %scan3A_76 step %scan3A_77  : i32 {
      %mul3A_166 = arith.constant 104 : i32
      %mul3A_167 = arith.muli %scan3A_165, %mul3A_166 : i32
      %add3A_168 = arith.addi %mul3A_0, %mul3A_167 : i32
      "tpu.region"() ({
        %run_scoped3A = tpu.sem_alloc : memref<!tpu.dma_semaphore, #tpu.memory_space<semaphore_mem>>
        %dma_start3A_169 = arith.constant 0 : i32
        %dma_start3A_170 = tpu.memref_slice %arg6[%add3A_168, %dma_start3A_169] : memref<10000x128xf32, #tpu.memory_space<vmem_shared>> -> memref<104x128xf32, #tpu.memory_space<vmem_shared>>
        %dma_start3A_171 = arith.constant 0 : i32
        %dma_start3A_172 = tpu.memref_slice %arg6[%add3A_168, %dma_start3A_171] : memref<10000x128xf32, #tpu.memory_space<vmem_shared>> -> memref<104x128xf32, #tpu.memory_space<vmem_shared>>
        tpu.enqueue_dma source(%arg19 : memref<104x128xf32, #tpu.memory_space<vmem>>) target(%dma_start3A_172 : memref<104x128xf32, #tpu.memory_space<vmem_shared>>) target_semaphore(%run_scoped3A : memref<!tpu.dma_semaphore, #tpu.memory_space<semaphore_mem>>)
        %dma_wait3A_173 = arith.constant 0 : i32
        %dma_wait3A_174 = tpu.memref_slice %arg6[%add3A_168, %dma_wait3A_173] : memref<10000x128xf32, #tpu.memory_space<vmem_shared>> -> memref<104x128xf32, #tpu.memory_space<vmem_shared>>
        %dma_wait3A_175 = arith.constant 0 : i32
        %dma_wait3A_176 = tpu.memref_slice %arg6[%add3A_168, %dma_wait3A_175] : memref<10000x128xf32, #tpu.memory_space<vmem_shared>> -> memref<104x128xf32, #tpu.memory_space<vmem_shared>>
        tpu.wait_dma2 semaphore(%run_scoped3A : memref<!tpu.dma_semaphore, #tpu.memory_space<semaphore_mem>>) src(%arg19 : memref<104x128xf32, #tpu.memory_space<vmem>>) dst(%dma_wait3A_176 : memref<104x128xf32, #tpu.memory_space<vmem_shared>>)
        tpu.yield
      }) : () -> ()
    }
    %scan3A_78 = arith.constant 6 : i32
    %lt3A = arith.constant 2 : i32
    %lt3A_79 = arith.cmpi slt, %arg1, %lt3A : i32
    %convert_element_type3A = arith.extui %lt3A_79 : i1 to i32
    %cond3A = arith.constant 0 : i32
    %cond3A_80 = arith.cmpi ne, %convert_element_type3A, %cond3A : i32
    scf.if %cond3A_80 {
      "tpu.region"() ({
        %run_scoped3A = tpu.sem_alloc : memref<!tpu.dma_semaphore, #tpu.memory_space<semaphore_mem>>
        %dma_start3A_165 = arith.constant 0 : i32
        %dma_start3A_166 = arith.constant 0 : i32
        %dma_start3A_167 = tpu.memref_slice %arg19[%dma_start3A_165, %dma_start3A_166] : memref<104x128xf32, #tpu.memory_space<vmem>> -> memref<8x128xf32, #tpu.memory_space<vmem>>
        %dma_start3A_168 = arith.constant 0 : i32
        %dma_start3A_169 = tpu.memref_slice %arg6[%add3A_3, %dma_start3A_168] : memref<10000x128xf32, #tpu.memory_space<vmem_shared>> -> memref<8x128xf32, #tpu.memory_space<vmem_shared>>
        %dma_start3A_170 = arith.constant 0 : i32
        %dma_start3A_171 = tpu.memref_slice %arg6[%add3A_3, %dma_start3A_170] : memref<10000x128xf32, #tpu.memory_space<vmem_shared>> -> memref<8x128xf32, #tpu.memory_space<vmem_shared>>
        %dma_start3A_172 = arith.constant 0 : i32
        %dma_start3A_173 = arith.constant 0 : i32
        %dma_start3A_174 = tpu.memref_slice %arg19[%dma_start3A_172, %dma_start3A_173] : memref<104x128xf32, #tpu.memory_space<vmem>> -> memref<8x128xf32, #tpu.memory_space<vmem>>
        tpu.enqueue_dma source(%dma_start3A_174 : memref<8x128xf32, #tpu.memory_space<vmem>>) target(%dma_start3A_171 : memref<8x128xf32, #tpu.memory_space<vmem_shared>>) target_semaphore(%run_scoped3A : memref<!tpu.dma_semaphore, #tpu.memory_space<semaphore_mem>>)
        %dma_wait3A_175 = arith.constant 0 : i32
        %dma_wait3A_176 = arith.constant 0 : i32
        %dma_wait3A_177 = tpu.memref_slice %arg19[%dma_wait3A_175, %dma_wait3A_176] : memref<104x128xf32, #tpu.memory_space<vmem>> -> memref<8x128xf32, #tpu.memory_space<vmem>>
        %dma_wait3A_178 = arith.constant 0 : i32
        %dma_wait3A_179 = tpu.memref_slice %arg6[%add3A_3, %dma_wait3A_178] : memref<10000x128xf32, #tpu.memory_space<vmem_shared>> -> memref<8x128xf32, #tpu.memory_space<vmem_shared>>
        %dma_wait3A_180 = arith.constant 0 : i32
        %dma_wait3A_181 = tpu.memref_slice %arg6[%add3A_3, %dma_wait3A_180] : memref<10000x128xf32, #tpu.memory_space<vmem_shared>> -> memref<8x128xf32, #tpu.memory_space<vmem_shared>>
        %dma_wait3A_182 = arith.constant 0 : i32
        %dma_wait3A_183 = arith.constant 0 : i32
        %dma_wait3A_184 = tpu.memref_slice %arg19[%dma_wait3A_182, %dma_wait3A_183] : memref<104x128xf32, #tpu.memory_space<vmem>> -> memref<8x128xf32, #tpu.memory_space<vmem>>
        tpu.wait_dma2 semaphore(%run_scoped3A : memref<!tpu.dma_semaphore, #tpu.memory_space<semaphore_mem>>) src(%dma_wait3A_184 : memref<8x128xf32, #tpu.memory_space<vmem>>) dst(%dma_wait3A_181 : memref<8x128xf32, #tpu.memory_space<vmem_shared>>)
        tpu.yield
      }) : () -> ()
    } else {
    }
    %barrier3A = arith.constant 0 : index
    tpu.barrier barrier_id(%barrier3A)
    %dma_wait3A_81 = arith.constant 0 : i32
    %dma_wait3A_82 = arith.constant 0 : i32
    %dma_wait3A_83 = tpu.memref_slice %arg2[%dma_wait3A_81, %dma_wait3A_82] : memref<10000x128xf32, #tpu.memory_space<hbm>> -> memref<10000x128xf32, #tpu.memory_space<hbm>>
    tpu.wait_indirect_dma semaphore(%arg24 : memref<!tpu.dma_semaphore, #tpu.memory_space<semaphore_mem>>) src(%dma_wait3A_83 : memref<10000x128xf32, #tpu.memory_space<hbm>>) dst(%arg17 : memref<128x128xf32, #tpu.memory_space<vmem>>)
    %dma_start3A_84 = arith.constant 0 : i32
    %dma_start3A_85 = arith.constant 0 : i32
    %dma_start3A_86 = tpu.memref_slice %arg6[%dma_start3A_84, %dma_start3A_85] : memref<10000x128xf32, #tpu.memory_space<vmem_shared>> -> memref<10000x128xf32, #tpu.memory_space<vmem_shared>>
    tpu.enqueue_indirect_dma source(%arg17 : memref<128x128xf32, #tpu.memory_space<vmem>>) target(%dma_start3A_86 : memref<10000x128xf32, #tpu.memory_space<vmem_shared>>) offsets(%arg8 : memref<128xi32, #tpu.memory_space<vmem>>) semaphore(%arg26 : memref<!tpu.dma_semaphore, #tpu.memory_space<semaphore_mem>>) {add = true}
    %dma_wait3A_87 = arith.constant 0 : i32
    %dma_wait3A_88 = tpu.memref_slice %arg3[%dma_wait3A_87] : memref<320000xi32, #tpu.memory_space<hbm>> -> memref<128xi32, #tpu.memory_space<hbm>>
    %dma_wait3A_89 = arith.constant 0 : i32
    %dma_wait3A_90 = tpu.memref_slice %arg3[%dma_wait3A_89] : memref<320000xi32, #tpu.memory_space<hbm>> -> memref<128xi32, #tpu.memory_space<hbm>>
    tpu.wait_dma2 semaphore(%arg22 : memref<!tpu.dma_semaphore, #tpu.memory_space<semaphore_mem>>) src(%dma_wait3A_90 : memref<128xi32, #tpu.memory_space<hbm>>) dst(%arg11 : memref<128xi32, #tpu.memory_space<vmem>>)
    %dma_wait3A_91 = arith.constant 0 : i32
    %dma_wait3A_92 = tpu.memref_slice %arg4[%dma_wait3A_91] : memref<320000xi32, #tpu.memory_space<hbm>> -> memref<128xi32, #tpu.memory_space<hbm>>
    %dma_wait3A_93 = arith.constant 0 : i32
    %dma_wait3A_94 = tpu.memref_slice %arg4[%dma_wait3A_93] : memref<320000xi32, #tpu.memory_space<hbm>> -> memref<128xi32, #tpu.memory_space<hbm>>
    tpu.wait_dma2 semaphore(%arg22 : memref<!tpu.dma_semaphore, #tpu.memory_space<semaphore_mem>>) src(%dma_wait3A_94 : memref<128xi32, #tpu.memory_space<hbm>>) dst(%arg12 : memref<128xi32, #tpu.memory_space<vmem>>)
    %dma_wait3A_95 = arith.constant 0 : i32
    %dma_wait3A_96 = arith.constant 0 : i32
    %dma_wait3A_97 = tpu.memref_slice %arg6[%dma_wait3A_95, %dma_wait3A_96] : memref<10000x128xf32, #tpu.memory_space<vmem_shared>> -> memref<10000x128xf32, #tpu.memory_space<vmem_shared>>
    tpu.wait_indirect_dma semaphore(%arg26 : memref<!tpu.dma_semaphore, #tpu.memory_space<semaphore_mem>>) src(%arg17 : memref<128x128xf32, #tpu.memory_space<vmem>>) dst(%dma_wait3A_97 : memref<10000x128xf32, #tpu.memory_space<vmem_shared>>)
    %dma_start3A_98 = arith.constant 0 : i32
    %dma_start3A_99 = arith.constant 0 : i32
    %dma_start3A_100 = tpu.memref_slice %arg2[%dma_start3A_98, %dma_start3A_99] : memref<10000x128xf32, #tpu.memory_space<hbm>> -> memref<10000x128xf32, #tpu.memory_space<hbm>>
    tpu.enqueue_indirect_dma source(%dma_start3A_100 : memref<10000x128xf32, #tpu.memory_space<hbm>>) target(%arg17 : memref<128x128xf32, #tpu.memory_space<vmem>>) offsets(%arg11 : memref<128xi32, #tpu.memory_space<vmem>>) semaphore(%arg24 : memref<!tpu.dma_semaphore, #tpu.memory_space<semaphore_mem>>)
    %min3A_101 = arith.constant 4 : i32
    %min3A_102 = arith.constant 77 : i32
    %min3A_103 = arith.minsi %min3A_101, %min3A_102 : i32
    %mul3A_104 = arith.constant 128 : i32
    %mul3A_105 = arith.muli %min3A_103, %mul3A_104 : i32
    %add3A_106 = arith.addi %mul3A_8, %mul3A_105 : i32
    %dma_start3A_107 = tpu.memref_slice %arg3[%add3A_106] : memref<320000xi32, #tpu.memory_space<hbm>> -> memref<128xi32, #tpu.memory_space<hbm>>
    %dma_start3A_108 = tpu.memref_slice %arg3[%add3A_106] : memref<320000xi32, #tpu.memory_space<hbm>> -> memref<128xi32, #tpu.memory_space<hbm>>
    tpu.enqueue_dma source(%dma_start3A_108 : memref<128xi32, #tpu.memory_space<hbm>>) target(%arg7 : memref<128xi32, #tpu.memory_space<vmem>>) target_semaphore(%arg20 : memref<!tpu.dma_semaphore, #tpu.memory_space<semaphore_mem>>)
    %dma_start3A_109 = tpu.memref_slice %arg4[%add3A_106] : memref<320000xi32, #tpu.memory_space<hbm>> -> memref<128xi32, #tpu.memory_space<hbm>>
    %dma_start3A_110 = tpu.memref_slice %arg4[%add3A_106] : memref<320000xi32, #tpu.memory_space<hbm>> -> memref<128xi32, #tpu.memory_space<hbm>>
    tpu.enqueue_dma source(%dma_start3A_110 : memref<128xi32, #tpu.memory_space<hbm>>) target(%arg8 : memref<128xi32, #tpu.memory_space<vmem>>) target_semaphore(%arg20 : memref<!tpu.dma_semaphore, #tpu.memory_space<semaphore_mem>>)
    %dma_wait3A_111 = arith.constant 0 : i32
    %dma_wait3A_112 = arith.constant 0 : i32
    %dma_wait3A_113 = tpu.memref_slice %arg2[%dma_wait3A_111, %dma_wait3A_112] : memref<10000x128xf32, #tpu.memory_space<hbm>> -> memref<10000x128xf32, #tpu.memory_space<hbm>>
    tpu.wait_indirect_dma semaphore(%arg25 : memref<!tpu.dma_semaphore, #tpu.memory_space<semaphore_mem>>) src(%dma_wait3A_113 : memref<10000x128xf32, #tpu.memory_space<hbm>>) dst(%arg18 : memref<128x128xf32, #tpu.memory_space<vmem>>)
    %dma_start3A_114 = arith.constant 0 : i32
    %dma_start3A_115 = arith.constant 0 : i32
    %dma_start3A_116 = tpu.memref_slice %arg6[%dma_start3A_114, %dma_start3A_115] : memref<10000x128xf32, #tpu.memory_space<vmem_shared>> -> memref<10000x128xf32, #tpu.memory_space<vmem_shared>>
    tpu.enqueue_indirect_dma source(%arg18 : memref<128x128xf32, #tpu.memory_space<vmem>>) target(%dma_start3A_116 : memref<10000x128xf32, #tpu.memory_space<vmem_shared>>) offsets(%arg10 : memref<128xi32, #tpu.memory_space<vmem>>) semaphore(%arg27 : memref<!tpu.dma_semaphore, #tpu.memory_space<semaphore_mem>>) {add = true}
    %scan3A_117 = arith.constant 0 : i32
    %scan3A_118 = arith.constant 0 : i32
    %scan3A_119 = arith.constant 19 : i32
    %scan3A_120 = arith.addi %scan3A_118, %scan3A_119 : i32
    %scan3A_121 = arith.constant 1 : i32
    scf.for %scan3A_165 = %scan3A_118 to %scan3A_120 step %scan3A_121  : i32 {
      %mul3A_166 = arith.constant 4 : i32
      %mul3A_167 = arith.muli %mul3A_166, %scan3A_165 : i32
      %add3A_168 = arith.constant 2 : i32
      %add3A_169 = arith.addi %mul3A_167, %add3A_168 : i32
      %dma_wait3A_170 = arith.constant 0 : i32
      %dma_wait3A_171 = tpu.memref_slice %arg3[%dma_wait3A_170] : memref<320000xi32, #tpu.memory_space<hbm>> -> memref<128xi32, #tpu.memory_space<hbm>>
      %dma_wait3A_172 = arith.constant 0 : i32
      %dma_wait3A_173 = tpu.memref_slice %arg3[%dma_wait3A_172] : memref<320000xi32, #tpu.memory_space<hbm>> -> memref<128xi32, #tpu.memory_space<hbm>>
      tpu.wait_dma2 semaphore(%arg23 : memref<!tpu.dma_semaphore, #tpu.memory_space<semaphore_mem>>) src(%dma_wait3A_173 : memref<128xi32, #tpu.memory_space<hbm>>) dst(%arg13 : memref<128xi32, #tpu.memory_space<vmem>>)
      %dma_wait3A_174 = arith.constant 0 : i32
      %dma_wait3A_175 = tpu.memref_slice %arg4[%dma_wait3A_174] : memref<320000xi32, #tpu.memory_space<hbm>> -> memref<128xi32, #tpu.memory_space<hbm>>
      %dma_wait3A_176 = arith.constant 0 : i32
      %dma_wait3A_177 = tpu.memref_slice %arg4[%dma_wait3A_176] : memref<320000xi32, #tpu.memory_space<hbm>> -> memref<128xi32, #tpu.memory_space<hbm>>
      tpu.wait_dma2 semaphore(%arg23 : memref<!tpu.dma_semaphore, #tpu.memory_space<semaphore_mem>>) src(%dma_wait3A_177 : memref<128xi32, #tpu.memory_space<hbm>>) dst(%arg14 : memref<128xi32, #tpu.memory_space<vmem>>)
      %dma_wait3A_178 = arith.constant 0 : i32
      %dma_wait3A_179 = arith.constant 0 : i32
      %dma_wait3A_180 = tpu.memref_slice %arg6[%dma_wait3A_178, %dma_wait3A_179] : memref<10000x128xf32, #tpu.memory_space<vmem_shared>> -> memref<10000x128xf32, #tpu.memory_space<vmem_shared>>
      tpu.wait_indirect_dma semaphore(%arg27 : memref<!tpu.dma_semaphore, #tpu.memory_space<semaphore_mem>>) src(%arg18 : memref<128x128xf32, #tpu.memory_space<vmem>>) dst(%dma_wait3A_180 : memref<10000x128xf32, #tpu.memory_space<vmem_shared>>)
      %dma_start3A_181 = arith.constant 0 : i32
      %dma_start3A_182 = arith.constant 0 : i32
      %dma_start3A_183 = tpu.memref_slice %arg2[%dma_start3A_181, %dma_start3A_182] : memref<10000x128xf32, #tpu.memory_space<hbm>> -> memref<10000x128xf32, #tpu.memory_space<hbm>>
      tpu.enqueue_indirect_dma source(%dma_start3A_183 : memref<10000x128xf32, #tpu.memory_space<hbm>>) target(%arg18 : memref<128x128xf32, #tpu.memory_space<vmem>>) offsets(%arg13 : memref<128xi32, #tpu.memory_space<vmem>>) semaphore(%arg25 : memref<!tpu.dma_semaphore, #tpu.memory_space<semaphore_mem>>)
      %add3A_184 = arith.constant 3 : i32
      %add3A_185 = arith.addi %add3A_169, %add3A_184 : i32
      %min3A_186 = arith.constant 77 : i32
      %min3A_187 = arith.minsi %add3A_185, %min3A_186 : i32
      %mul3A_188 = arith.constant 128 : i32
      %mul3A_189 = arith.muli %min3A_187, %mul3A_188 : i32
      %add3A_190 = arith.addi %mul3A_8, %mul3A_189 : i32
      %dma_start3A_191 = tpu.memref_slice %arg3[%add3A_190] : memref<320000xi32, #tpu.memory_space<hbm>> -> memref<128xi32, #tpu.memory_space<hbm>>
      %dma_start3A_192 = tpu.memref_slice %arg3[%add3A_190] : memref<320000xi32, #tpu.memory_space<hbm>> -> memref<128xi32, #tpu.memory_space<hbm>>
      tpu.enqueue_dma source(%dma_start3A_192 : memref<128xi32, #tpu.memory_space<hbm>>) target(%arg9 : memref<128xi32, #tpu.memory_space<vmem>>) target_semaphore(%arg21 : memref<!tpu.dma_semaphore, #tpu.memory_space<semaphore_mem>>)
      %dma_start3A_193 = tpu.memref_slice %arg4[%add3A_190] : memref<320000xi32, #tpu.memory_space<hbm>> -> memref<128xi32, #tpu.memory_space<hbm>>
      %dma_start3A_194 = tpu.memref_slice %arg4[%add3A_190] : memref<320000xi32, #tpu.memory_space<hbm>> -> memref<128xi32, #tpu.memory_space<hbm>>
      tpu.enqueue_dma source(%dma_start3A_194 : memref<128xi32, #tpu.memory_space<hbm>>) target(%arg10 : memref<128xi32, #tpu.memory_space<vmem>>) target_semaphore(%arg21 : memref<!tpu.dma_semaphore, #tpu.memory_space<semaphore_mem>>)
      %dma_wait3A_195 = arith.constant 0 : i32
      %dma_wait3A_196 = arith.constant 0 : i32
      %dma_wait3A_197 = tpu.memref_slice %arg2[%dma_wait3A_195, %dma_wait3A_196] : memref<10000x128xf32, #tpu.memory_space<hbm>> -> memref<10000x128xf32, #tpu.memory_space<hbm>>
      tpu.wait_indirect_dma semaphore(%arg24 : memref<!tpu.dma_semaphore, #tpu.memory_space<semaphore_mem>>) src(%dma_wait3A_197 : memref<10000x128xf32, #tpu.memory_space<hbm>>) dst(%arg17 : memref<128x128xf32, #tpu.memory_space<vmem>>)
      %dma_start3A_198 = arith.constant 0 : i32
      %dma_start3A_199 = arith.constant 0 : i32
      %dma_start3A_200 = tpu.memref_slice %arg6[%dma_start3A_198, %dma_start3A_199] : memref<10000x128xf32, #tpu.memory_space<vmem_shared>> -> memref<10000x128xf32, #tpu.memory_space<vmem_shared>>
      tpu.enqueue_indirect_dma source(%arg17 : memref<128x128xf32, #tpu.memory_space<vmem>>) target(%dma_start3A_200 : memref<10000x128xf32, #tpu.memory_space<vmem_shared>>) offsets(%arg12 : memref<128xi32, #tpu.memory_space<vmem>>) semaphore(%arg26 : memref<!tpu.dma_semaphore, #tpu.memory_space<semaphore_mem>>) {add = true}
      %add3A_201 = arith.constant 1 : i32
      %add3A_202 = arith.addi %add3A_169, %add3A_201 : i32
      %dma_wait3A_203 = arith.constant 0 : i32
      %dma_wait3A_204 = tpu.memref_slice %arg3[%dma_wait3A_203] : memref<320000xi32, #tpu.memory_space<hbm>> -> memref<128xi32, #tpu.memory_space<hbm>>
      %dma_wait3A_205 = arith.constant 0 : i32
      %dma_wait3A_206 = tpu.memref_slice %arg3[%dma_wait3A_205] : memref<320000xi32, #tpu.memory_space<hbm>> -> memref<128xi32, #tpu.memory_space<hbm>>
      tpu.wait_dma2 semaphore(%arg20 : memref<!tpu.dma_semaphore, #tpu.memory_space<semaphore_mem>>) src(%dma_wait3A_206 : memref<128xi32, #tpu.memory_space<hbm>>) dst(%arg7 : memref<128xi32, #tpu.memory_space<vmem>>)
      %dma_wait3A_207 = arith.constant 0 : i32
      %dma_wait3A_208 = tpu.memref_slice %arg4[%dma_wait3A_207] : memref<320000xi32, #tpu.memory_space<hbm>> -> memref<128xi32, #tpu.memory_space<hbm>>
      %dma_wait3A_209 = arith.constant 0 : i32
      %dma_wait3A_210 = tpu.memref_slice %arg4[%dma_wait3A_209] : memref<320000xi32, #tpu.memory_space<hbm>> -> memref<128xi32, #tpu.memory_space<hbm>>
      tpu.wait_dma2 semaphore(%arg20 : memref<!tpu.dma_semaphore, #tpu.memory_space<semaphore_mem>>) src(%dma_wait3A_210 : memref<128xi32, #tpu.memory_space<hbm>>) dst(%arg8 : memref<128xi32, #tpu.memory_space<vmem>>)
      %dma_wait3A_211 = arith.constant 0 : i32
      %dma_wait3A_212 = arith.constant 0 : i32
      %dma_wait3A_213 = tpu.memref_slice %arg6[%dma_wait3A_211, %dma_wait3A_212] : memref<10000x128xf32, #tpu.memory_space<vmem_shared>> -> memref<10000x128xf32, #tpu.memory_space<vmem_shared>>
      tpu.wait_indirect_dma semaphore(%arg26 : memref<!tpu.dma_semaphore, #tpu.memory_space<semaphore_mem>>) src(%arg17 : memref<128x128xf32, #tpu.memory_space<vmem>>) dst(%dma_wait3A_213 : memref<10000x128xf32, #tpu.memory_space<vmem_shared>>)
      %dma_start3A_214 = arith.constant 0 : i32
      %dma_start3A_215 = arith.constant 0 : i32
      %dma_start3A_216 = tpu.memref_slice %arg2[%dma_start3A_214, %dma_start3A_215] : memref<10000x128xf32, #tpu.memory_space<hbm>> -> memref<10000x128xf32, #tpu.memory_space<hbm>>
      tpu.enqueue_indirect_dma source(%dma_start3A_216 : memref<10000x128xf32, #tpu.memory_space<hbm>>) target(%arg17 : memref<128x128xf32, #tpu.memory_space<vmem>>) offsets(%arg7 : memref<128xi32, #tpu.memory_space<vmem>>) semaphore(%arg24 : memref<!tpu.dma_semaphore, #tpu.memory_space<semaphore_mem>>)
      %add3A_217 = arith.constant 3 : i32
      %add3A_218 = arith.addi %add3A_202, %add3A_217 : i32
      %min3A_219 = arith.constant 77 : i32
      %min3A_220 = arith.minsi %add3A_218, %min3A_219 : i32
      %mul3A_221 = arith.constant 128 : i32
      %mul3A_222 = arith.muli %min3A_220, %mul3A_221 : i32
      %add3A_223 = arith.addi %mul3A_8, %mul3A_222 : i32
      %dma_start3A_224 = tpu.memref_slice %arg3[%add3A_223] : memref<320000xi32, #tpu.memory_space<hbm>> -> memref<128xi32, #tpu.memory_space<hbm>>
      %dma_start3A_225 = tpu.memref_slice %arg3[%add3A_223] : memref<320000xi32, #tpu.memory_space<hbm>> -> memref<128xi32, #tpu.memory_space<hbm>>
      tpu.enqueue_dma source(%dma_start3A_225 : memref<128xi32, #tpu.memory_space<hbm>>) target(%arg11 : memref<128xi32, #tpu.memory_space<vmem>>) target_semaphore(%arg22 : memref<!tpu.dma_semaphore, #tpu.memory_space<semaphore_mem>>)
      %dma_start3A_226 = tpu.memref_slice %arg4[%add3A_223] : memref<320000xi32, #tpu.memory_space<hbm>> -> memref<128xi32, #tpu.memory_space<hbm>>
      %dma_start3A_227 = tpu.memref_slice %arg4[%add3A_223] : memref<320000xi32, #tpu.memory_space<hbm>> -> memref<128xi32, #tpu.memory_space<hbm>>
      tpu.enqueue_dma source(%dma_start3A_227 : memref<128xi32, #tpu.memory_space<hbm>>) target(%arg12 : memref<128xi32, #tpu.memory_space<vmem>>) target_semaphore(%arg22 : memref<!tpu.dma_semaphore, #tpu.memory_space<semaphore_mem>>)
      %dma_wait3A_228 = arith.constant 0 : i32
      %dma_wait3A_229 = arith.constant 0 : i32
      %dma_wait3A_230 = tpu.memref_slice %arg2[%dma_wait3A_228, %dma_wait3A_229] : memref<10000x128xf32, #tpu.memory_space<hbm>> -> memref<10000x128xf32, #tpu.memory_space<hbm>>
      tpu.wait_indirect_dma semaphore(%arg25 : memref<!tpu.dma_semaphore, #tpu.memory_space<semaphore_mem>>) src(%dma_wait3A_230 : memref<10000x128xf32, #tpu.memory_space<hbm>>) dst(%arg18 : memref<128x128xf32, #tpu.memory_space<vmem>>)
      %dma_start3A_231 = arith.constant 0 : i32
      %dma_start3A_232 = arith.constant 0 : i32
      %dma_start3A_233 = tpu.memref_slice %arg6[%dma_start3A_231, %dma_start3A_232] : memref<10000x128xf32, #tpu.memory_space<vmem_shared>> -> memref<10000x128xf32, #tpu.memory_space<vmem_shared>>
      tpu.enqueue_indirect_dma source(%arg18 : memref<128x128xf32, #tpu.memory_space<vmem>>) target(%dma_start3A_233 : memref<10000x128xf32, #tpu.memory_space<vmem_shared>>) offsets(%arg14 : memref<128xi32, #tpu.memory_space<vmem>>) semaphore(%arg27 : memref<!tpu.dma_semaphore, #tpu.memory_space<semaphore_mem>>) {add = true}
      %add3A_234 = arith.constant 2 : i32
      %add3A_235 = arith.addi %add3A_169, %add3A_234 : i32
      %dma_wait3A_236 = arith.constant 0 : i32
      %dma_wait3A_237 = tpu.memref_slice %arg3[%dma_wait3A_236] : memref<320000xi32, #tpu.memory_space<hbm>> -> memref<128xi32, #tpu.memory_space<hbm>>
      %dma_wait3A_238 = arith.constant 0 : i32
      %dma_wait3A_239 = tpu.memref_slice %arg3[%dma_wait3A_238] : memref<320000xi32, #tpu.memory_space<hbm>> -> memref<128xi32, #tpu.memory_space<hbm>>
      tpu.wait_dma2 semaphore(%arg21 : memref<!tpu.dma_semaphore, #tpu.memory_space<semaphore_mem>>) src(%dma_wait3A_239 : memref<128xi32, #tpu.memory_space<hbm>>) dst(%arg9 : memref<128xi32, #tpu.memory_space<vmem>>)
      %dma_wait3A_240 = arith.constant 0 : i32
      %dma_wait3A_241 = tpu.memref_slice %arg4[%dma_wait3A_240] : memref<320000xi32, #tpu.memory_space<hbm>> -> memref<128xi32, #tpu.memory_space<hbm>>
      %dma_wait3A_242 = arith.constant 0 : i32
      %dma_wait3A_243 = tpu.memref_slice %arg4[%dma_wait3A_242] : memref<320000xi32, #tpu.memory_space<hbm>> -> memref<128xi32, #tpu.memory_space<hbm>>
      tpu.wait_dma2 semaphore(%arg21 : memref<!tpu.dma_semaphore, #tpu.memory_space<semaphore_mem>>) src(%dma_wait3A_243 : memref<128xi32, #tpu.memory_space<hbm>>) dst(%arg10 : memref<128xi32, #tpu.memory_space<vmem>>)
      %dma_wait3A_244 = arith.constant 0 : i32
      %dma_wait3A_245 = arith.constant 0 : i32
      %dma_wait3A_246 = tpu.memref_slice %arg6[%dma_wait3A_244, %dma_wait3A_245] : memref<10000x128xf32, #tpu.memory_space<vmem_shared>> -> memref<10000x128xf32, #tpu.memory_space<vmem_shared>>
      tpu.wait_indirect_dma semaphore(%arg27 : memref<!tpu.dma_semaphore, #tpu.memory_space<semaphore_mem>>) src(%arg18 : memref<128x128xf32, #tpu.memory_space<vmem>>) dst(%dma_wait3A_246 : memref<10000x128xf32, #tpu.memory_space<vmem_shared>>)
      %dma_start3A_247 = arith.constant 0 : i32
      %dma_start3A_248 = arith.constant 0 : i32
      %dma_start3A_249 = tpu.memref_slice %arg2[%dma_start3A_247, %dma_start3A_248] : memref<10000x128xf32, #tpu.memory_space<hbm>> -> memref<10000x128xf32, #tpu.memory_space<hbm>>
      tpu.enqueue_indirect_dma source(%dma_start3A_249 : memref<10000x128xf32, #tpu.memory_space<hbm>>) target(%arg18 : memref<128x128xf32, #tpu.memory_space<vmem>>) offsets(%arg9 : memref<128xi32, #tpu.memory_space<vmem>>) semaphore(%arg25 : memref<!tpu.dma_semaphore, #tpu.memory_space<semaphore_mem>>)
      %add3A_250 = arith.constant 3 : i32
      %add3A_251 = arith.addi %add3A_235, %add3A_250 : i32
      %min3A_252 = arith.constant 77 : i32
      %min3A_253 = arith.minsi %add3A_251, %min3A_252 : i32
      %mul3A_254 = arith.constant 128 : i32
      %mul3A_255 = arith.muli %min3A_253, %mul3A_254 : i32
      %add3A_256 = arith.addi %mul3A_8, %mul3A_255 : i32
      %dma_start3A_257 = tpu.memref_slice %arg3[%add3A_256] : memref<320000xi32, #tpu.memory_space<hbm>> -> memref<128xi32, #tpu.memory_space<hbm>>
      %dma_start3A_258 = tpu.memref_slice %arg3[%add3A_256] : memref<320000xi32, #tpu.memory_space<hbm>> -> memref<128xi32, #tpu.memory_space<hbm>>
      tpu.enqueue_dma source(%dma_start3A_258 : memref<128xi32, #tpu.memory_space<hbm>>) target(%arg13 : memref<128xi32, #tpu.memory_space<vmem>>) target_semaphore(%arg23 : memref<!tpu.dma_semaphore, #tpu.memory_space<semaphore_mem>>)
      %dma_start3A_259 = tpu.memref_slice %arg4[%add3A_256] : memref<320000xi32, #tpu.memory_space<hbm>> -> memref<128xi32, #tpu.memory_space<hbm>>
      %dma_start3A_260 = tpu.memref_slice %arg4[%add3A_256] : memref<320000xi32, #tpu.memory_space<hbm>> -> memref<128xi32, #tpu.memory_space<hbm>>
      tpu.enqueue_dma source(%dma_start3A_260 : memref<128xi32, #tpu.memory_space<hbm>>) target(%arg14 : memref<128xi32, #tpu.memory_space<vmem>>) target_semaphore(%arg23 : memref<!tpu.dma_semaphore, #tpu.memory_space<semaphore_mem>>)
      %dma_wait3A_261 = arith.constant 0 : i32
      %dma_wait3A_262 = arith.constant 0 : i32
      %dma_wait3A_263 = tpu.memref_slice %arg2[%dma_wait3A_261, %dma_wait3A_262] : memref<10000x128xf32, #tpu.memory_space<hbm>> -> memref<10000x128xf32, #tpu.memory_space<hbm>>
      tpu.wait_indirect_dma semaphore(%arg24 : memref<!tpu.dma_semaphore, #tpu.memory_space<semaphore_mem>>) src(%dma_wait3A_263 : memref<10000x128xf32, #tpu.memory_space<hbm>>) dst(%arg17 : memref<128x128xf32, #tpu.memory_space<vmem>>)
      %dma_start3A_264 = arith.constant 0 : i32
      %dma_start3A_265 = arith.constant 0 : i32
      %dma_start3A_266 = tpu.memref_slice %arg6[%dma_start3A_264, %dma_start3A_265] : memref<10000x128xf32, #tpu.memory_space<vmem_shared>> -> memref<10000x128xf32, #tpu.memory_space<vmem_shared>>
      tpu.enqueue_indirect_dma source(%arg17 : memref<128x128xf32, #tpu.memory_space<vmem>>) target(%dma_start3A_266 : memref<10000x128xf32, #tpu.memory_space<vmem_shared>>) offsets(%arg8 : memref<128xi32, #tpu.memory_space<vmem>>) semaphore(%arg26 : memref<!tpu.dma_semaphore, #tpu.memory_space<semaphore_mem>>) {add = true}
      %add3A_267 = arith.constant 3 : i32
      %add3A_268 = arith.addi %add3A_169, %add3A_267 : i32
      %dma_wait3A_269 = arith.constant 0 : i32
      %dma_wait3A_270 = tpu.memref_slice %arg3[%dma_wait3A_269] : memref<320000xi32, #tpu.memory_space<hbm>> -> memref<128xi32, #tpu.memory_space<hbm>>
      %dma_wait3A_271 = arith.constant 0 : i32
      %dma_wait3A_272 = tpu.memref_slice %arg3[%dma_wait3A_271] : memref<320000xi32, #tpu.memory_space<hbm>> -> memref<128xi32, #tpu.memory_space<hbm>>
      tpu.wait_dma2 semaphore(%arg22 : memref<!tpu.dma_semaphore, #tpu.memory_space<semaphore_mem>>) src(%dma_wait3A_272 : memref<128xi32, #tpu.memory_space<hbm>>) dst(%arg11 : memref<128xi32, #tpu.memory_space<vmem>>)
      %dma_wait3A_273 = arith.constant 0 : i32
      %dma_wait3A_274 = tpu.memref_slice %arg4[%dma_wait3A_273] : memref<320000xi32, #tpu.memory_space<hbm>> -> memref<128xi32, #tpu.memory_space<hbm>>
      %dma_wait3A_275 = arith.constant 0 : i32
      %dma_wait3A_276 = tpu.memref_slice %arg4[%dma_wait3A_275] : memref<320000xi32, #tpu.memory_space<hbm>> -> memref<128xi32, #tpu.memory_space<hbm>>
      tpu.wait_dma2 semaphore(%arg22 : memref<!tpu.dma_semaphore, #tpu.memory_space<semaphore_mem>>) src(%dma_wait3A_276 : memref<128xi32, #tpu.memory_space<hbm>>) dst(%arg12 : memref<128xi32, #tpu.memory_space<vmem>>)
      %dma_wait3A_277 = arith.constant 0 : i32
      %dma_wait3A_278 = arith.constant 0 : i32
      %dma_wait3A_279 = tpu.memref_slice %arg6[%dma_wait3A_277, %dma_wait3A_278] : memref<10000x128xf32, #tpu.memory_space<vmem_shared>> -> memref<10000x128xf32, #tpu.memory_space<vmem_shared>>
      tpu.wait_indirect_dma semaphore(%arg26 : memref<!tpu.dma_semaphore, #tpu.memory_space<semaphore_mem>>) src(%arg17 : memref<128x128xf32, #tpu.memory_space<vmem>>) dst(%dma_wait3A_279 : memref<10000x128xf32, #tpu.memory_space<vmem_shared>>)
      %dma_start3A_280 = arith.constant 0 : i32
      %dma_start3A_281 = arith.constant 0 : i32
      %dma_start3A_282 = tpu.memref_slice %arg2[%dma_start3A_280, %dma_start3A_281] : memref<10000x128xf32, #tpu.memory_space<hbm>> -> memref<10000x128xf32, #tpu.memory_space<hbm>>
      tpu.enqueue_indirect_dma source(%dma_start3A_282 : memref<10000x128xf32, #tpu.memory_space<hbm>>) target(%arg17 : memref<128x128xf32, #tpu.memory_space<vmem>>) offsets(%arg11 : memref<128xi32, #tpu.memory_space<vmem>>) semaphore(%arg24 : memref<!tpu.dma_semaphore, #tpu.memory_space<semaphore_mem>>)
      %add3A_283 = arith.constant 3 : i32
      %add3A_284 = arith.addi %add3A_268, %add3A_283 : i32
      %min3A_285 = arith.constant 77 : i32
      %min3A_286 = arith.minsi %add3A_284, %min3A_285 : i32
      %mul3A_287 = arith.constant 128 : i32
      %mul3A_288 = arith.muli %min3A_286, %mul3A_287 : i32
      %add3A_289 = arith.addi %mul3A_8, %mul3A_288 : i32
      %dma_start3A_290 = tpu.memref_slice %arg3[%add3A_289] : memref<320000xi32, #tpu.memory_space<hbm>> -> memref<128xi32, #tpu.memory_space<hbm>>
      %dma_start3A_291 = tpu.memref_slice %arg3[%add3A_289] : memref<320000xi32, #tpu.memory_space<hbm>> -> memref<128xi32, #tpu.memory_space<hbm>>
      tpu.enqueue_dma source(%dma_start3A_291 : memref<128xi32, #tpu.memory_space<hbm>>) target(%arg7 : memref<128xi32, #tpu.memory_space<vmem>>) target_semaphore(%arg20 : memref<!tpu.dma_semaphore, #tpu.memory_space<semaphore_mem>>)
      %dma_start3A_292 = tpu.memref_slice %arg4[%add3A_289] : memref<320000xi32, #tpu.memory_space<hbm>> -> memref<128xi32, #tpu.memory_space<hbm>>
      %dma_start3A_293 = tpu.memref_slice %arg4[%add3A_289] : memref<320000xi32, #tpu.memory_space<hbm>> -> memref<128xi32, #tpu.memory_space<hbm>>
      tpu.enqueue_dma source(%dma_start3A_293 : memref<128xi32, #tpu.memory_space<hbm>>) target(%arg8 : memref<128xi32, #tpu.memory_space<vmem>>) target_semaphore(%arg20 : memref<!tpu.dma_semaphore, #tpu.memory_space<semaphore_mem>>)
      %dma_wait3A_294 = arith.constant 0 : i32
      %dma_wait3A_295 = arith.constant 0 : i32
      %dma_wait3A_296 = tpu.memref_slice %arg2[%dma_wait3A_294, %dma_wait3A_295] : memref<10000x128xf32, #tpu.memory_space<hbm>> -> memref<10000x128xf32, #tpu.memory_space<hbm>>
      tpu.wait_indirect_dma semaphore(%arg25 : memref<!tpu.dma_semaphore, #tpu.memory_space<semaphore_mem>>) src(%dma_wait3A_296 : memref<10000x128xf32, #tpu.memory_space<hbm>>) dst(%arg18 : memref<128x128xf32, #tpu.memory_space<vmem>>)
      %dma_start3A_297 = arith.constant 0 : i32
      %dma_start3A_298 = arith.constant 0 : i32
      %dma_start3A_299 = tpu.memref_slice %arg6[%dma_start3A_297, %dma_start3A_298] : memref<10000x128xf32, #tpu.memory_space<vmem_shared>> -> memref<10000x128xf32, #tpu.memory_space<vmem_shared>>
      tpu.enqueue_indirect_dma source(%arg18 : memref<128x128xf32, #tpu.memory_space<vmem>>) target(%dma_start3A_299 : memref<10000x128xf32, #tpu.memory_space<vmem_shared>>) offsets(%arg10 : memref<128xi32, #tpu.memory_space<vmem>>) semaphore(%arg27 : memref<!tpu.dma_semaphore, #tpu.memory_space<semaphore_mem>>) {add = true}
    }
    %scan3A_122 = arith.constant 19 : i32
    %dma_wait3A_123 = arith.constant 0 : i32
    %dma_wait3A_124 = tpu.memref_slice %arg3[%dma_wait3A_123] : memref<320000xi32, #tpu.memory_space<hbm>> -> memref<128xi32, #tpu.memory_space<hbm>>
    %dma_wait3A_125 = arith.constant 0 : i32
    %dma_wait3A_126 = tpu.memref_slice %arg3[%dma_wait3A_125] : memref<320000xi32, #tpu.memory_space<hbm>> -> memref<128xi32, #tpu.memory_space<hbm>>
    tpu.wait_dma2 semaphore(%arg23 : memref<!tpu.dma_semaphore, #tpu.memory_space<semaphore_mem>>) src(%dma_wait3A_126 : memref<128xi32, #tpu.memory_space<hbm>>) dst(%arg13 : memref<128xi32, #tpu.memory_space<vmem>>)
    %dma_wait3A_127 = arith.constant 0 : i32
    %dma_wait3A_128 = tpu.memref_slice %arg4[%dma_wait3A_127] : memref<320000xi32, #tpu.memory_space<hbm>> -> memref<128xi32, #tpu.memory_space<hbm>>
    %dma_wait3A_129 = arith.constant 0 : i32
    %dma_wait3A_130 = tpu.memref_slice %arg4[%dma_wait3A_129] : memref<320000xi32, #tpu.memory_space<hbm>> -> memref<128xi32, #tpu.memory_space<hbm>>
    tpu.wait_dma2 semaphore(%arg23 : memref<!tpu.dma_semaphore, #tpu.memory_space<semaphore_mem>>) src(%dma_wait3A_130 : memref<128xi32, #tpu.memory_space<hbm>>) dst(%arg14 : memref<128xi32, #tpu.memory_space<vmem>>)
    %dma_wait3A_131 = arith.constant 0 : i32
    %dma_wait3A_132 = tpu.memref_slice %arg3[%dma_wait3A_131] : memref<320000xi32, #tpu.memory_space<hbm>> -> memref<128xi32, #tpu.memory_space<hbm>>
    %dma_wait3A_133 = arith.constant 0 : i32
    %dma_wait3A_134 = tpu.memref_slice %arg3[%dma_wait3A_133] : memref<320000xi32, #tpu.memory_space<hbm>> -> memref<128xi32, #tpu.memory_space<hbm>>
    tpu.wait_dma2 semaphore(%arg20 : memref<!tpu.dma_semaphore, #tpu.memory_space<semaphore_mem>>) src(%dma_wait3A_134 : memref<128xi32, #tpu.memory_space<hbm>>) dst(%arg7 : memref<128xi32, #tpu.memory_space<vmem>>)
    %dma_wait3A_135 = arith.constant 0 : i32
    %dma_wait3A_136 = tpu.memref_slice %arg4[%dma_wait3A_135] : memref<320000xi32, #tpu.memory_space<hbm>> -> memref<128xi32, #tpu.memory_space<hbm>>
    %dma_wait3A_137 = arith.constant 0 : i32
    %dma_wait3A_138 = tpu.memref_slice %arg4[%dma_wait3A_137] : memref<320000xi32, #tpu.memory_space<hbm>> -> memref<128xi32, #tpu.memory_space<hbm>>
    tpu.wait_dma2 semaphore(%arg20 : memref<!tpu.dma_semaphore, #tpu.memory_space<semaphore_mem>>) src(%dma_wait3A_138 : memref<128xi32, #tpu.memory_space<hbm>>) dst(%arg8 : memref<128xi32, #tpu.memory_space<vmem>>)
    %dma_wait3A_139 = arith.constant 0 : i32
    %dma_wait3A_140 = arith.constant 0 : i32
    %dma_wait3A_141 = tpu.memref_slice %arg2[%dma_wait3A_139, %dma_wait3A_140] : memref<10000x128xf32, #tpu.memory_space<hbm>> -> memref<10000x128xf32, #tpu.memory_space<hbm>>
    tpu.wait_indirect_dma semaphore(%arg24 : memref<!tpu.dma_semaphore, #tpu.memory_space<semaphore_mem>>) src(%dma_wait3A_141 : memref<10000x128xf32, #tpu.memory_space<hbm>>) dst(%arg17 : memref<128x128xf32, #tpu.memory_space<vmem>>)
    %dma_wait3A_142 = arith.constant 0 : i32
    %dma_wait3A_143 = arith.constant 0 : i32
    %dma_wait3A_144 = tpu.memref_slice %arg6[%dma_wait3A_142, %dma_wait3A_143] : memref<10000x128xf32, #tpu.memory_space<vmem_shared>> -> memref<10000x128xf32, #tpu.memory_space<vmem_shared>>
    tpu.wait_indirect_dma semaphore(%arg27 : memref<!tpu.dma_semaphore, #tpu.memory_space<semaphore_mem>>) src(%arg18 : memref<128x128xf32, #tpu.memory_space<vmem>>) dst(%dma_wait3A_144 : memref<10000x128xf32, #tpu.memory_space<vmem_shared>>)
    %add3A_145 = arith.constant 9984 : i32
    %add3A_146 = arith.addi %mul3A_8, %add3A_145 : i32
    "tpu.region"() ({
      %run_scoped3A = tpu.sem_alloc : memref<!tpu.dma_semaphore, #tpu.memory_space<semaphore_mem>>
      %dma_start3A_165 = tpu.memref_slice %arg3[%add3A_146] : memref<320000xi32, #tpu.memory_space<hbm>> -> memref<16xi32, #tpu.memory_space<hbm>>
      %dma_start3A_166 = tpu.memref_slice %arg3[%add3A_146] : memref<320000xi32, #tpu.memory_space<hbm>> -> memref<16xi32, #tpu.memory_space<hbm>>
      tpu.enqueue_dma source(%dma_start3A_166 : memref<16xi32, #tpu.memory_space<hbm>>) target(%arg15 : memref<16xi32, #tpu.memory_space<vmem>>) target_semaphore(%run_scoped3A : memref<!tpu.dma_semaphore, #tpu.memory_space<semaphore_mem>>)
      %dma_wait3A_167 = tpu.memref_slice %arg3[%add3A_146] : memref<320000xi32, #tpu.memory_space<hbm>> -> memref<16xi32, #tpu.memory_space<hbm>>
      %dma_wait3A_168 = tpu.memref_slice %arg3[%add3A_146] : memref<320000xi32, #tpu.memory_space<hbm>> -> memref<16xi32, #tpu.memory_space<hbm>>
      tpu.wait_dma2 semaphore(%run_scoped3A : memref<!tpu.dma_semaphore, #tpu.memory_space<semaphore_mem>>) src(%dma_wait3A_168 : memref<16xi32, #tpu.memory_space<hbm>>) dst(%arg15 : memref<16xi32, #tpu.memory_space<vmem>>)
      tpu.yield
    }) : () -> ()
    "tpu.region"() ({
      %run_scoped3A = tpu.sem_alloc : memref<!tpu.dma_semaphore, #tpu.memory_space<semaphore_mem>>
      %dma_start3A_165 = tpu.memref_slice %arg4[%add3A_146] : memref<320000xi32, #tpu.memory_space<hbm>> -> memref<16xi32, #tpu.memory_space<hbm>>
      %dma_start3A_166 = tpu.memref_slice %arg4[%add3A_146] : memref<320000xi32, #tpu.memory_space<hbm>> -> memref<16xi32, #tpu.memory_space<hbm>>
      tpu.enqueue_dma source(%dma_start3A_166 : memref<16xi32, #tpu.memory_space<hbm>>) target(%arg16 : memref<16xi32, #tpu.memory_space<vmem>>) target_semaphore(%run_scoped3A : memref<!tpu.dma_semaphore, #tpu.memory_space<semaphore_mem>>)
      %dma_wait3A_167 = tpu.memref_slice %arg4[%add3A_146] : memref<320000xi32, #tpu.memory_space<hbm>> -> memref<16xi32, #tpu.memory_space<hbm>>
      %dma_wait3A_168 = tpu.memref_slice %arg4[%add3A_146] : memref<320000xi32, #tpu.memory_space<hbm>> -> memref<16xi32, #tpu.memory_space<hbm>>
      tpu.wait_dma2 semaphore(%run_scoped3A : memref<!tpu.dma_semaphore, #tpu.memory_space<semaphore_mem>>) src(%dma_wait3A_168 : memref<16xi32, #tpu.memory_space<hbm>>) dst(%arg16 : memref<16xi32, #tpu.memory_space<vmem>>)
      tpu.yield
    }) : () -> ()
    %dma_start3A_147 = arith.constant 0 : i32
    %dma_start3A_148 = arith.constant 0 : i32
    %dma_start3A_149 = tpu.memref_slice %arg17[%dma_start3A_147, %dma_start3A_148] : memref<128x128xf32, #tpu.memory_space<vmem>> -> memref<16x128xf32, #tpu.memory_space<vmem>>
    %dma_start3A_150 = arith.constant 0 : i32
    %dma_start3A_151 = arith.constant 0 : i32
    %dma_start3A_152 = tpu.memref_slice %arg2[%dma_start3A_150, %dma_start3A_151] : memref<10000x128xf32, #tpu.memory_space<hbm>> -> memref<10000x128xf32, #tpu.memory_space<hbm>>
    tpu.enqueue_indirect_dma source(%dma_start3A_152 : memref<10000x128xf32, #tpu.memory_space<hbm>>) target(%dma_start3A_149 : memref<16x128xf32, #tpu.memory_space<vmem>>) offsets(%arg15 : memref<16xi32, #tpu.memory_space<vmem>>) semaphore(%arg24 : memref<!tpu.dma_semaphore, #tpu.memory_space<semaphore_mem>>)
    %dma_wait3A_153 = arith.constant 0 : i32
    %dma_wait3A_154 = arith.constant 0 : i32
    %dma_wait3A_155 = tpu.memref_slice %arg17[%dma_wait3A_153, %dma_wait3A_154] : memref<128x128xf32, #tpu.memory_space<vmem>> -> memref<16x128xf32, #tpu.memory_space<vmem>>
    %dma_wait3A_156 = arith.constant 0 : i32
    %dma_wait3A_157 = arith.constant 0 : i32
    %dma_wait3A_158 = tpu.memref_slice %arg2[%dma_wait3A_156, %dma_wait3A_157] : memref<10000x128xf32, #tpu.memory_space<hbm>> -> memref<10000x128xf32, #tpu.memory_space<hbm>>
    tpu.wait_indirect_dma semaphore(%arg24 : memref<!tpu.dma_semaphore, #tpu.memory_space<semaphore_mem>>) src(%dma_wait3A_158 : memref<10000x128xf32, #tpu.memory_space<hbm>>) dst(%dma_wait3A_155 : memref<16x128xf32, #tpu.memory_space<vmem>>)
    "tpu.region"() ({
      %run_scoped3A = tpu.sem_alloc : memref<!tpu.dma_semaphore, #tpu.memory_space<semaphore_mem>>
      %dma_start3A_165 = arith.constant 0 : i32
      %dma_start3A_166 = arith.constant 0 : i32
      %dma_start3A_167 = tpu.memref_slice %arg17[%dma_start3A_165, %dma_start3A_166] : memref<128x128xf32, #tpu.memory_space<vmem>> -> memref<16x128xf32, #tpu.memory_space<vmem>>
      %dma_start3A_168 = arith.constant 0 : i32
      %dma_start3A_169 = arith.constant 0 : i32
      %dma_start3A_170 = tpu.memref_slice %arg6[%dma_start3A_168, %dma_start3A_169] : memref<10000x128xf32, #tpu.memory_space<vmem_shared>> -> memref<10000x128xf32, #tpu.memory_space<vmem_shared>>
      tpu.enqueue_indirect_dma source(%dma_start3A_167 : memref<16x128xf32, #tpu.memory_space<vmem>>) target(%dma_start3A_170 : memref<10000x128xf32, #tpu.memory_space<vmem_shared>>) offsets(%arg16 : memref<16xi32, #tpu.memory_space<vmem>>) semaphore(%run_scoped3A : memref<!tpu.dma_semaphore, #tpu.memory_space<semaphore_mem>>) {add = true}
      %dma_wait3A_171 = arith.constant 0 : i32
      %dma_wait3A_172 = arith.constant 0 : i32
      %dma_wait3A_173 = tpu.memref_slice %arg17[%dma_wait3A_171, %dma_wait3A_172] : memref<128x128xf32, #tpu.memory_space<vmem>> -> memref<16x128xf32, #tpu.memory_space<vmem>>
      %dma_wait3A_174 = arith.constant 0 : i32
      %dma_wait3A_175 = arith.constant 0 : i32
      %dma_wait3A_176 = tpu.memref_slice %arg6[%dma_wait3A_174, %dma_wait3A_175] : memref<10000x128xf32, #tpu.memory_space<vmem_shared>> -> memref<10000x128xf32, #tpu.memory_space<vmem_shared>>
      tpu.wait_indirect_dma semaphore(%run_scoped3A : memref<!tpu.dma_semaphore, #tpu.memory_space<semaphore_mem>>) src(%dma_wait3A_173 : memref<16x128xf32, #tpu.memory_space<vmem>>) dst(%dma_wait3A_176 : memref<10000x128xf32, #tpu.memory_space<vmem_shared>>)
      tpu.yield
    }) : () -> ()
    %barrier3A_159 = arith.constant 0 : index
    tpu.barrier barrier_id(%barrier3A_159)
    "tpu.region"() ({
      %run_scoped3A = tpu.sem_alloc : memref<!tpu.dma_semaphore, #tpu.memory_space<semaphore_mem>>
      %dma_start3A_165 = arith.constant 0 : i32
      %dma_start3A_166 = tpu.memref_slice %arg5[%arg0, %mul3A_0, %dma_start3A_165] : memref<2x10000x128xf32, #tpu.memory_space<hbm>> -> memref<1x624x128xf32, #tpu.memory_space<hbm>>
      %dma_start3A_167 = tpu.memref_squeeze %dma_start3A_166 : memref<1x624x128xf32, #tpu.memory_space<hbm>> -> memref<624x128xf32, #tpu.memory_space<hbm>>
      %dma_start3A_168 = arith.constant 0 : i32
      %dma_start3A_169 = tpu.memref_slice %arg6[%mul3A_0, %dma_start3A_168] : memref<10000x128xf32, #tpu.memory_space<vmem_shared>> -> memref<624x128xf32, #tpu.memory_space<vmem_shared>>
      tpu.enqueue_dma source(%dma_start3A_169 : memref<624x128xf32, #tpu.memory_space<vmem_shared>>) target(%dma_start3A_167 : memref<624x128xf32, #tpu.memory_space<hbm>>) target_semaphore(%run_scoped3A : memref<!tpu.dma_semaphore, #tpu.memory_space<semaphore_mem>>)
      %dma_wait3A_170 = arith.constant 0 : i32
      %dma_wait3A_171 = tpu.memref_slice %arg5[%arg0, %mul3A_0, %dma_wait3A_170] : memref<2x10000x128xf32, #tpu.memory_space<hbm>> -> memref<1x624x128xf32, #tpu.memory_space<hbm>>
      %dma_wait3A_172 = tpu.memref_squeeze %dma_wait3A_171 : memref<1x624x128xf32, #tpu.memory_space<hbm>> -> memref<624x128xf32, #tpu.memory_space<hbm>>
      %dma_wait3A_173 = arith.constant 0 : i32
      %dma_wait3A_174 = tpu.memref_slice %arg6[%mul3A_0, %dma_wait3A_173] : memref<10000x128xf32, #tpu.memory_space<vmem_shared>> -> memref<624x128xf32, #tpu.memory_space<vmem_shared>>
      tpu.wait_dma2 semaphore(%run_scoped3A : memref<!tpu.dma_semaphore, #tpu.memory_space<semaphore_mem>>) src(%dma_wait3A_174 : memref<624x128xf32, #tpu.memory_space<vmem_shared>>) dst(%dma_wait3A_172 : memref<624x128xf32, #tpu.memory_space<hbm>>)
      tpu.yield
    }) : () -> ()
    %lt3A_160 = arith.constant 2 : i32
    %lt3A_161 = arith.cmpi slt, %arg1, %lt3A_160 : i32
    %convert_element_type3A_162 = arith.extui %lt3A_161 : i1 to i32
    %cond3A_163 = arith.constant 0 : i32
    %cond3A_164 = arith.cmpi ne, %convert_element_type3A_162, %cond3A_163 : i32
    scf.if %cond3A_164 {
      "tpu.region"() ({
        %run_scoped3A = tpu.sem_alloc : memref<!tpu.dma_semaphore, #tpu.memory_space<semaphore_mem>>
        %dma_start3A_165 = arith.constant 0 : i32
        %dma_start3A_166 = tpu.memref_slice %arg5[%arg0, %add3A_3, %dma_start3A_165] : memref<2x10000x128xf32, #tpu.memory_space<hbm>> -> memref<1x8x128xf32, #tpu.memory_space<hbm>>
        %dma_start3A_167 = tpu.memref_squeeze %dma_start3A_166 : memref<1x8x128xf32, #tpu.memory_space<hbm>> -> memref<8x128xf32, #tpu.memory_space<hbm>>
        %dma_start3A_168 = arith.constant 0 : i32
        %dma_start3A_169 = tpu.memref_slice %arg6[%add3A_3, %dma_start3A_168] : memref<10000x128xf32, #tpu.memory_space<vmem_shared>> -> memref<8x128xf32, #tpu.memory_space<vmem_shared>>
        tpu.enqueue_dma source(%dma_start3A_169 : memref<8x128xf32, #tpu.memory_space<vmem_shared>>) target(%dma_start3A_167 : memref<8x128xf32, #tpu.memory_space<hbm>>) target_semaphore(%run_scoped3A : memref<!tpu.dma_semaphore, #tpu.memory_space<semaphore_mem>>)
        %dma_wait3A_170 = arith.constant 0 : i32
        %dma_wait3A_171 = tpu.memref_slice %arg5[%arg0, %add3A_3, %dma_wait3A_170] : memref<2x10000x128xf32, #tpu.memory_space<hbm>> -> memref<1x8x128xf32, #tpu.memory_space<hbm>>
        %dma_wait3A_172 = tpu.memref_squeeze %dma_wait3A_171 : memref<1x8x128xf32, #tpu.memory_space<hbm>> -> memref<8x128xf32, #tpu.memory_space<hbm>>
        %dma_wait3A_173 = arith.constant 0 : i32
        %dma_wait3A_174 = tpu.memref_slice %arg6[%add3A_3, %dma_wait3A_173] : memref<10000x128xf32, #tpu.memory_space<vmem_shared>> -> memref<8x128xf32, #tpu.memory_space<vmem_shared>>
        tpu.wait_dma2 semaphore(%run_scoped3A : memref<!tpu.dma_semaphore, #tpu.memory_space<semaphore_mem>>) src(%dma_wait3A_174 : memref<8x128xf32, #tpu.memory_space<vmem_shared>>) dst(%dma_wait3A_172 : memref<8x128xf32, #tpu.memory_space<hbm>>)
        tpu.yield
      }) : () -> ()
    } else {
    }
    return
  }
}

#map = affine_map<(d0, d1) -> (0, 0)>
#map1 = affine_map<(d0, d1) -> (0)>
#map2 = affine_map<(d0, d1) -> (0, 0, 0)>
module attributes {stable_mosaic.version = 14 : i64} {
  func.func @_segsum_body(%arg0: i32, %arg1: i32, %arg2: memref<10000x128xf32, #tpu.memory_space<hbm>>, %arg3: memref<320000xi32, #tpu.memory_space<hbm>>, %arg4: memref<320000xi32, #tpu.memory_space<hbm>>, %arg5: memref<2x10000x128xf32, #tpu.memory_space<hbm>>, %arg6: memref<10000x128xf32, #tpu.memory_space<vmem_shared>>, %arg7: memref<128xi32, #tpu.memory_space<vmem>>, %arg8: memref<128xi32, #tpu.memory_space<vmem>>, %arg9: memref<128xi32, #tpu.memory_space<vmem>>, %arg10: memref<128xi32, #tpu.memory_space<vmem>>, %arg11: memref<128xi32, #tpu.memory_space<vmem>>, %arg12: memref<128xi32, #tpu.memory_space<vmem>>, %arg13: memref<128xi32, #tpu.memory_space<vmem>>, %arg14: memref<128xi32, #tpu.memory_space<vmem>>, %arg15: memref<16xi32, #tpu.memory_space<vmem>>, %arg16: memref<16xi32, #tpu.memory_space<vmem>>, %arg17: memref<128x128xf32, #tpu.memory_space<vmem>>, %arg18: memref<128x128xf32, #tpu.memory_space<vmem>>, %arg19: memref<104x128xf32, #tpu.memory_space<vmem>>, %arg20: memref<!tpu.dma_semaphore, #tpu.memory_space<semaphore_mem>>, %arg21: memref<!tpu.dma_semaphore, #tpu.memory_space<semaphore_mem>>, %arg22: memref<!tpu.dma_semaphore, #tpu.memory_space<semaphore_mem>>, %arg23: memref<!tpu.dma_semaphore, #tpu.memory_space<semaphore_mem>>, %arg24: memref<!tpu.dma_semaphore, #tpu.memory_space<semaphore_mem>>, %arg25: memref<!tpu.dma_semaphore, #tpu.memory_space<semaphore_mem>>, %arg26: memref<!tpu.dma_semaphore, #tpu.memory_space<semaphore_mem>>, %arg27: memref<!tpu.dma_semaphore, #tpu.memory_space<semaphore_mem>>) attributes {dimension_semantics = [#tpu.dimension_semantics<core_parallel>, #tpu.dimension_semantics<subcore_parallel>], iteration_bounds = array<i64: 2, 16>, scalar_prefetch = 0 : i64, scratch_operands = 22 : i64, tpu.core_type = #tpu.core_type<sc_vector_subcore>, window_params = [{transform_indices = #map}, {transform_indices = #map1}, {transform_indices = #map1}, {transform_indices = #map2}]} {
    %mul3A = arith.constant 624 : i32
    %mul3A_0 = arith.muli %arg1, %mul3A : i32
    %mul3A_1 = arith.constant 8 : i32
    %mul3A_2 = arith.muli %arg1, %mul3A_1 : i32
    %add3A = arith.constant 9984 : i32
    %add3A_3 = arith.addi %add3A, %mul3A_2 : i32
    %mul3A_4 = arith.constant 16 : i32
    %mul3A_5 = arith.muli %arg0, %mul3A_4 : i32
    %add3A_6 = arith.addi %mul3A_5, %arg1 : i32
    %mul3A_7 = arith.constant 10000 : i32
    %mul3A_8 = arith.muli %add3A_6, %mul3A_7 : i32
    %min3A = arith.constant 0 : i32
    %min3A_9 = arith.constant 77 : i32
    %min3A_10 = arith.minsi %min3A, %min3A_9 : i32
    %mul3A_11 = arith.constant 128 : i32
    %mul3A_12 = arith.muli %min3A_10, %mul3A_11 : i32
    %add3A_13 = arith.addi %mul3A_8, %mul3A_12 : i32
    %dma_start3A = tpu.memref_slice %arg3[%add3A_13] : memref<320000xi32, #tpu.memory_space<hbm>> -> memref<128xi32, #tpu.memory_space<hbm>>
    %dma_start3A_14 = tpu.memref_slice %arg3[%add3A_13] : memref<320000xi32, #tpu.memory_space<hbm>> -> memref<128xi32, #tpu.memory_space<hbm>>
    tpu.enqueue_dma source(%dma_start3A_14 : memref<128xi32, #tpu.memory_space<hbm>>) target(%arg7 : memref<128xi32, #tpu.memory_space<vmem>>) target_semaphore(%arg20 : memref<!tpu.dma_semaphore, #tpu.memory_space<semaphore_mem>>)
    %dma_start3A_15 = tpu.memref_slice %arg4[%add3A_13] : memref<320000xi32, #tpu.memory_space<hbm>> -> memref<128xi32, #tpu.memory_space<hbm>>
    %dma_start3A_16 = tpu.memref_slice %arg4[%add3A_13] : memref<320000xi32, #tpu.memory_space<hbm>> -> memref<128xi32, #tpu.memory_space<hbm>>
    tpu.enqueue_dma source(%dma_start3A_16 : memref<128xi32, #tpu.memory_space<hbm>>) target(%arg8 : memref<128xi32, #tpu.memory_space<vmem>>) target_semaphore(%arg20 : memref<!tpu.dma_semaphore, #tpu.memory_space<semaphore_mem>>)
    %min3A_17 = arith.constant 1 : i32
    %min3A_18 = arith.constant 77 : i32
    %min3A_19 = arith.minsi %min3A_17, %min3A_18 : i32
    %mul3A_20 = arith.constant 128 : i32
    %mul3A_21 = arith.muli %min3A_19, %mul3A_20 : i32
    %add3A_22 = arith.addi %mul3A_8, %mul3A_21 : i32
    %dma_start3A_23 = tpu.memref_slice %arg3[%add3A_22] : memref<320000xi32, #tpu.memory_space<hbm>> -> memref<128xi32, #tpu.memory_space<hbm>>
    %dma_start3A_24 = tpu.memref_slice %arg3[%add3A_22] : memref<320000xi32, #tpu.memory_space<hbm>> -> memref<128xi32, #tpu.memory_space<hbm>>
    tpu.enqueue_dma source(%dma_start3A_24 : memref<128xi32, #tpu.memory_space<hbm>>) target(%arg9 : memref<128xi32, #tpu.memory_space<vmem>>) target_semaphore(%arg21 : memref<!tpu.dma_semaphore, #tpu.memory_space<semaphore_mem>>)
    %dma_start3A_25 = tpu.memref_slice %arg4[%add3A_22] : memref<320000xi32, #tpu.memory_space<hbm>> -> memref<128xi32, #tpu.memory_space<hbm>>
    %dma_start3A_26 = tpu.memref_slice %arg4[%add3A_22] : memref<320000xi32, #tpu.memory_space<hbm>> -> memref<128xi32, #tpu.memory_space<hbm>>
    tpu.enqueue_dma source(%dma_start3A_26 : memref<128xi32, #tpu.memory_space<hbm>>) target(%arg10 : memref<128xi32, #tpu.memory_space<vmem>>) target_semaphore(%arg21 : memref<!tpu.dma_semaphore, #tpu.memory_space<semaphore_mem>>)
    %min3A_27 = arith.constant 2 : i32
    %min3A_28 = arith.constant 77 : i32
    %min3A_29 = arith.minsi %min3A_27, %min3A_28 : i32
    %mul3A_30 = arith.constant 128 : i32
    %mul3A_31 = arith.muli %min3A_29, %mul3A_30 : i32
    %add3A_32 = arith.addi %mul3A_8, %mul3A_31 : i32
    %dma_start3A_33 = tpu.memref_slice %arg3[%add3A_32] : memref<320000xi32, #tpu.memory_space<hbm>> -> memref<128xi32, #tpu.memory_space<hbm>>
    %dma_start3A_34 = tpu.memref_slice %arg3[%add3A_32] : memref<320000xi32, #tpu.memory_space<hbm>> -> memref<128xi32, #tpu.memory_space<hbm>>
    tpu.enqueue_dma source(%dma_start3A_34 : memref<128xi32, #tpu.memory_space<hbm>>) target(%arg11 : memref<128xi32, #tpu.memory_space<vmem>>) target_semaphore(%arg22 : memref<!tpu.dma_semaphore, #tpu.memory_space<semaphore_mem>>)
    %dma_start3A_35 = tpu.memref_slice %arg4[%add3A_32] : memref<320000xi32, #tpu.memory_space<hbm>> -> memref<128xi32, #tpu.memory_space<hbm>>
    %dma_start3A_36 = tpu.memref_slice %arg4[%add3A_32] : memref<320000xi32, #tpu.memory_space<hbm>> -> memref<128xi32, #tpu.memory_space<hbm>>
    tpu.enqueue_dma source(%dma_start3A_36 : memref<128xi32, #tpu.memory_space<hbm>>) target(%arg12 : memref<128xi32, #tpu.memory_space<vmem>>) target_semaphore(%arg22 : memref<!tpu.dma_semaphore, #tpu.memory_space<semaphore_mem>>)
    %dma_wait3A = arith.constant 0 : i32
    %dma_wait3A_37 = tpu.memref_slice %arg3[%dma_wait3A] : memref<320000xi32, #tpu.memory_space<hbm>> -> memref<128xi32, #tpu.memory_space<hbm>>
    %dma_wait3A_38 = arith.constant 0 : i32
    %dma_wait3A_39 = tpu.memref_slice %arg3[%dma_wait3A_38] : memref<320000xi32, #tpu.memory_space<hbm>> -> memref<128xi32, #tpu.memory_space<hbm>>
    tpu.wait_dma2 semaphore(%arg20 : memref<!tpu.dma_semaphore, #tpu.memory_space<semaphore_mem>>) src(%dma_wait3A_39 : memref<128xi32, #tpu.memory_space<hbm>>) dst(%arg7 : memref<128xi32, #tpu.memory_space<vmem>>)
    %dma_wait3A_40 = arith.constant 0 : i32
    %dma_wait3A_41 = tpu.memref_slice %arg4[%dma_wait3A_40] : memref<320000xi32, #tpu.memory_space<hbm>> -> memref<128xi32, #tpu.memory_space<hbm>>
    %dma_wait3A_42 = arith.constant 0 : i32
    %dma_wait3A_43 = tpu.memref_slice %arg4[%dma_wait3A_42] : memref<320000xi32, #tpu.memory_space<hbm>> -> memref<128xi32, #tpu.memory_space<hbm>>
    tpu.wait_dma2 semaphore(%arg20 : memref<!tpu.dma_semaphore, #tpu.memory_space<semaphore_mem>>) src(%dma_wait3A_43 : memref<128xi32, #tpu.memory_space<hbm>>) dst(%arg8 : memref<128xi32, #tpu.memory_space<vmem>>)
    %dma_start3A_44 = arith.constant 0 : i32
    %dma_start3A_45 = arith.constant 0 : i32
    %dma_start3A_46 = tpu.memref_slice %arg2[%dma_start3A_44, %dma_start3A_45] : memref<10000x128xf32, #tpu.memory_space<hbm>> -> memref<10000x128xf32, #tpu.memory_space<hbm>>
    tpu.enqueue_indirect_dma source(%dma_start3A_46 : memref<10000x128xf32, #tpu.memory_space<hbm>>) target(%arg17 : memref<128x128xf32, #tpu.memory_space<vmem>>) offsets(%arg7 : memref<128xi32, #tpu.memory_space<vmem>>) semaphore(%arg24 : memref<!tpu.dma_semaphore, #tpu.memory_space<semaphore_mem>>)
    %dma_wait3A_47 = arith.constant 0 : i32
    %dma_wait3A_48 = tpu.memref_slice %arg3[%dma_wait3A_47] : memref<320000xi32, #tpu.memory_space<hbm>> -> memref<128xi32, #tpu.memory_space<hbm>>
    %dma_wait3A_49 = arith.constant 0 : i32
    %dma_wait3A_50 = tpu.memref_slice %arg3[%dma_wait3A_49] : memref<320000xi32, #tpu.memory_space<hbm>> -> memref<128xi32, #tpu.memory_space<hbm>>
    tpu.wait_dma2 semaphore(%arg21 : memref<!tpu.dma_semaphore, #tpu.memory_space<semaphore_mem>>) src(%dma_wait3A_50 : memref<128xi32, #tpu.memory_space<hbm>>) dst(%arg9 : memref<128xi32, #tpu.memory_space<vmem>>)
    %dma_wait3A_51 = arith.constant 0 : i32
    %dma_wait3A_52 = tpu.memref_slice %arg4[%dma_wait3A_51] : memref<320000xi32, #tpu.memory_space<hbm>> -> memref<128xi32, #tpu.memory_space<hbm>>
    %dma_wait3A_53 = arith.constant 0 : i32
    %dma_wait3A_54 = tpu.memref_slice %arg4[%dma_wait3A_53] : memref<320000xi32, #tpu.memory_space<hbm>> -> memref<128xi32, #tpu.memory_space<hbm>>
    tpu.wait_dma2 semaphore(%arg21 : memref<!tpu.dma_semaphore, #tpu.memory_space<semaphore_mem>>) src(%dma_wait3A_54 : memref<128xi32, #tpu.memory_space<hbm>>) dst(%arg10 : memref<128xi32, #tpu.memory_space<vmem>>)
    %dma_start3A_55 = arith.constant 0 : i32
    %dma_start3A_56 = arith.constant 0 : i32
    %dma_start3A_57 = tpu.memref_slice %arg2[%dma_start3A_55, %dma_start3A_56] : memref<10000x128xf32, #tpu.memory_space<hbm>> -> memref<10000x128xf32, #tpu.memory_space<hbm>>
    tpu.enqueue_indirect_dma source(%dma_start3A_57 : memref<10000x128xf32, #tpu.memory_space<hbm>>) target(%arg18 : memref<128x128xf32, #tpu.memory_space<vmem>>) offsets(%arg9 : memref<128xi32, #tpu.memory_space<vmem>>) semaphore(%arg25 : memref<!tpu.dma_semaphore, #tpu.memory_space<semaphore_mem>>)
    %min3A_58 = arith.constant 3 : i32
    %min3A_59 = arith.constant 77 : i32
    %min3A_60 = arith.minsi %min3A_58, %min3A_59 : i32
    %mul3A_61 = arith.constant 128 : i32
    %mul3A_62 = arith.muli %min3A_60, %mul3A_61 : i32
    %add3A_63 = arith.addi %mul3A_8, %mul3A_62 : i32
    %dma_start3A_64 = tpu.memref_slice %arg3[%add3A_63] : memref<320000xi32, #tpu.memory_space<hbm>> -> memref<128xi32, #tpu.memory_space<hbm>>
    %dma_start3A_65 = tpu.memref_slice %arg3[%add3A_63] : memref<320000xi32, #tpu.memory_space<hbm>> -> memref<128xi32, #tpu.memory_space<hbm>>
    tpu.enqueue_dma source(%dma_start3A_65 : memref<128xi32, #tpu.memory_space<hbm>>) target(%arg13 : memref<128xi32, #tpu.memory_space<vmem>>) target_semaphore(%arg23 : memref<!tpu.dma_semaphore, #tpu.memory_space<semaphore_mem>>)
    %dma_start3A_66 = tpu.memref_slice %arg4[%add3A_63] : memref<320000xi32, #tpu.memory_space<hbm>> -> memref<128xi32, #tpu.memory_space<hbm>>
    %dma_start3A_67 = tpu.memref_slice %arg4[%add3A_63] : memref<320000xi32, #tpu.memory_space<hbm>> -> memref<128xi32, #tpu.memory_space<hbm>>
    tpu.enqueue_dma source(%dma_start3A_67 : memref<128xi32, #tpu.memory_space<hbm>>) target(%arg14 : memref<128xi32, #tpu.memory_space<vmem>>) target_semaphore(%arg23 : memref<!tpu.dma_semaphore, #tpu.memory_space<semaphore_mem>>)
    %scan3A = arith.constant 0 : i32
    %scan3A_68 = arith.constant 0 : i32
    %scan3A_69 = arith.constant 104 : i32
    %scan3A_70 = arith.addi %scan3A_68, %scan3A_69 : i32
    %scan3A_71 = arith.constant 1 : i32
    scf.for %scan3A_165 = %scan3A_68 to %scan3A_70 step %scan3A_71  : i32 {
      %broadcast_in_dim3A = arith.constant 0.000000e+00 : f32
      %broadcast_in_dim3A_166 = vector.broadcast %broadcast_in_dim3A : f32 to vector<16xf32>
      %swap3A = arith.index_cast %scan3A_165 : i32 to index
      %swap3A_167 = arith.constant 0 : index
      %swap3A_168 = tpu.vector_load %arg19[%swap3A, %swap3A_167] {strides = array<i32>} : memref<104x128xf32, #tpu.memory_space<vmem>>, vector<1x16xf32>,
      %swap3A_169 = vector.shape_cast %swap3A_168 : vector<1x16xf32> to vector<16xf32>
      %swap3A_170 = vector.shape_cast %broadcast_in_dim3A_166 : vector<16xf32> to vector<1x16xf32>
      tpu.vector_store %arg19[%swap3A, %swap3A_167], %swap3A_170 {strides = array<i32>} : memref<104x128xf32, #tpu.memory_space<vmem>>, vector<1x16xf32>,
      %broadcast_in_dim3A_171 = arith.constant 0.000000e+00 : f32
      %broadcast_in_dim3A_172 = vector.broadcast %broadcast_in_dim3A_171 : f32 to vector<16xf32>
      %swap3A_173 = arith.index_cast %scan3A_165 : i32 to index
      %swap3A_174 = arith.constant 16 : index
      %swap3A_175 = tpu.vector_load %arg19[%swap3A_173, %swap3A_174] {strides = array<i32>} : memref<104x128xf32, #tpu.memory_space<vmem>>, vector<1x16xf32>,
      %swap3A_176 = vector.shape_cast %swap3A_175 : vector<1x16xf32> to vector<16xf32>
      %swap3A_177 = vector.shape_cast %broadcast_in_dim3A_172 : vector<16xf32> to vector<1x16xf32>
      tpu.vector_store %arg19[%swap3A_173, %swap3A_174], %swap3A_177 {strides = array<i32>} : memref<104x128xf32, #tpu.memory_space<vmem>>, vector<1x16xf32>,
      %broadcast_in_dim3A_178 = arith.constant 0.000000e+00 : f32
      %broadcast_in_dim3A_179 = vector.broadcast %broadcast_in_dim3A_178 : f32 to vector<16xf32>
      %swap3A_180 = arith.index_cast %scan3A_165 : i32 to index
      %swap3A_181 = arith.constant 32 : index
      %swap3A_182 = tpu.vector_load %arg19[%swap3A_180, %swap3A_181] {strides = array<i32>} : memref<104x128xf32, #tpu.memory_space<vmem>>, vector<1x16xf32>,
      %swap3A_183 = vector.shape_cast %swap3A_182 : vector<1x16xf32> to vector<16xf32>
      %swap3A_184 = vector.shape_cast %broadcast_in_dim3A_179 : vector<16xf32> to vector<1x16xf32>
      tpu.vector_store %arg19[%swap3A_180, %swap3A_181], %swap3A_184 {strides = array<i32>} : memref<104x128xf32, #tpu.memory_space<vmem>>, vector<1x16xf32>,
      %broadcast_in_dim3A_185 = arith.constant 0.000000e+00 : f32
      %broadcast_in_dim3A_186 = vector.broadcast %broadcast_in_dim3A_185 : f32 to vector<16xf32>
      %swap3A_187 = arith.index_cast %scan3A_165 : i32 to index
      %swap3A_188 = arith.constant 48 : index
      %swap3A_189 = tpu.vector_load %arg19[%swap3A_187, %swap3A_188] {strides = array<i32>} : memref<104x128xf32, #tpu.memory_space<vmem>>, vector<1x16xf32>,
      %swap3A_190 = vector.shape_cast %swap3A_189 : vector<1x16xf32> to vector<16xf32>
      %swap3A_191 = vector.shape_cast %broadcast_in_dim3A_186 : vector<16xf32> to vector<1x16xf32>
      tpu.vector_store %arg19[%swap3A_187, %swap3A_188], %swap3A_191 {strides = array<i32>} : memref<104x128xf32, #tpu.memory_space<vmem>>, vector<1x16xf32>,
      %broadcast_in_dim3A_192 = arith.constant 0.000000e+00 : f32
      %broadcast_in_dim3A_193 = vector.broadcast %broadcast_in_dim3A_192 : f32 to vector<16xf32>
      %swap3A_194 = arith.index_cast %scan3A_165 : i32 to index
      %swap3A_195 = arith.constant 64 : index
      %swap3A_196 = tpu.vector_load %arg19[%swap3A_194, %swap3A_195] {strides = array<i32>} : memref<104x128xf32, #tpu.memory_space<vmem>>, vector<1x16xf32>,
      %swap3A_197 = vector.shape_cast %swap3A_196 : vector<1x16xf32> to vector<16xf32>
      %swap3A_198 = vector.shape_cast %broadcast_in_dim3A_193 : vector<16xf32> to vector<1x16xf32>
      tpu.vector_store %arg19[%swap3A_194, %swap3A_195], %swap3A_198 {strides = array<i32>} : memref<104x128xf32, #tpu.memory_space<vmem>>, vector<1x16xf32>,
      %broadcast_in_dim3A_199 = arith.constant 0.000000e+00 : f32
      %broadcast_in_dim3A_200 = vector.broadcast %broadcast_in_dim3A_199 : f32 to vector<16xf32>
      %swap3A_201 = arith.index_cast %scan3A_165 : i32 to index
      %swap3A_202 = arith.constant 80 : index
      %swap3A_203 = tpu.vector_load %arg19[%swap3A_201, %swap3A_202] {strides = array<i32>} : memref<104x128xf32, #tpu.memory_space<vmem>>, vector<1x16xf32>,
      %swap3A_204 = vector.shape_cast %swap3A_203 : vector<1x16xf32> to vector<16xf32>
      %swap3A_205 = vector.shape_cast %broadcast_in_dim3A_200 : vector<16xf32> to vector<1x16xf32>
      tpu.vector_store %arg19[%swap3A_201, %swap3A_202], %swap3A_205 {strides = array<i32>} : memref<104x128xf32, #tpu.memory_space<vmem>>, vector<1x16xf32>,
      %broadcast_in_dim3A_206 = arith.constant 0.000000e+00 : f32
      %broadcast_in_dim3A_207 = vector.broadcast %broadcast_in_dim3A_206 : f32 to vector<16xf32>
      %swap3A_208 = arith.index_cast %scan3A_165 : i32 to index
      %swap3A_209 = arith.constant 96 : index
      %swap3A_210 = tpu.vector_load %arg19[%swap3A_208, %swap3A_209] {strides = array<i32>} : memref<104x128xf32, #tpu.memory_space<vmem>>, vector<1x16xf32>,
      %swap3A_211 = vector.shape_cast %swap3A_210 : vector<1x16xf32> to vector<16xf32>
      %swap3A_212 = vector.shape_cast %broadcast_in_dim3A_207 : vector<16xf32> to vector<1x16xf32>
      tpu.vector_store %arg19[%swap3A_208, %swap3A_209], %swap3A_212 {strides = array<i32>} : memref<104x128xf32, #tpu.memory_space<vmem>>, vector<1x16xf32>,
      %broadcast_in_dim3A_213 = arith.constant 0.000000e+00 : f32
      %broadcast_in_dim3A_214 = vector.broadcast %broadcast_in_dim3A_213 : f32 to vector<16xf32>
      %swap3A_215 = arith.index_cast %scan3A_165 : i32 to index
      %swap3A_216 = arith.constant 112 : index
      %swap3A_217 = tpu.vector_load %arg19[%swap3A_215, %swap3A_216] {strides = array<i32>} : memref<104x128xf32, #tpu.memory_space<vmem>>, vector<1x16xf32>,
      %swap3A_218 = vector.shape_cast %swap3A_217 : vector<1x16xf32> to vector<16xf32>
      %swap3A_219 = vector.shape_cast %broadcast_in_dim3A_214 : vector<16xf32> to vector<1x16xf32>
      tpu.vector_store %arg19[%swap3A_215, %swap3A_216], %swap3A_219 {strides = array<i32>} : memref<104x128xf32, #tpu.memory_space<vmem>>, vector<1x16xf32>,
    }
    %scan3A_72 = arith.constant 104 : i32
    %scan3A_73 = arith.constant 0 : i32
    %scan3A_74 = arith.constant 0 : i32
    %scan3A_75 = arith.constant 6 : i32
    %scan3A_76 = arith.addi %scan3A_74, %scan3A_75 : i32
    %scan3A_77 = arith.constant 1 : i32
    scf.for %scan3A_165 = %scan3A_74 to %scan3A_76 step %scan3A_77  : i32 {
      %mul3A_166 = arith.constant 104 : i32
      %mul3A_167 = arith.muli %scan3A_165, %mul3A_166 : i32
      %add3A_168 = arith.addi %mul3A_0, %mul3A_167 : i32
      "tpu.region"() ({
        %run_scoped3A = tpu.sem_alloc : memref<!tpu.dma_semaphore, #tpu.memory_space<semaphore_mem>>
        %dma_start3A_169 = arith.constant 0 : i32
        %dma_start3A_170 = tpu.memref_slice %arg6[%add3A_168, %dma_start3A_169] : memref<10000x128xf32, #tpu.memory_space<vmem_shared>> -> memref<104x128xf32, #tpu.memory_space<vmem_shared>>
        %dma_start3A_171 = arith.constant 0 : i32
        %dma_start3A_172 = tpu.memref_slice %arg6[%add3A_168, %dma_start3A_171] : memref<10000x128xf32, #tpu.memory_space<vmem_shared>> -> memref<104x128xf32, #tpu.memory_space<vmem_shared>>
        tpu.enqueue_dma source(%arg19 : memref<104x128xf32, #tpu.memory_space<vmem>>) target(%dma_start3A_172 : memref<104x128xf32, #tpu.memory_space<vmem_shared>>) target_semaphore(%run_scoped3A : memref<!tpu.dma_semaphore, #tpu.memory_space<semaphore_mem>>)
        %dma_wait3A_173 = arith.constant 0 : i32
        %dma_wait3A_174 = tpu.memref_slice %arg6[%add3A_168, %dma_wait3A_173] : memref<10000x128xf32, #tpu.memory_space<vmem_shared>> -> memref<104x128xf32, #tpu.memory_space<vmem_shared>>
        %dma_wait3A_175 = arith.constant 0 : i32
        %dma_wait3A_176 = tpu.memref_slice %arg6[%add3A_168, %dma_wait3A_175] : memref<10000x128xf32, #tpu.memory_space<vmem_shared>> -> memref<104x128xf32, #tpu.memory_space<vmem_shared>>
        tpu.wait_dma2 semaphore(%run_scoped3A : memref<!tpu.dma_semaphore, #tpu.memory_space<semaphore_mem>>) src(%arg19 : memref<104x128xf32, #tpu.memory_space<vmem>>) dst(%dma_wait3A_176 : memref<104x128xf32, #tpu.memory_space<vmem_shared>>)
        tpu.yield
      }) : () -> ()
    }
    %scan3A_78 = arith.constant 6 : i32
    %lt3A = arith.constant 2 : i32
    %lt3A_79 = arith.cmpi slt, %arg1, %lt3A : i32
    %convert_element_type3A = arith.extui %lt3A_79 : i1 to i32
    %cond3A = arith.constant 0 : i32
    %cond3A_80 = arith.cmpi ne, %convert_element_type3A, %cond3A : i32
    scf.if %cond3A_80 {
      "tpu.region"() ({
        %run_scoped3A = tpu.sem_alloc : memref<!tpu.dma_semaphore, #tpu.memory_space<semaphore_mem>>
        %dma_start3A_165 = arith.constant 0 : i32
        %dma_start3A_166 = arith.constant 0 : i32
        %dma_start3A_167 = tpu.memref_slice %arg19[%dma_start3A_165, %dma_start3A_166] : memref<104x128xf32, #tpu.memory_space<vmem>> -> memref<8x128xf32, #tpu.memory_space<vmem>>
        %dma_start3A_168 = arith.constant 0 : i32
        %dma_start3A_169 = tpu.memref_slice %arg6[%add3A_3, %dma_start3A_168] : memref<10000x128xf32, #tpu.memory_space<vmem_shared>> -> memref<8x128xf32, #tpu.memory_space<vmem_shared>>
        %dma_start3A_170 = arith.constant 0 : i32
        %dma_start3A_171 = tpu.memref_slice %arg6[%add3A_3, %dma_start3A_170] : memref<10000x128xf32, #tpu.memory_space<vmem_shared>> -> memref<8x128xf32, #tpu.memory_space<vmem_shared>>
        %dma_start3A_172 = arith.constant 0 : i32
        %dma_start3A_173 = arith.constant 0 : i32
        %dma_start3A_174 = tpu.memref_slice %arg19[%dma_start3A_172, %dma_start3A_173] : memref<104x128xf32, #tpu.memory_space<vmem>> -> memref<8x128xf32, #tpu.memory_space<vmem>>
        tpu.enqueue_dma source(%dma_start3A_174 : memref<8x128xf32, #tpu.memory_space<vmem>>) target(%dma_start3A_171 : memref<8x128xf32, #tpu.memory_space<vmem_shared>>) target_semaphore(%run_scoped3A : memref<!tpu.dma_semaphore, #tpu.memory_space<semaphore_mem>>)
        %dma_wait3A_175 = arith.constant 0 : i32
        %dma_wait3A_176 = arith.constant 0 : i32
        %dma_wait3A_177 = tpu.memref_slice %arg19[%dma_wait3A_175, %dma_wait3A_176] : memref<104x128xf32, #tpu.memory_space<vmem>> -> memref<8x128xf32, #tpu.memory_space<vmem>>
        %dma_wait3A_178 = arith.constant 0 : i32
        %dma_wait3A_179 = tpu.memref_slice %arg6[%add3A_3, %dma_wait3A_178] : memref<10000x128xf32, #tpu.memory_space<vmem_shared>> -> memref<8x128xf32, #tpu.memory_space<vmem_shared>>
        %dma_wait3A_180 = arith.constant 0 : i32
        %dma_wait3A_181 = tpu.memref_slice %arg6[%add3A_3, %dma_wait3A_180] : memref<10000x128xf32, #tpu.memory_space<vmem_shared>> -> memref<8x128xf32, #tpu.memory_space<vmem_shared>>
        %dma_wait3A_182 = arith.constant 0 : i32
        %dma_wait3A_183 = arith.constant 0 : i32
        %dma_wait3A_184 = tpu.memref_slice %arg19[%dma_wait3A_182, %dma_wait3A_183] : memref<104x128xf32, #tpu.memory_space<vmem>> -> memref<8x128xf32, #tpu.memory_space<vmem>>
        tpu.wait_dma2 semaphore(%run_scoped3A : memref<!tpu.dma_semaphore, #tpu.memory_space<semaphore_mem>>) src(%dma_wait3A_184 : memref<8x128xf32, #tpu.memory_space<vmem>>) dst(%dma_wait3A_181 : memref<8x128xf32, #tpu.memory_space<vmem_shared>>)
        tpu.yield
      }) : () -> ()
    } else {
    }
    %barrier3A = arith.constant 0 : index
    tpu.barrier barrier_id(%barrier3A)
    %dma_wait3A_81 = arith.constant 0 : i32
    %dma_wait3A_82 = arith.constant 0 : i32
    %dma_wait3A_83 = tpu.memref_slice %arg2[%dma_wait3A_81, %dma_wait3A_82] : memref<10000x128xf32, #tpu.memory_space<hbm>> -> memref<10000x128xf32, #tpu.memory_space<hbm>>
    tpu.wait_indirect_dma semaphore(%arg24 : memref<!tpu.dma_semaphore, #tpu.memory_space<semaphore_mem>>) src(%dma_wait3A_83 : memref<10000x128xf32, #tpu.memory_space<hbm>>) dst(%arg17 : memref<128x128xf32, #tpu.memory_space<vmem>>)
    %dma_start3A_84 = arith.constant 0 : i32
    %dma_start3A_85 = arith.constant 0 : i32
    %dma_start3A_86 = tpu.memref_slice %arg6[%dma_start3A_84, %dma_start3A_85] : memref<10000x128xf32, #tpu.memory_space<vmem_shared>> -> memref<10000x128xf32, #tpu.memory_space<vmem_shared>>
    tpu.enqueue_indirect_dma source(%arg17 : memref<128x128xf32, #tpu.memory_space<vmem>>) target(%dma_start3A_86 : memref<10000x128xf32, #tpu.memory_space<vmem_shared>>) offsets(%arg8 : memref<128xi32, #tpu.memory_space<vmem>>) semaphore(%arg26 : memref<!tpu.dma_semaphore, #tpu.memory_space<semaphore_mem>>) {add = true}
    %dma_wait3A_87 = arith.constant 0 : i32
    %dma_wait3A_88 = tpu.memref_slice %arg3[%dma_wait3A_87] : memref<320000xi32, #tpu.memory_space<hbm>> -> memref<128xi32, #tpu.memory_space<hbm>>
    %dma_wait3A_89 = arith.constant 0 : i32
    %dma_wait3A_90 = tpu.memref_slice %arg3[%dma_wait3A_89] : memref<320000xi32, #tpu.memory_space<hbm>> -> memref<128xi32, #tpu.memory_space<hbm>>
    tpu.wait_dma2 semaphore(%arg22 : memref<!tpu.dma_semaphore, #tpu.memory_space<semaphore_mem>>) src(%dma_wait3A_90 : memref<128xi32, #tpu.memory_space<hbm>>) dst(%arg11 : memref<128xi32, #tpu.memory_space<vmem>>)
    %dma_wait3A_91 = arith.constant 0 : i32
    %dma_wait3A_92 = tpu.memref_slice %arg4[%dma_wait3A_91] : memref<320000xi32, #tpu.memory_space<hbm>> -> memref<128xi32, #tpu.memory_space<hbm>>
    %dma_wait3A_93 = arith.constant 0 : i32
    %dma_wait3A_94 = tpu.memref_slice %arg4[%dma_wait3A_93] : memref<320000xi32, #tpu.memory_space<hbm>> -> memref<128xi32, #tpu.memory_space<hbm>>
    tpu.wait_dma2 semaphore(%arg22 : memref<!tpu.dma_semaphore, #tpu.memory_space<semaphore_mem>>) src(%dma_wait3A_94 : memref<128xi32, #tpu.memory_space<hbm>>) dst(%arg12 : memref<128xi32, #tpu.memory_space<vmem>>)
    %dma_wait3A_95 = arith.constant 0 : i32
    %dma_wait3A_96 = arith.constant 0 : i32
    %dma_wait3A_97 = tpu.memref_slice %arg6[%dma_wait3A_95, %dma_wait3A_96] : memref<10000x128xf32, #tpu.memory_space<vmem_shared>> -> memref<10000x128xf32, #tpu.memory_space<vmem_shared>>
    tpu.wait_indirect_dma semaphore(%arg26 : memref<!tpu.dma_semaphore, #tpu.memory_space<semaphore_mem>>) src(%arg17 : memref<128x128xf32, #tpu.memory_space<vmem>>) dst(%dma_wait3A_97 : memref<10000x128xf32, #tpu.memory_space<vmem_shared>>)
    %dma_start3A_98 = arith.constant 0 : i32
    %dma_start3A_99 = arith.constant 0 : i32
    %dma_start3A_100 = tpu.memref_slice %arg2[%dma_start3A_98, %dma_start3A_99] : memref<10000x128xf32, #tpu.memory_space<hbm>> -> memref<10000x128xf32, #tpu.memory_space<hbm>>
    tpu.enqueue_indirect_dma source(%dma_start3A_100 : memref<10000x128xf32, #tpu.memory_space<hbm>>) target(%arg17 : memref<128x128xf32, #tpu.memory_space<vmem>>) offsets(%arg11 : memref<128xi32, #tpu.memory_space<vmem>>) semaphore(%arg24 : memref<!tpu.dma_semaphore, #tpu.memory_space<semaphore_mem>>)
    %min3A_101 = arith.constant 4 : i32
    %min3A_102 = arith.constant 77 : i32
    %min3A_103 = arith.minsi %min3A_101, %min3A_102 : i32
    %mul3A_104 = arith.constant 128 : i32
    %mul3A_105 = arith.muli %min3A_103, %mul3A_104 : i32
    %add3A_106 = arith.addi %mul3A_8, %mul3A_105 : i32
    %dma_start3A_107 = tpu.memref_slice %arg3[%add3A_106] : memref<320000xi32, #tpu.memory_space<hbm>> -> memref<128xi32, #tpu.memory_space<hbm>>
    %dma_start3A_108 = tpu.memref_slice %arg3[%add3A_106] : memref<320000xi32, #tpu.memory_space<hbm>> -> memref<128xi32, #tpu.memory_space<hbm>>
    tpu.enqueue_dma source(%dma_start3A_108 : memref<128xi32, #tpu.memory_space<hbm>>) target(%arg7 : memref<128xi32, #tpu.memory_space<vmem>>) target_semaphore(%arg20 : memref<!tpu.dma_semaphore, #tpu.memory_space<semaphore_mem>>)
    %dma_start3A_109 = tpu.memref_slice %arg4[%add3A_106] : memref<320000xi32, #tpu.memory_space<hbm>> -> memref<128xi32, #tpu.memory_space<hbm>>
    %dma_start3A_110 = tpu.memref_slice %arg4[%add3A_106] : memref<320000xi32, #tpu.memory_space<hbm>> -> memref<128xi32, #tpu.memory_space<hbm>>
    tpu.enqueue_dma source(%dma_start3A_110 : memref<128xi32, #tpu.memory_space<hbm>>) target(%arg8 : memref<128xi32, #tpu.memory_space<vmem>>) target_semaphore(%arg20 : memref<!tpu.dma_semaphore, #tpu.memory_space<semaphore_mem>>)
    %dma_wait3A_111 = arith.constant 0 : i32
    %dma_wait3A_112 = arith.constant 0 : i32
    %dma_wait3A_113 = tpu.memref_slice %arg2[%dma_wait3A_111, %dma_wait3A_112] : memref<10000x128xf32, #tpu.memory_space<hbm>> -> memref<10000x128xf32, #tpu.memory_space<hbm>>
    tpu.wait_indirect_dma semaphore(%arg25 : memref<!tpu.dma_semaphore, #tpu.memory_space<semaphore_mem>>) src(%dma_wait3A_113 : memref<10000x128xf32, #tpu.memory_space<hbm>>) dst(%arg18 : memref<128x128xf32, #tpu.memory_space<vmem>>)
    %dma_start3A_114 = arith.constant 0 : i32
    %dma_start3A_115 = arith.constant 0 : i32
    %dma_start3A_116 = tpu.memref_slice %arg6[%dma_start3A_114, %dma_start3A_115] : memref<10000x128xf32, #tpu.memory_space<vmem_shared>> -> memref<10000x128xf32, #tpu.memory_space<vmem_shared>>
    tpu.enqueue_indirect_dma source(%arg18 : memref<128x128xf32, #tpu.memory_space<vmem>>) target(%dma_start3A_116 : memref<10000x128xf32, #tpu.memory_space<vmem_shared>>) offsets(%arg10 : memref<128xi32, #tpu.memory_space<vmem>>) semaphore(%arg27 : memref<!tpu.dma_semaphore, #tpu.memory_space<semaphore_mem>>) {add = true}
    %scan3A_117 = arith.constant 0 : i32
    %scan3A_118 = arith.constant 0 : i32
    %scan3A_119 = arith.constant 19 : i32
    %scan3A_120 = arith.addi %scan3A_118, %scan3A_119 : i32
    %scan3A_121 = arith.constant 1 : i32
    scf.for %scan3A_165 = %scan3A_118 to %scan3A_120 step %scan3A_121  : i32 {
      %mul3A_166 = arith.constant 4 : i32
      %mul3A_167 = arith.muli %mul3A_166, %scan3A_165 : i32
      %add3A_168 = arith.constant 2 : i32
      %add3A_169 = arith.addi %mul3A_167, %add3A_168 : i32
      %dma_wait3A_170 = arith.constant 0 : i32
      %dma_wait3A_171 = tpu.memref_slice %arg3[%dma_wait3A_170] : memref<320000xi32, #tpu.memory_space<hbm>> -> memref<128xi32, #tpu.memory_space<hbm>>
      %dma_wait3A_172 = arith.constant 0 : i32
      %dma_wait3A_173 = tpu.memref_slice %arg3[%dma_wait3A_172] : memref<320000xi32, #tpu.memory_space<hbm>> -> memref<128xi32, #tpu.memory_space<hbm>>
      tpu.wait_dma2 semaphore(%arg23 : memref<!tpu.dma_semaphore, #tpu.memory_space<semaphore_mem>>) src(%dma_wait3A_173 : memref<128xi32, #tpu.memory_space<hbm>>) dst(%arg13 : memref<128xi32, #tpu.memory_space<vmem>>)
      %dma_wait3A_174 = arith.constant 0 : i32
      %dma_wait3A_175 = tpu.memref_slice %arg4[%dma_wait3A_174] : memref<320000xi32, #tpu.memory_space<hbm>> -> memref<128xi32, #tpu.memory_space<hbm>>
      %dma_wait3A_176 = arith.constant 0 : i32
      %dma_wait3A_177 = tpu.memref_slice %arg4[%dma_wait3A_176] : memref<320000xi32, #tpu.memory_space<hbm>> -> memref<128xi32, #tpu.memory_space<hbm>>
      tpu.wait_dma2 semaphore(%arg23 : memref<!tpu.dma_semaphore, #tpu.memory_space<semaphore_mem>>) src(%dma_wait3A_177 : memref<128xi32, #tpu.memory_space<hbm>>) dst(%arg14 : memref<128xi32, #tpu.memory_space<vmem>>)
      %dma_wait3A_178 = arith.constant 0 : i32
      %dma_wait3A_179 = arith.constant 0 : i32
      %dma_wait3A_180 = tpu.memref_slice %arg6[%dma_wait3A_178, %dma_wait3A_179] : memref<10000x128xf32, #tpu.memory_space<vmem_shared>> -> memref<10000x128xf32, #tpu.memory_space<vmem_shared>>
      tpu.wait_indirect_dma semaphore(%arg27 : memref<!tpu.dma_semaphore, #tpu.memory_space<semaphore_mem>>) src(%arg18 : memref<128x128xf32, #tpu.memory_space<vmem>>) dst(%dma_wait3A_180 : memref<10000x128xf32, #tpu.memory_space<vmem_shared>>)
      %dma_start3A_181 = arith.constant 0 : i32
      %dma_start3A_182 = arith.constant 0 : i32
      %dma_start3A_183 = tpu.memref_slice %arg2[%dma_start3A_181, %dma_start3A_182] : memref<10000x128xf32, #tpu.memory_space<hbm>> -> memref<10000x128xf32, #tpu.memory_space<hbm>>
      tpu.enqueue_indirect_dma source(%dma_start3A_183 : memref<10000x128xf32, #tpu.memory_space<hbm>>) target(%arg18 : memref<128x128xf32, #tpu.memory_space<vmem>>) offsets(%arg13 : memref<128xi32, #tpu.memory_space<vmem>>) semaphore(%arg25 : memref<!tpu.dma_semaphore, #tpu.memory_space<semaphore_mem>>)
      %add3A_184 = arith.constant 3 : i32
      %add3A_185 = arith.addi %add3A_169, %add3A_184 : i32
      %min3A_186 = arith.constant 77 : i32
      %min3A_187 = arith.minsi %add3A_185, %min3A_186 : i32
      %mul3A_188 = arith.constant 128 : i32
      %mul3A_189 = arith.muli %min3A_187, %mul3A_188 : i32
      %add3A_190 = arith.addi %mul3A_8, %mul3A_189 : i32
      %dma_start3A_191 = tpu.memref_slice %arg3[%add3A_190] : memref<320000xi32, #tpu.memory_space<hbm>> -> memref<128xi32, #tpu.memory_space<hbm>>
      %dma_start3A_192 = tpu.memref_slice %arg3[%add3A_190] : memref<320000xi32, #tpu.memory_space<hbm>> -> memref<128xi32, #tpu.memory_space<hbm>>
      tpu.enqueue_dma source(%dma_start3A_192 : memref<128xi32, #tpu.memory_space<hbm>>) target(%arg9 : memref<128xi32, #tpu.memory_space<vmem>>) target_semaphore(%arg21 : memref<!tpu.dma_semaphore, #tpu.memory_space<semaphore_mem>>)
      %dma_start3A_193 = tpu.memref_slice %arg4[%add3A_190] : memref<320000xi32, #tpu.memory_space<hbm>> -> memref<128xi32, #tpu.memory_space<hbm>>
      %dma_start3A_194 = tpu.memref_slice %arg4[%add3A_190] : memref<320000xi32, #tpu.memory_space<hbm>> -> memref<128xi32, #tpu.memory_space<hbm>>
      tpu.enqueue_dma source(%dma_start3A_194 : memref<128xi32, #tpu.memory_space<hbm>>) target(%arg10 : memref<128xi32, #tpu.memory_space<vmem>>) target_semaphore(%arg21 : memref<!tpu.dma_semaphore, #tpu.memory_space<semaphore_mem>>)
      %dma_wait3A_195 = arith.constant 0 : i32
      %dma_wait3A_196 = arith.constant 0 : i32
      %dma_wait3A_197 = tpu.memref_slice %arg2[%dma_wait3A_195, %dma_wait3A_196] : memref<10000x128xf32, #tpu.memory_space<hbm>> -> memref<10000x128xf32, #tpu.memory_space<hbm>>
      tpu.wait_indirect_dma semaphore(%arg24 : memref<!tpu.dma_semaphore, #tpu.memory_space<semaphore_mem>>) src(%dma_wait3A_197 : memref<10000x128xf32, #tpu.memory_space<hbm>>) dst(%arg17 : memref<128x128xf32, #tpu.memory_space<vmem>>)
      %dma_start3A_198 = arith.constant 0 : i32
      %dma_start3A_199 = arith.constant 0 : i32
      %dma_start3A_200 = tpu.memref_slice %arg6[%dma_start3A_198, %dma_start3A_199] : memref<10000x128xf32, #tpu.memory_space<vmem_shared>> -> memref<10000x128xf32, #tpu.memory_space<vmem_shared>>
      tpu.enqueue_indirect_dma source(%arg17 : memref<128x128xf32, #tpu.memory_space<vmem>>) target(%dma_start3A_200 : memref<10000x128xf32, #tpu.memory_space<vmem_shared>>) offsets(%arg12 : memref<128xi32, #tpu.memory_space<vmem>>) semaphore(%arg26 : memref<!tpu.dma_semaphore, #tpu.memory_space<semaphore_mem>>) {add = true}
      %add3A_201 = arith.constant 1 : i32
      %add3A_202 = arith.addi %add3A_169, %add3A_201 : i32
      %dma_wait3A_203 = arith.constant 0 : i32
      %dma_wait3A_204 = tpu.memref_slice %arg3[%dma_wait3A_203] : memref<320000xi32, #tpu.memory_space<hbm>> -> memref<128xi32, #tpu.memory_space<hbm>>
      %dma_wait3A_205 = arith.constant 0 : i32
      %dma_wait3A_206 = tpu.memref_slice %arg3[%dma_wait3A_205] : memref<320000xi32, #tpu.memory_space<hbm>> -> memref<128xi32, #tpu.memory_space<hbm>>
      tpu.wait_dma2 semaphore(%arg20 : memref<!tpu.dma_semaphore, #tpu.memory_space<semaphore_mem>>) src(%dma_wait3A_206 : memref<128xi32, #tpu.memory_space<hbm>>) dst(%arg7 : memref<128xi32, #tpu.memory_space<vmem>>)
      %dma_wait3A_207 = arith.constant 0 : i32
      %dma_wait3A_208 = tpu.memref_slice %arg4[%dma_wait3A_207] : memref<320000xi32, #tpu.memory_space<hbm>> -> memref<128xi32, #tpu.memory_space<hbm>>
      %dma_wait3A_209 = arith.constant 0 : i32
      %dma_wait3A_210 = tpu.memref_slice %arg4[%dma_wait3A_209] : memref<320000xi32, #tpu.memory_space<hbm>> -> memref<128xi32, #tpu.memory_space<hbm>>
      tpu.wait_dma2 semaphore(%arg20 : memref<!tpu.dma_semaphore, #tpu.memory_space<semaphore_mem>>) src(%dma_wait3A_210 : memref<128xi32, #tpu.memory_space<hbm>>) dst(%arg8 : memref<128xi32, #tpu.memory_space<vmem>>)
      %dma_wait3A_211 = arith.constant 0 : i32
      %dma_wait3A_212 = arith.constant 0 : i32
      %dma_wait3A_213 = tpu.memref_slice %arg6[%dma_wait3A_211, %dma_wait3A_212] : memref<10000x128xf32, #tpu.memory_space<vmem_shared>> -> memref<10000x128xf32, #tpu.memory_space<vmem_shared>>
      tpu.wait_indirect_dma semaphore(%arg26 : memref<!tpu.dma_semaphore, #tpu.memory_space<semaphore_mem>>) src(%arg17 : memref<128x128xf32, #tpu.memory_space<vmem>>) dst(%dma_wait3A_213 : memref<10000x128xf32, #tpu.memory_space<vmem_shared>>)
      %dma_start3A_214 = arith.constant 0 : i32
      %dma_start3A_215 = arith.constant 0 : i32
      %dma_start3A_216 = tpu.memref_slice %arg2[%dma_start3A_214, %dma_start3A_215] : memref<10000x128xf32, #tpu.memory_space<hbm>> -> memref<10000x128xf32, #tpu.memory_space<hbm>>
      tpu.enqueue_indirect_dma source(%dma_start3A_216 : memref<10000x128xf32, #tpu.memory_space<hbm>>) target(%arg17 : memref<128x128xf32, #tpu.memory_space<vmem>>) offsets(%arg7 : memref<128xi32, #tpu.memory_space<vmem>>) semaphore(%arg24 : memref<!tpu.dma_semaphore, #tpu.memory_space<semaphore_mem>>)
      %add3A_217 = arith.constant 3 : i32
      %add3A_218 = arith.addi %add3A_202, %add3A_217 : i32
      %min3A_219 = arith.constant 77 : i32
      %min3A_220 = arith.minsi %add3A_218, %min3A_219 : i32
      %mul3A_221 = arith.constant 128 : i32
      %mul3A_222 = arith.muli %min3A_220, %mul3A_221 : i32
      %add3A_223 = arith.addi %mul3A_8, %mul3A_222 : i32
      %dma_start3A_224 = tpu.memref_slice %arg3[%add3A_223] : memref<320000xi32, #tpu.memory_space<hbm>> -> memref<128xi32, #tpu.memory_space<hbm>>
      %dma_start3A_225 = tpu.memref_slice %arg3[%add3A_223] : memref<320000xi32, #tpu.memory_space<hbm>> -> memref<128xi32, #tpu.memory_space<hbm>>
      tpu.enqueue_dma source(%dma_start3A_225 : memref<128xi32, #tpu.memory_space<hbm>>) target(%arg11 : memref<128xi32, #tpu.memory_space<vmem>>) target_semaphore(%arg22 : memref<!tpu.dma_semaphore, #tpu.memory_space<semaphore_mem>>)
      %dma_start3A_226 = tpu.memref_slice %arg4[%add3A_223] : memref<320000xi32, #tpu.memory_space<hbm>> -> memref<128xi32, #tpu.memory_space<hbm>>
      %dma_start3A_227 = tpu.memref_slice %arg4[%add3A_223] : memref<320000xi32, #tpu.memory_space<hbm>> -> memref<128xi32, #tpu.memory_space<hbm>>
      tpu.enqueue_dma source(%dma_start3A_227 : memref<128xi32, #tpu.memory_space<hbm>>) target(%arg12 : memref<128xi32, #tpu.memory_space<vmem>>) target_semaphore(%arg22 : memref<!tpu.dma_semaphore, #tpu.memory_space<semaphore_mem>>)
      %dma_wait3A_228 = arith.constant 0 : i32
      %dma_wait3A_229 = arith.constant 0 : i32
      %dma_wait3A_230 = tpu.memref_slice %arg2[%dma_wait3A_228, %dma_wait3A_229] : memref<10000x128xf32, #tpu.memory_space<hbm>> -> memref<10000x128xf32, #tpu.memory_space<hbm>>
      tpu.wait_indirect_dma semaphore(%arg25 : memref<!tpu.dma_semaphore, #tpu.memory_space<semaphore_mem>>) src(%dma_wait3A_230 : memref<10000x128xf32, #tpu.memory_space<hbm>>) dst(%arg18 : memref<128x128xf32, #tpu.memory_space<vmem>>)
      %dma_start3A_231 = arith.constant 0 : i32
      %dma_start3A_232 = arith.constant 0 : i32
      %dma_start3A_233 = tpu.memref_slice %arg6[%dma_start3A_231, %dma_start3A_232] : memref<10000x128xf32, #tpu.memory_space<vmem_shared>> -> memref<10000x128xf32, #tpu.memory_space<vmem_shared>>
      tpu.enqueue_indirect_dma source(%arg18 : memref<128x128xf32, #tpu.memory_space<vmem>>) target(%dma_start3A_233 : memref<10000x128xf32, #tpu.memory_space<vmem_shared>>) offsets(%arg14 : memref<128xi32, #tpu.memory_space<vmem>>) semaphore(%arg27 : memref<!tpu.dma_semaphore, #tpu.memory_space<semaphore_mem>>) {add = true}
      %add3A_234 = arith.constant 2 : i32
      %add3A_235 = arith.addi %add3A_169, %add3A_234 : i32
      %dma_wait3A_236 = arith.constant 0 : i32
      %dma_wait3A_237 = tpu.memref_slice %arg3[%dma_wait3A_236] : memref<320000xi32, #tpu.memory_space<hbm>> -> memref<128xi32, #tpu.memory_space<hbm>>
      %dma_wait3A_238 = arith.constant 0 : i32
      %dma_wait3A_239 = tpu.memref_slice %arg3[%dma_wait3A_238] : memref<320000xi32, #tpu.memory_space<hbm>> -> memref<128xi32, #tpu.memory_space<hbm>>
      tpu.wait_dma2 semaphore(%arg21 : memref<!tpu.dma_semaphore, #tpu.memory_space<semaphore_mem>>) src(%dma_wait3A_239 : memref<128xi32, #tpu.memory_space<hbm>>) dst(%arg9 : memref<128xi32, #tpu.memory_space<vmem>>)
      %dma_wait3A_240 = arith.constant 0 : i32
      %dma_wait3A_241 = tpu.memref_slice %arg4[%dma_wait3A_240] : memref<320000xi32, #tpu.memory_space<hbm>> -> memref<128xi32, #tpu.memory_space<hbm>>
      %dma_wait3A_242 = arith.constant 0 : i32
      %dma_wait3A_243 = tpu.memref_slice %arg4[%dma_wait3A_242] : memref<320000xi32, #tpu.memory_space<hbm>> -> memref<128xi32, #tpu.memory_space<hbm>>
      tpu.wait_dma2 semaphore(%arg21 : memref<!tpu.dma_semaphore, #tpu.memory_space<semaphore_mem>>) src(%dma_wait3A_243 : memref<128xi32, #tpu.memory_space<hbm>>) dst(%arg10 : memref<128xi32, #tpu.memory_space<vmem>>)
      %dma_wait3A_244 = arith.constant 0 : i32
      %dma_wait3A_245 = arith.constant 0 : i32
      %dma_wait3A_246 = tpu.memref_slice %arg6[%dma_wait3A_244, %dma_wait3A_245] : memref<10000x128xf32, #tpu.memory_space<vmem_shared>> -> memref<10000x128xf32, #tpu.memory_space<vmem_shared>>
      tpu.wait_indirect_dma semaphore(%arg27 : memref<!tpu.dma_semaphore, #tpu.memory_space<semaphore_mem>>) src(%arg18 : memref<128x128xf32, #tpu.memory_space<vmem>>) dst(%dma_wait3A_246 : memref<10000x128xf32, #tpu.memory_space<vmem_shared>>)
      %dma_start3A_247 = arith.constant 0 : i32
      %dma_start3A_248 = arith.constant 0 : i32
      %dma_start3A_249 = tpu.memref_slice %arg2[%dma_start3A_247, %dma_start3A_248] : memref<10000x128xf32, #tpu.memory_space<hbm>> -> memref<10000x128xf32, #tpu.memory_space<hbm>>
      tpu.enqueue_indirect_dma source(%dma_start3A_249 : memref<10000x128xf32, #tpu.memory_space<hbm>>) target(%arg18 : memref<128x128xf32, #tpu.memory_space<vmem>>) offsets(%arg9 : memref<128xi32, #tpu.memory_space<vmem>>) semaphore(%arg25 : memref<!tpu.dma_semaphore, #tpu.memory_space<semaphore_mem>>)
      %add3A_250 = arith.constant 3 : i32
      %add3A_251 = arith.addi %add3A_235, %add3A_250 : i32
      %min3A_252 = arith.constant 77 : i32
      %min3A_253 = arith.minsi %add3A_251, %min3A_252 : i32
      %mul3A_254 = arith.constant 128 : i32
      %mul3A_255 = arith.muli %min3A_253, %mul3A_254 : i32
      %add3A_256 = arith.addi %mul3A_8, %mul3A_255 : i32
      %dma_start3A_257 = tpu.memref_slice %arg3[%add3A_256] : memref<320000xi32, #tpu.memory_space<hbm>> -> memref<128xi32, #tpu.memory_space<hbm>>
      %dma_start3A_258 = tpu.memref_slice %arg3[%add3A_256] : memref<320000xi32, #tpu.memory_space<hbm>> -> memref<128xi32, #tpu.memory_space<hbm>>
      tpu.enqueue_dma source(%dma_start3A_258 : memref<128xi32, #tpu.memory_space<hbm>>) target(%arg13 : memref<128xi32, #tpu.memory_space<vmem>>) target_semaphore(%arg23 : memref<!tpu.dma_semaphore, #tpu.memory_space<semaphore_mem>>)
      %dma_start3A_259 = tpu.memref_slice %arg4[%add3A_256] : memref<320000xi32, #tpu.memory_space<hbm>> -> memref<128xi32, #tpu.memory_space<hbm>>
      %dma_start3A_260 = tpu.memref_slice %arg4[%add3A_256] : memref<320000xi32, #tpu.memory_space<hbm>> -> memref<128xi32, #tpu.memory_space<hbm>>
      tpu.enqueue_dma source(%dma_start3A_260 : memref<128xi32, #tpu.memory_space<hbm>>) target(%arg14 : memref<128xi32, #tpu.memory_space<vmem>>) target_semaphore(%arg23 : memref<!tpu.dma_semaphore, #tpu.memory_space<semaphore_mem>>)
      %dma_wait3A_261 = arith.constant 0 : i32
      %dma_wait3A_262 = arith.constant 0 : i32
      %dma_wait3A_263 = tpu.memref_slice %arg2[%dma_wait3A_261, %dma_wait3A_262] : memref<10000x128xf32, #tpu.memory_space<hbm>> -> memref<10000x128xf32, #tpu.memory_space<hbm>>
      tpu.wait_indirect_dma semaphore(%arg24 : memref<!tpu.dma_semaphore, #tpu.memory_space<semaphore_mem>>) src(%dma_wait3A_263 : memref<10000x128xf32, #tpu.memory_space<hbm>>) dst(%arg17 : memref<128x128xf32, #tpu.memory_space<vmem>>)
      %dma_start3A_264 = arith.constant 0 : i32
      %dma_start3A_265 = arith.constant 0 : i32
      %dma_start3A_266 = tpu.memref_slice %arg6[%dma_start3A_264, %dma_start3A_265] : memref<10000x128xf32, #tpu.memory_space<vmem_shared>> -> memref<10000x128xf32, #tpu.memory_space<vmem_shared>>
      tpu.enqueue_indirect_dma source(%arg17 : memref<128x128xf32, #tpu.memory_space<vmem>>) target(%dma_start3A_266 : memref<10000x128xf32, #tpu.memory_space<vmem_shared>>) offsets(%arg8 : memref<128xi32, #tpu.memory_space<vmem>>) semaphore(%arg26 : memref<!tpu.dma_semaphore, #tpu.memory_space<semaphore_mem>>) {add = true}
      %add3A_267 = arith.constant 3 : i32
      %add3A_268 = arith.addi %add3A_169, %add3A_267 : i32
      %dma_wait3A_269 = arith.constant 0 : i32
      %dma_wait3A_270 = tpu.memref_slice %arg3[%dma_wait3A_269] : memref<320000xi32, #tpu.memory_space<hbm>> -> memref<128xi32, #tpu.memory_space<hbm>>
      %dma_wait3A_271 = arith.constant 0 : i32
      %dma_wait3A_272 = tpu.memref_slice %arg3[%dma_wait3A_271] : memref<320000xi32, #tpu.memory_space<hbm>> -> memref<128xi32, #tpu.memory_space<hbm>>
      tpu.wait_dma2 semaphore(%arg22 : memref<!tpu.dma_semaphore, #tpu.memory_space<semaphore_mem>>) src(%dma_wait3A_272 : memref<128xi32, #tpu.memory_space<hbm>>) dst(%arg11 : memref<128xi32, #tpu.memory_space<vmem>>)
      %dma_wait3A_273 = arith.constant 0 : i32
      %dma_wait3A_274 = tpu.memref_slice %arg4[%dma_wait3A_273] : memref<320000xi32, #tpu.memory_space<hbm>> -> memref<128xi32, #tpu.memory_space<hbm>>
      %dma_wait3A_275 = arith.constant 0 : i32
      %dma_wait3A_276 = tpu.memref_slice %arg4[%dma_wait3A_275] : memref<320000xi32, #tpu.memory_space<hbm>> -> memref<128xi32, #tpu.memory_space<hbm>>
      tpu.wait_dma2 semaphore(%arg22 : memref<!tpu.dma_semaphore, #tpu.memory_space<semaphore_mem>>) src(%dma_wait3A_276 : memref<128xi32, #tpu.memory_space<hbm>>) dst(%arg12 : memref<128xi32, #tpu.memory_space<vmem>>)
      %dma_wait3A_277 = arith.constant 0 : i32
      %dma_wait3A_278 = arith.constant 0 : i32
      %dma_wait3A_279 = tpu.memref_slice %arg6[%dma_wait3A_277, %dma_wait3A_278] : memref<10000x128xf32, #tpu.memory_space<vmem_shared>> -> memref<10000x128xf32, #tpu.memory_space<vmem_shared>>
      tpu.wait_indirect_dma semaphore(%arg26 : memref<!tpu.dma_semaphore, #tpu.memory_space<semaphore_mem>>) src(%arg17 : memref<128x128xf32, #tpu.memory_space<vmem>>) dst(%dma_wait3A_279 : memref<10000x128xf32, #tpu.memory_space<vmem_shared>>)
      %dma_start3A_280 = arith.constant 0 : i32
      %dma_start3A_281 = arith.constant 0 : i32
      %dma_start3A_282 = tpu.memref_slice %arg2[%dma_start3A_280, %dma_start3A_281] : memref<10000x128xf32, #tpu.memory_space<hbm>> -> memref<10000x128xf32, #tpu.memory_space<hbm>>
      tpu.enqueue_indirect_dma source(%dma_start3A_282 : memref<10000x128xf32, #tpu.memory_space<hbm>>) target(%arg17 : memref<128x128xf32, #tpu.memory_space<vmem>>) offsets(%arg11 : memref<128xi32, #tpu.memory_space<vmem>>) semaphore(%arg24 : memref<!tpu.dma_semaphore, #tpu.memory_space<semaphore_mem>>)
      %add3A_283 = arith.constant 3 : i32
      %add3A_284 = arith.addi %add3A_268, %add3A_283 : i32
      %min3A_285 = arith.constant 77 : i32
      %min3A_286 = arith.minsi %add3A_284, %min3A_285 : i32
      %mul3A_287 = arith.constant 128 : i32
      %mul3A_288 = arith.muli %min3A_286, %mul3A_287 : i32
      %add3A_289 = arith.addi %mul3A_8, %mul3A_288 : i32
      %dma_start3A_290 = tpu.memref_slice %arg3[%add3A_289] : memref<320000xi32, #tpu.memory_space<hbm>> -> memref<128xi32, #tpu.memory_space<hbm>>
      %dma_start3A_291 = tpu.memref_slice %arg3[%add3A_289] : memref<320000xi32, #tpu.memory_space<hbm>> -> memref<128xi32, #tpu.memory_space<hbm>>
      tpu.enqueue_dma source(%dma_start3A_291 : memref<128xi32, #tpu.memory_space<hbm>>) target(%arg7 : memref<128xi32, #tpu.memory_space<vmem>>) target_semaphore(%arg20 : memref<!tpu.dma_semaphore, #tpu.memory_space<semaphore_mem>>)
      %dma_start3A_292 = tpu.memref_slice %arg4[%add3A_289] : memref<320000xi32, #tpu.memory_space<hbm>> -> memref<128xi32, #tpu.memory_space<hbm>>
      %dma_start3A_293 = tpu.memref_slice %arg4[%add3A_289] : memref<320000xi32, #tpu.memory_space<hbm>> -> memref<128xi32, #tpu.memory_space<hbm>>
      tpu.enqueue_dma source(%dma_start3A_293 : memref<128xi32, #tpu.memory_space<hbm>>) target(%arg8 : memref<128xi32, #tpu.memory_space<vmem>>) target_semaphore(%arg20 : memref<!tpu.dma_semaphore, #tpu.memory_space<semaphore_mem>>)
      %dma_wait3A_294 = arith.constant 0 : i32
      %dma_wait3A_295 = arith.constant 0 : i32
      %dma_wait3A_296 = tpu.memref_slice %arg2[%dma_wait3A_294, %dma_wait3A_295] : memref<10000x128xf32, #tpu.memory_space<hbm>> -> memref<10000x128xf32, #tpu.memory_space<hbm>>
      tpu.wait_indirect_dma semaphore(%arg25 : memref<!tpu.dma_semaphore, #tpu.memory_space<semaphore_mem>>) src(%dma_wait3A_296 : memref<10000x128xf32, #tpu.memory_space<hbm>>) dst(%arg18 : memref<128x128xf32, #tpu.memory_space<vmem>>)
      %dma_start3A_297 = arith.constant 0 : i32
      %dma_start3A_298 = arith.constant 0 : i32
      %dma_start3A_299 = tpu.memref_slice %arg6[%dma_start3A_297, %dma_start3A_298] : memref<10000x128xf32, #tpu.memory_space<vmem_shared>> -> memref<10000x128xf32, #tpu.memory_space<vmem_shared>>
      tpu.enqueue_indirect_dma source(%arg18 : memref<128x128xf32, #tpu.memory_space<vmem>>) target(%dma_start3A_299 : memref<10000x128xf32, #tpu.memory_space<vmem_shared>>) offsets(%arg10 : memref<128xi32, #tpu.memory_space<vmem>>) semaphore(%arg27 : memref<!tpu.dma_semaphore, #tpu.memory_space<semaphore_mem>>) {add = true}
    }
    %scan3A_122 = arith.constant 19 : i32
    %dma_wait3A_123 = arith.constant 0 : i32
    %dma_wait3A_124 = tpu.memref_slice %arg3[%dma_wait3A_123] : memref<320000xi32, #tpu.memory_space<hbm>> -> memref<128xi32, #tpu.memory_space<hbm>>
    %dma_wait3A_125 = arith.constant 0 : i32
    %dma_wait3A_126 = tpu.memref_slice %arg3[%dma_wait3A_125] : memref<320000xi32, #tpu.memory_space<hbm>> -> memref<128xi32, #tpu.memory_space<hbm>>
    tpu.wait_dma2 semaphore(%arg23 : memref<!tpu.dma_semaphore, #tpu.memory_space<semaphore_mem>>) src(%dma_wait3A_126 : memref<128xi32, #tpu.memory_space<hbm>>) dst(%arg13 : memref<128xi32, #tpu.memory_space<vmem>>)
    %dma_wait3A_127 = arith.constant 0 : i32
    %dma_wait3A_128 = tpu.memref_slice %arg4[%dma_wait3A_127] : memref<320000xi32, #tpu.memory_space<hbm>> -> memref<128xi32, #tpu.memory_space<hbm>>
    %dma_wait3A_129 = arith.constant 0 : i32
    %dma_wait3A_130 = tpu.memref_slice %arg4[%dma_wait3A_129] : memref<320000xi32, #tpu.memory_space<hbm>> -> memref<128xi32, #tpu.memory_space<hbm>>
    tpu.wait_dma2 semaphore(%arg23 : memref<!tpu.dma_semaphore, #tpu.memory_space<semaphore_mem>>) src(%dma_wait3A_130 : memref<128xi32, #tpu.memory_space<hbm>>) dst(%arg14 : memref<128xi32, #tpu.memory_space<vmem>>)
    %dma_wait3A_131 = arith.constant 0 : i32
    %dma_wait3A_132 = tpu.memref_slice %arg3[%dma_wait3A_131] : memref<320000xi32, #tpu.memory_space<hbm>> -> memref<128xi32, #tpu.memory_space<hbm>>
    %dma_wait3A_133 = arith.constant 0 : i32
    %dma_wait3A_134 = tpu.memref_slice %arg3[%dma_wait3A_133] : memref<320000xi32, #tpu.memory_space<hbm>> -> memref<128xi32, #tpu.memory_space<hbm>>
    tpu.wait_dma2 semaphore(%arg20 : memref<!tpu.dma_semaphore, #tpu.memory_space<semaphore_mem>>) src(%dma_wait3A_134 : memref<128xi32, #tpu.memory_space<hbm>>) dst(%arg7 : memref<128xi32, #tpu.memory_space<vmem>>)
    %dma_wait3A_135 = arith.constant 0 : i32
    %dma_wait3A_136 = tpu.memref_slice %arg4[%dma_wait3A_135] : memref<320000xi32, #tpu.memory_space<hbm>> -> memref<128xi32, #tpu.memory_space<hbm>>
    %dma_wait3A_137 = arith.constant 0 : i32
    %dma_wait3A_138 = tpu.memref_slice %arg4[%dma_wait3A_137] : memref<320000xi32, #tpu.memory_space<hbm>> -> memref<128xi32, #tpu.memory_space<hbm>>
    tpu.wait_dma2 semaphore(%arg20 : memref<!tpu.dma_semaphore, #tpu.memory_space<semaphore_mem>>) src(%dma_wait3A_138 : memref<128xi32, #tpu.memory_space<hbm>>) dst(%arg8 : memref<128xi32, #tpu.memory_space<vmem>>)
    %dma_wait3A_139 = arith.constant 0 : i32
    %dma_wait3A_140 = arith.constant 0 : i32
    %dma_wait3A_141 = tpu.memref_slice %arg2[%dma_wait3A_139, %dma_wait3A_140] : memref<10000x128xf32, #tpu.memory_space<hbm>> -> memref<10000x128xf32, #tpu.memory_space<hbm>>
    tpu.wait_indirect_dma semaphore(%arg24 : memref<!tpu.dma_semaphore, #tpu.memory_space<semaphore_mem>>) src(%dma_wait3A_141 : memref<10000x128xf32, #tpu.memory_space<hbm>>) dst(%arg17 : memref<128x128xf32, #tpu.memory_space<vmem>>)
    %dma_wait3A_142 = arith.constant 0 : i32
    %dma_wait3A_143 = arith.constant 0 : i32
    %dma_wait3A_144 = tpu.memref_slice %arg6[%dma_wait3A_142, %dma_wait3A_143] : memref<10000x128xf32, #tpu.memory_space<vmem_shared>> -> memref<10000x128xf32, #tpu.memory_space<vmem_shared>>
    tpu.wait_indirect_dma semaphore(%arg27 : memref<!tpu.dma_semaphore, #tpu.memory_space<semaphore_mem>>) src(%arg18 : memref<128x128xf32, #tpu.memory_space<vmem>>) dst(%dma_wait3A_144 : memref<10000x128xf32, #tpu.memory_space<vmem_shared>>)
    %add3A_145 = arith.constant 9984 : i32
    %add3A_146 = arith.addi %mul3A_8, %add3A_145 : i32
    "tpu.region"() ({
      %run_scoped3A = tpu.sem_alloc : memref<!tpu.dma_semaphore, #tpu.memory_space<semaphore_mem>>
      %dma_start3A_165 = tpu.memref_slice %arg3[%add3A_146] : memref<320000xi32, #tpu.memory_space<hbm>> -> memref<16xi32, #tpu.memory_space<hbm>>
      %dma_start3A_166 = tpu.memref_slice %arg3[%add3A_146] : memref<320000xi32, #tpu.memory_space<hbm>> -> memref<16xi32, #tpu.memory_space<hbm>>
      tpu.enqueue_dma source(%dma_start3A_166 : memref<16xi32, #tpu.memory_space<hbm>>) target(%arg15 : memref<16xi32, #tpu.memory_space<vmem>>) target_semaphore(%run_scoped3A : memref<!tpu.dma_semaphore, #tpu.memory_space<semaphore_mem>>)
      %dma_wait3A_167 = tpu.memref_slice %arg3[%add3A_146] : memref<320000xi32, #tpu.memory_space<hbm>> -> memref<16xi32, #tpu.memory_space<hbm>>
      %dma_wait3A_168 = tpu.memref_slice %arg3[%add3A_146] : memref<320000xi32, #tpu.memory_space<hbm>> -> memref<16xi32, #tpu.memory_space<hbm>>
      tpu.wait_dma2 semaphore(%run_scoped3A : memref<!tpu.dma_semaphore, #tpu.memory_space<semaphore_mem>>) src(%dma_wait3A_168 : memref<16xi32, #tpu.memory_space<hbm>>) dst(%arg15 : memref<16xi32, #tpu.memory_space<vmem>>)
      tpu.yield
    }) : () -> ()
    "tpu.region"() ({
      %run_scoped3A = tpu.sem_alloc : memref<!tpu.dma_semaphore, #tpu.memory_space<semaphore_mem>>
      %dma_start3A_165 = tpu.memref_slice %arg4[%add3A_146] : memref<320000xi32, #tpu.memory_space<hbm>> -> memref<16xi32, #tpu.memory_space<hbm>>
      %dma_start3A_166 = tpu.memref_slice %arg4[%add3A_146] : memref<320000xi32, #tpu.memory_space<hbm>> -> memref<16xi32, #tpu.memory_space<hbm>>
      tpu.enqueue_dma source(%dma_start3A_166 : memref<16xi32, #tpu.memory_space<hbm>>) target(%arg16 : memref<16xi32, #tpu.memory_space<vmem>>) target_semaphore(%run_scoped3A : memref<!tpu.dma_semaphore, #tpu.memory_space<semaphore_mem>>)
      %dma_wait3A_167 = tpu.memref_slice %arg4[%add3A_146] : memref<320000xi32, #tpu.memory_space<hbm>> -> memref<16xi32, #tpu.memory_space<hbm>>
      %dma_wait3A_168 = tpu.memref_slice %arg4[%add3A_146] : memref<320000xi32, #tpu.memory_space<hbm>> -> memref<16xi32, #tpu.memory_space<hbm>>
      tpu.wait_dma2 semaphore(%run_scoped3A : memref<!tpu.dma_semaphore, #tpu.memory_space<semaphore_mem>>) src(%dma_wait3A_168 : memref<16xi32, #tpu.memory_space<hbm>>) dst(%arg16 : memref<16xi32, #tpu.memory_space<vmem>>)
      tpu.yield
    }) : () -> ()
    %dma_start3A_147 = arith.constant 0 : i32
    %dma_start3A_148 = arith.constant 0 : i32
    %dma_start3A_149 = tpu.memref_slice %arg17[%dma_start3A_147, %dma_start3A_148] : memref<128x128xf32, #tpu.memory_space<vmem>> -> memref<16x128xf32, #tpu.memory_space<vmem>>
    %dma_start3A_150 = arith.constant 0 : i32
    %dma_start3A_151 = arith.constant 0 : i32
    %dma_start3A_152 = tpu.memref_slice %arg2[%dma_start3A_150, %dma_start3A_151] : memref<10000x128xf32, #tpu.memory_space<hbm>> -> memref<10000x128xf32, #tpu.memory_space<hbm>>
    tpu.enqueue_indirect_dma source(%dma_start3A_152 : memref<10000x128xf32, #tpu.memory_space<hbm>>) target(%dma_start3A_149 : memref<16x128xf32, #tpu.memory_space<vmem>>) offsets(%arg15 : memref<16xi32, #tpu.memory_space<vmem>>) semaphore(%arg24 : memref<!tpu.dma_semaphore, #tpu.memory_space<semaphore_mem>>)
    %dma_wait3A_153 = arith.constant 0 : i32
    %dma_wait3A_154 = arith.constant 0 : i32
    %dma_wait3A_155 = tpu.memref_slice %arg17[%dma_wait3A_153, %dma_wait3A_154] : memref<128x128xf32, #tpu.memory_space<vmem>> -> memref<16x128xf32, #tpu.memory_space<vmem>>
    %dma_wait3A_156 = arith.constant 0 : i32
    %dma_wait3A_157 = arith.constant 0 : i32
    %dma_wait3A_158 = tpu.memref_slice %arg2[%dma_wait3A_156, %dma_wait3A_157] : memref<10000x128xf32, #tpu.memory_space<hbm>> -> memref<10000x128xf32, #tpu.memory_space<hbm>>
    tpu.wait_indirect_dma semaphore(%arg24 : memref<!tpu.dma_semaphore, #tpu.memory_space<semaphore_mem>>) src(%dma_wait3A_158 : memref<10000x128xf32, #tpu.memory_space<hbm>>) dst(%dma_wait3A_155 : memref<16x128xf32, #tpu.memory_space<vmem>>)
    "tpu.region"() ({
      %run_scoped3A = tpu.sem_alloc : memref<!tpu.dma_semaphore, #tpu.memory_space<semaphore_mem>>
      %dma_start3A_165 = arith.constant 0 : i32
      %dma_start3A_166 = arith.constant 0 : i32
      %dma_start3A_167 = tpu.memref_slice %arg17[%dma_start3A_165, %dma_start3A_166] : memref<128x128xf32, #tpu.memory_space<vmem>> -> memref<16x128xf32, #tpu.memory_space<vmem>>
      %dma_start3A_168 = arith.constant 0 : i32
      %dma_start3A_169 = arith.constant 0 : i32
      %dma_start3A_170 = tpu.memref_slice %arg6[%dma_start3A_168, %dma_start3A_169] : memref<10000x128xf32, #tpu.memory_space<vmem_shared>> -> memref<10000x128xf32, #tpu.memory_space<vmem_shared>>
      tpu.enqueue_indirect_dma source(%dma_start3A_167 : memref<16x128xf32, #tpu.memory_space<vmem>>) target(%dma_start3A_170 : memref<10000x128xf32, #tpu.memory_space<vmem_shared>>) offsets(%arg16 : memref<16xi32, #tpu.memory_space<vmem>>) semaphore(%run_scoped3A : memref<!tpu.dma_semaphore, #tpu.memory_space<semaphore_mem>>) {add = true}
      %dma_wait3A_171 = arith.constant 0 : i32
      %dma_wait3A_172 = arith.constant 0 : i32
      %dma_wait3A_173 = tpu.memref_slice %arg17[%dma_wait3A_171, %dma_wait3A_172] : memref<128x128xf32, #tpu.memory_space<vmem>> -> memref<16x128xf32, #tpu.memory_space<vmem>>
      %dma_wait3A_174 = arith.constant 0 : i32
      %dma_wait3A_175 = arith.constant 0 : i32
      %dma_wait3A_176 = tpu.memref_slice %arg6[%dma_wait3A_174, %dma_wait3A_175] : memref<10000x128xf32, #tpu.memory_space<vmem_shared>> -> memref<10000x128xf32, #tpu.memory_space<vmem_shared>>
      tpu.wait_indirect_dma semaphore(%run_scoped3A : memref<!tpu.dma_semaphore, #tpu.memory_space<semaphore_mem>>) src(%dma_wait3A_173 : memref<16x128xf32, #tpu.memory_space<vmem>>) dst(%dma_wait3A_176 : memref<10000x128xf32, #tpu.memory_space<vmem_shared>>)
      tpu.yield
    }) : () -> ()
    %barrier3A_159 = arith.constant 0 : index
    tpu.barrier barrier_id(%barrier3A_159)
    "tpu.region"() ({
      %run_scoped3A = tpu.sem_alloc : memref<!tpu.dma_semaphore, #tpu.memory_space<semaphore_mem>>
      %dma_start3A_165 = arith.constant 0 : i32
      %dma_start3A_166 = tpu.memref_slice %arg5[%arg0, %mul3A_0, %dma_start3A_165] : memref<2x10000x128xf32, #tpu.memory_space<hbm>> -> memref<1x624x128xf32, #tpu.memory_space<hbm>>
      %dma_start3A_167 = tpu.memref_squeeze %dma_start3A_166 : memref<1x624x128xf32, #tpu.memory_space<hbm>> -> memref<624x128xf32, #tpu.memory_space<hbm>>
      %dma_start3A_168 = arith.constant 0 : i32
      %dma_start3A_169 = tpu.memref_slice %arg6[%mul3A_0, %dma_start3A_168] : memref<10000x128xf32, #tpu.memory_space<vmem_shared>> -> memref<624x128xf32, #tpu.memory_space<vmem_shared>>
      tpu.enqueue_dma source(%dma_start3A_169 : memref<624x128xf32, #tpu.memory_space<vmem_shared>>) target(%dma_start3A_167 : memref<624x128xf32, #tpu.memory_space<hbm>>) target_semaphore(%run_scoped3A : memref<!tpu.dma_semaphore, #tpu.memory_space<semaphore_mem>>)
      %dma_wait3A_170 = arith.constant 0 : i32
      %dma_wait3A_171 = tpu.memref_slice %arg5[%arg0, %mul3A_0, %dma_wait3A_170] : memref<2x10000x128xf32, #tpu.memory_space<hbm>> -> memref<1x624x128xf32, #tpu.memory_space<hbm>>
      %dma_wait3A_172 = tpu.memref_squeeze %dma_wait3A_171 : memref<1x624x128xf32, #tpu.memory_space<hbm>> -> memref<624x128xf32, #tpu.memory_space<hbm>>
      %dma_wait3A_173 = arith.constant 0 : i32
      %dma_wait3A_174 = tpu.memref_slice %arg6[%mul3A_0, %dma_wait3A_173] : memref<10000x128xf32, #tpu.memory_space<vmem_shared>> -> memref<624x128xf32, #tpu.memory_space<vmem_shared>>
      tpu.wait_dma2 semaphore(%run_scoped3A : memref<!tpu.dma_semaphore, #tpu.memory_space<semaphore_mem>>) src(%dma_wait3A_174 : memref<624x128xf32, #tpu.memory_space<vmem_shared>>) dst(%dma_wait3A_172 : memref<624x128xf32, #tpu.memory_space<hbm>>)
      tpu.yield
    }) : () -> ()
    %lt3A_160 = arith.constant 2 : i32
    %lt3A_161 = arith.cmpi slt, %arg1, %lt3A_160 : i32
    %convert_element_type3A_162 = arith.extui %lt3A_161 : i1 to i32
    %cond3A_163 = arith.constant 0 : i32
    %cond3A_164 = arith.cmpi ne, %convert_element_type3A_162, %cond3A_163 : i32
    scf.if %cond3A_164 {
      "tpu.region"() ({
        %run_scoped3A = tpu.sem_alloc : memref<!tpu.dma_semaphore, #tpu.memory_space<semaphore_mem>>
        %dma_start3A_165 = arith.constant 0 : i32
        %dma_start3A_166 = tpu.memref_slice %arg5[%arg0, %add3A_3, %dma_start3A_165] : memref<2x10000x128xf32, #tpu.memory_space<hbm>> -> memref<1x8x128xf32, #tpu.memory_space<hbm>>
        %dma_start3A_167 = tpu.memref_squeeze %dma_start3A_166 : memref<1x8x128xf32, #tpu.memory_space<hbm>> -> memref<8x128xf32, #tpu.memory_space<hbm>>
        %dma_start3A_168 = arith.constant 0 : i32
        %dma_start3A_169 = tpu.memref_slice %arg6[%add3A_3, %dma_start3A_168] : memref<10000x128xf32, #tpu.memory_space<vmem_shared>> -> memref<8x128xf32, #tpu.memory_space<vmem_shared>>
        tpu.enqueue_dma source(%dma_start3A_169 : memref<8x128xf32, #tpu.memory_space<vmem_shared>>) target(%dma_start3A_167 : memref<8x128xf32, #tpu.memory_space<hbm>>) target_semaphore(%run_scoped3A : memref<!tpu.dma_semaphore, #tpu.memory_space<semaphore_mem>>)
        %dma_wait3A_170 = arith.constant 0 : i32
        %dma_wait3A_171 = tpu.memref_slice %arg5[%arg0, %add3A_3, %dma_wait3A_170] : memref<2x10000x128xf32, #tpu.memory_space<hbm>> -> memref<1x8x128xf32, #tpu.memory_space<hbm>>
        %dma_wait3A_172 = tpu.memref_squeeze %dma_wait3A_171 : memref<1x8x128xf32, #tpu.memory_space<hbm>> -> memref<8x128xf32, #tpu.memory_space<hbm>>
        %dma_wait3A_173 = arith.constant 0 : i32
        %dma_wait3A_174 = tpu.memref_slice %arg6[%add3A_3, %dma_wait3A_173] : memref<10000x128xf32, #tpu.memory_space<vmem_shared>> -> memref<8x128xf32, #tpu.memory_space<vmem_shared>>
        tpu.wait_dma2 semaphore(%run_scoped3A : memref<!tpu.dma_semaphore, #tpu.memory_space<semaphore_mem>>) src(%dma_wait3A_174 : memref<8x128xf32, #tpu.memory_space<vmem_shared>>) dst(%dma_wait3A_172 : memref<8x128xf32, #tpu.memory_space<hbm>>)
        tpu.yield
      }) : () -> ()
    } else {
    }
    return
  }
}

module attributes {stable_mosaic.version = 14 : i64} {
  func.func @_layer_body(%arg0: i32, %arg1: memref<2x2000x128xf32, #tpu.memory_space<vmem>>, %arg2: memref<2000x128xf32, #tpu.memory_space<vmem>>, %arg3: memref<128x128xf32, #tpu.memory_space<vmem>>, %arg4: memref<128x128xf32, #tpu.memory_space<vmem>>, %arg5: memref<1x128xf32, #tpu.memory_space<vmem>>, %arg6: memref<2000x128xf32, #tpu.memory_space<vmem>>) attributes {dimension_semantics = [#tpu.dimension_semantics<arbitrary>], iteration_bounds = array<i64: 5>, scalar_prefetch = 0 : i64, scratch_operands = 0 : i64, tpu.core_type = #tpu.core_type<tc>, window_params = [{transform_indices = @transform_0, window_bounds = array<i64: 2, 2000, 128>}, {transform_indices = @transform_1, window_bounds = array<i64: 2000, 128>}, {pipeline_mode = #tpu.pipeline_mode<synchronous>, transform_indices = @transform_2, window_bounds = array<i64: 128, 128>}, {pipeline_mode = #tpu.pipeline_mode<synchronous>, transform_indices = @transform_3, window_bounds = array<i64: 128, 128>}, {pipeline_mode = #tpu.pipeline_mode<synchronous>, transform_indices = @transform_4, window_bounds = array<i64: 1, 128>}, {transform_indices = @transform_5, window_bounds = array<i64: 2000, 128>}]} {
    %get3A = arith.constant 0 : index
    %get3A_0 = arith.constant 0 : index
    %get3A_1 = arith.constant 0 : index
    %get3A_2 = vector.load %arg1[%get3A, %get3A_0, %get3A_1] : memref<2x2000x128xf32, #tpu.memory_space<vmem>>, vector<2x2000x128xf32>
    %slice3A = vector.extract_strided_slice %get3A_2 {offsets = [0, 0, 0], sizes = [1, 2000, 128], strides = [1, 1, 1]} : vector<2x2000x128xf32> to vector<1x2000x128xf32>
    %squeeze3A = vector.shape_cast %slice3A : vector<1x2000x128xf32> to vector<2000x128xf32>
    %slice3A_3 = vector.extract_strided_slice %get3A_2 {offsets = [1, 0, 0], sizes = [1, 2000, 128], strides = [1, 1, 1]} : vector<2x2000x128xf32> to vector<1x2000x128xf32>
    %squeeze3A_4 = vector.shape_cast %slice3A_3 : vector<1x2000x128xf32> to vector<2000x128xf32>
    %add3A = arith.addf %squeeze3A, %squeeze3A_4 : vector<2000x128xf32>
    %get3A_5 = arith.constant 0 : index
    %get3A_6 = arith.constant 0 : index
    %get3A_7 = vector.load %arg3[%get3A_5, %get3A_6] : memref<128x128xf32, #tpu.memory_space<vmem>>, vector<128x128xf32>
    %dot_general3A = arith.constant dense<0.000000e+00> : vector<2000x128xf32>
    %dot_general3A_8 = tpu.matmul %add3A, %get3A_7, %dot_general3A {dimension_numbers = #tpu.dot_dimension_numbers<[1], [0], [0], [1], [0, 0, 1, 1], [], []>, transpose_lhs_hint = false} : vector<2000x128xf32>, vector<128x128xf32>, vector<2000x128xf32> -> vector<2000x128xf32>
    %get3A_9 = arith.constant 0 : index
    %get3A_10 = arith.constant 0 : index
    %get3A_11 = vector.load %arg5[%get3A_9, %get3A_10] : memref<1x128xf32, #tpu.memory_space<vmem>>, vector<1x128xf32>
    %add3A_12 = vector.broadcast %get3A_11 : vector<1x128xf32> to vector<2000x128xf32>
    %add3A_13 = arith.addf %dot_general3A_8, %add3A_12 : vector<2000x128xf32>
    %get3A_14 = arith.constant 0 : index
    %get3A_15 = arith.constant 0 : index
    %get3A_16 = vector.load %arg2[%get3A_14, %get3A_15] : memref<2000x128xf32, #tpu.memory_space<vmem>>, vector<2000x128xf32>
    %get3A_17 = arith.constant 0 : index
    %get3A_18 = arith.constant 0 : index
    %get3A_19 = vector.load %arg4[%get3A_17, %get3A_18] : memref<128x128xf32, #tpu.memory_space<vmem>>, vector<128x128xf32>
    %dot_general3A_20 = arith.constant dense<0.000000e+00> : vector<2000x128xf32>
    %dot_general3A_21 = tpu.matmul %get3A_16, %get3A_19, %dot_general3A_20 {dimension_numbers = #tpu.dot_dimension_numbers<[1], [0], [0], [1], [0, 0, 1, 1], [], []>, transpose_lhs_hint = false} : vector<2000x128xf32>, vector<128x128xf32>, vector<2000x128xf32> -> vector<2000x128xf32>
    %add3A_22 = arith.addf %add3A_13, %dot_general3A_21 : vector<2000x128xf32>
    %max3A = arith.constant 0.000000e+00 : f32
    %max3A_23 = vector.broadcast %max3A : f32 to vector<2000x128xf32>
    %max3A_24 = arith.maximumf %add3A_22, %max3A_23 : vector<2000x128xf32>
    %swap3A = arith.constant 0 : index
    %swap3A_25 = arith.constant 0 : index
    %swap3A_26 = vector.load %arg6[%swap3A, %swap3A_25] : memref<2000x128xf32, #tpu.memory_space<vmem>>, vector<2000x128xf32>
    tpu.vector_store %arg6[%swap3A, %swap3A_25], %max3A_24 {strides = array<i32>} : memref<2000x128xf32, #tpu.memory_space<vmem>>, vector<2000x128xf32>,
    return
  }
  func.func @transform_0(%arg0: i32) -> (i32, i32, i32) {
    %c0_i32 = arith.constant 0 : i32
    %c0_i32_0 = arith.constant 0 : i32
    %c0_i32_1 = arith.constant 0 : i32
    return %c0_i32, %arg0, %c0_i32_0 : i32, i32, i32
  }
  func.func @transform_1(%arg0: i32) -> (i32, i32) {
    %c0_i32 = arith.constant 0 : i32
    %c0_i32_0 = arith.constant 0 : i32
    return %arg0, %c0_i32 : i32, i32
  }
  func.func @transform_2(%arg0: i32) -> (i32, i32) {
    %c0_i32 = arith.constant 0 : i32
    %c0_i32_0 = arith.constant 0 : i32
    %c0_i32_1 = arith.constant 0 : i32
    return %c0_i32, %c0_i32_0 : i32, i32
  }
  func.func @transform_3(%arg0: i32) -> (i32, i32) {
    %c0_i32 = arith.constant 0 : i32
    %c0_i32_0 = arith.constant 0 : i32
    %c0_i32_1 = arith.constant 0 : i32
    return %c0_i32, %c0_i32_0 : i32, i32
  }
  func.func @transform_4(%arg0: i32) -> (i32, i32) {
    %c0_i32 = arith.constant 0 : i32
    %c0_i32_0 = arith.constant 0 : i32
    %c0_i32_1 = arith.constant 0 : i32
    return %c0_i32, %c0_i32_0 : i32, i32
  }
  func.func @transform_5(%arg0: i32) -> (i32, i32) {
    %c0_i32 = arith.constant 0 : i32
    %c0_i32_0 = arith.constant 0 : i32
    return %arg0, %c0_i32 : i32, i32
  }
}

module attributes {stable_mosaic.version = 14 : i64} {
  func.func @_mlp_body(%arg0: i32, %arg1: memref<1000x256xf32, #tpu.memory_space<vmem>>, %arg2: memref<256x384xf32, #tpu.memory_space<vmem>>, %arg3: memref<1x384xf32, #tpu.memory_space<vmem>>, %arg4: memref<384x16xf32, #tpu.memory_space<vmem>>, %arg5: memref<1x16xf32, #tpu.memory_space<vmem>>, %arg6: memref<1000x16xf32, #tpu.memory_space<vmem>>) attributes {dimension_semantics = [#tpu.dimension_semantics<arbitrary>], iteration_bounds = array<i64: 5>, scalar_prefetch = 0 : i64, scratch_operands = 0 : i64, tpu.core_type = #tpu.core_type<tc>, window_params = [{transform_indices = @transform_0, window_bounds = array<i64: 1000, 256>}, {pipeline_mode = #tpu.pipeline_mode<synchronous>, transform_indices = @transform_1, window_bounds = array<i64: 256, 384>}, {pipeline_mode = #tpu.pipeline_mode<synchronous>, transform_indices = @transform_2, window_bounds = array<i64: 1, 384>}, {pipeline_mode = #tpu.pipeline_mode<synchronous>, transform_indices = @transform_3, window_bounds = array<i64: 384, 16>}, {pipeline_mode = #tpu.pipeline_mode<synchronous>, transform_indices = @transform_4, window_bounds = array<i64: 1, 16>}, {transform_indices = @transform_5, window_bounds = array<i64: 1000, 16>}]} {
    %get3A = arith.constant 0 : index
    %get3A_0 = arith.constant 0 : index
    %get3A_1 = vector.load %arg1[%get3A, %get3A_0] : memref<1000x256xf32, #tpu.memory_space<vmem>>, vector<1000x256xf32>
    %get3A_2 = arith.constant 0 : index
    %get3A_3 = arith.constant 0 : index
    %get3A_4 = vector.load %arg2[%get3A_2, %get3A_3] : memref<256x384xf32, #tpu.memory_space<vmem>>, vector<256x384xf32>
    %dot_general3A = arith.constant dense<0.000000e+00> : vector<1000x384xf32>
    %dot_general3A_5 = tpu.matmul %get3A_1, %get3A_4, %dot_general3A {dimension_numbers = #tpu.dot_dimension_numbers<[1], [0], [0], [1], [0, 0, 1, 1], [], []>, transpose_lhs_hint = false} : vector<1000x256xf32>, vector<256x384xf32>, vector<1000x384xf32> -> vector<1000x384xf32>
    %get3A_6 = arith.constant 0 : index
    %get3A_7 = arith.constant 0 : index
    %get3A_8 = vector.load %arg3[%get3A_6, %get3A_7] : memref<1x384xf32, #tpu.memory_space<vmem>>, vector<1x384xf32>
    %add3A = vector.broadcast %get3A_8 : vector<1x384xf32> to vector<1000x384xf32>
    %add3A_9 = arith.addf %dot_general3A_5, %add3A : vector<1000x384xf32>
    %max3A = arith.constant 0.000000e+00 : f32
    %max3A_10 = vector.broadcast %max3A : f32 to vector<1000x384xf32>
    %max3A_11 = arith.maximumf %add3A_9, %max3A_10 : vector<1000x384xf32>
    %get3A_12 = arith.constant 0 : index
    %get3A_13 = arith.constant 0 : index
    %get3A_14 = vector.load %arg4[%get3A_12, %get3A_13] : memref<384x16xf32, #tpu.memory_space<vmem>>, vector<384x16xf32>
    %dot_general3A_15 = arith.constant dense<0.000000e+00> : vector<1000x16xf32>
    %dot_general3A_16 = tpu.matmul %max3A_11, %get3A_14, %dot_general3A_15 {dimension_numbers = #tpu.dot_dimension_numbers<[1], [0], [0], [1], [0, 0, 1, 1], [], []>, transpose_lhs_hint = false} : vector<1000x384xf32>, vector<384x16xf32>, vector<1000x16xf32> -> vector<1000x16xf32>
    %get3A_17 = arith.constant 0 : index
    %get3A_18 = arith.constant 0 : index
    %get3A_19 = vector.load %arg5[%get3A_17, %get3A_18] : memref<1x16xf32, #tpu.memory_space<vmem>>, vector<1x16xf32>
    %add3A_20 = vector.broadcast %get3A_19 : vector<1x16xf32> to vector<1000x16xf32>
    %add3A_21 = arith.addf %dot_general3A_16, %add3A_20 : vector<1000x16xf32>
    %logistic3A = arith.negf %add3A_21 : vector<1000x16xf32>
    %logistic3A_22 = math.exp %logistic3A : vector<1000x16xf32>
    %logistic3A_23 = arith.constant 1.000000e+00 : f32
    %logistic3A_24 = vector.broadcast %logistic3A_23 : f32 to vector<1000x16xf32>
    %logistic3A_25 = arith.addf %logistic3A_24, %logistic3A_22 : vector<1000x16xf32>
    %logistic3A_26 = arith.divf %logistic3A_24, %logistic3A_25 : vector<1000x16xf32>
    %swap3A = arith.constant 0 : index
    %swap3A_27 = arith.constant 0 : index
    %swap3A_28 = vector.load %arg6[%swap3A, %swap3A_27] : memref<1000x16xf32, #tpu.memory_space<vmem>>, vector<1000x16xf32>
    tpu.vector_store %arg6[%swap3A, %swap3A_27], %logistic3A_26 {strides = array<i32>} : memref<1000x16xf32, #tpu.memory_space<vmem>>, vector<1000x16xf32>,
    return
  }
  func.func @transform_0(%arg0: i32) -> (i32, i32) {
    %c0_i32 = arith.constant 0 : i32
    %c0_i32_0 = arith.constant 0 : i32
    return %arg0, %c0_i32 : i32, i32
  }
  func.func @transform_1(%arg0: i32) -> (i32, i32) {
    %c0_i32 = arith.constant 0 : i32
    %c0_i32_0 = arith.constant 0 : i32
    %c0_i32_1 = arith.constant 0 : i32
    return %c0_i32, %c0_i32_0 : i32, i32
  }
  func.func @transform_2(%arg0: i32) -> (i32, i32) {
    %c0_i32 = arith.constant 0 : i32
    %c0_i32_0 = arith.constant 0 : i32
    %c0_i32_1 = arith.constant 0 : i32
    return %c0_i32, %c0_i32_0 : i32, i32
  }
  func.func @transform_3(%arg0: i32) -> (i32, i32) {
    %c0_i32 = arith.constant 0 : i32
    %c0_i32_0 = arith.constant 0 : i32
    %c0_i32_1 = arith.constant 0 : i32
    return %c0_i32, %c0_i32_0 : i32, i32
  }
  func.func @transform_4(%arg0: i32) -> (i32, i32) {
    %c0_i32 = arith.constant 0 : i32
    %c0_i32_0 = arith.constant 0 : i32
    %c0_i32_1 = arith.constant 0 : i32
    return %c0_i32, %c0_i32_0 : i32, i32
  }
  func.func @transform_5(%arg0: i32) -> (i32, i32) {
    %c0_i32 = arith.constant 0 : i32
    %c0_i32_0 = arith.constant 0 : i32
    return %arg0, %c0_i32 : i32, i32
  }
}

</mosaic_0001>

<sc_bundles>
// kernel: kernel.10.cloned.1.call-start
scs
__scs_entry_jumppad:
0x0: {  	(pc) =	sbr.rel $0x88, $3  }
0x1: {  	(tag) =	ssettag $0x0;
	lr =	simm.s32 $0x1  }
0x2: {  	[smem:$0x3F95] =	sst lr;
	_ =	strace $0xD0000000  }
0x3: {  	_ = 	snop  }
0x4: {  	_ = 	snop  }
0x5: {  	_ = 	snop  }
0x6: {  	_ = 	snop  }
0x7: {  	_ = 	snop  }
__scs_overlays_trampoline_lowered:
0x8: {  	[smem:$0x3FA4] =	sst s0  }
0x9: {  	[smem:$0x3FA5] =	sst s1  }
0xa: {  	[smem:$0x3FA6] =	sst s2  }
0xb: {  	[smem:$0x3FA7] =	sst s3  }
0xc: {  	[smem:$0x3FA8] =	sst s4  }
0xd: {  	[smem:$0x3FA9] =	sst s5  }
0xe: {  	[smem:$0x3FAA] =	sst s6  }
0xf: {  	[smem:$0x3FAB] =	sst s7  }
0x10: {  	[smem:$0x3FAC] =	sst s8  }
0x11: {  	[smem:$0x3FAD] =	sst s9;
	s0 =	simm.s32 @!p0 $0x0  }
0x12: {  	s1 =	sld [smem:$0x3F93];
	s0 =	simm.s32 @p0 $0x1  }
0x13: {  	[smem:$0x3FAE] =	sst s0;
	s0 =	simm.s32 @!p1 $0x0  }
0x14: {  	s2 =	sld [smem:$0x3F92];
	s0 =	simm.s32 @p1 $0x1  }
0x15: {  	[smem:$0x3FAF] =	sst s0;
	s0 =	simm.s32 @!p2 $0x0  }
0x16: {  	s3 =	sld [smem:$0x3FDB];
	s0 =	simm.s32 @p2 $0x1  }
0x17: {  	s4 =	simm.s32 $0x1BF5;
	[smem:$0x3FB1] =	sst s0  }
0x18: {  	s0 =	sld [smem:$0x3F94];
	_ =	swait.ge [sflag:s4], $0x0  }
0x19: {  	s7 =	sld [smem:$0x3F95]  }
0x1a: {  	s8 =	sadd.s32 $0xFFFFE003, lr  }
0x1b: {  	s9 =	sadd.s32 $0xFFFFFEF7, lr;
	s5 =	simm.s32 $0xFFFFFFFF;
	p2 =	slt.u32 s8, $0xFFFFF086  }
0x1c: {  	p1 =	slt.u32 s9, $0xF7A;
	s5 =	simm.s32 @!p2 $0x0  }
0x1d: {  	s5 =	simm.s32 @p1 $0x1;
	p0 =	seq.s32 s7, s2  }
0x1e: {  	s7 =	smul.u32 @!p0 $0xF7A, s2;
	p2 =	seq.s32 @!p0 s5, $0x0  }
0x1f: {  	s9 =	smul.u32 $0xF7A, s1;
	s8 =	simm.s32 @!p0 $0x1BF5;
	p2 =	por !p2, p0  }
0x20: {  	[sflag:s8] =	ssyncset.s32 @!p0 $0xFFFFF086;
	s6 =	sadd.s32 @!p0 s3, s7;
	s7 =	simm.s32 @!p0 $0x108  }
0x21: {  	s3 =	sadd.s32 s3, s9;
	s6 =	sadd.s32 @!p0 $0x88, s6;
	s7 =	simm.s32 @p2 $0x1082  }
0x22: {  	[simem:s7], [sflag:s8] =	dma.local @!p0 [hbm:s6], $0xF7A  }
0x23: {  	s9 =	sor.u32 $0xD0000000, s2;
	s6 =	simm.s32 $0x108;
	_ =	swait.ge @!p0 [sflag:s8], $0x0  }
0x24: {  	s3 =	sadd.s32 $0x88, s3;
	s6 =	simm.s32 @!p1 $0x1082;
	[sflag:s4] =	ssyncset.s32 $0xFFFFF086  }
0x25: {  	[simem:s6], [sflag:s4] =	dma.local [hbm:s3], $0xF7A  }
0x26: {  	[smem:$0x3F95] =	sst s1;
	(tag) =	ssettag s2;
	_ =	strace s9  }
0x27: {  	s1 =	sld [smem:$0x3FA5]  }
0x28: {  	s2 =	sld [smem:$0x3FA6]  }
0x29: {  	s4 =	sld [smem:$0x3FA8]  }
0x2a: {  	p0 =	seq.s32 s5, $0x0;
	s5 =	sld [smem:$0x3FA9]  }
0x2b: {  	s6 =	sld [smem:$0x3FAA]  }
0x2c: {  	s7 =	sld [smem:$0x3FAB]  }
0x2d: {  	s3 =	simm.s32 $0x108;
	s8 =	sld [smem:$0x3FAC]  }
0x2e: {  	s3 =	simm.s32 @!p0 $0x1082;
	s9 =	sld [smem:$0x3FAD]  }
0x2f: {  	lr =	sadd.s32 s0, s3;
	s0 =	sld [smem:$0x3FA4]  }
0x30: {  	s3 =	sld [smem:$0x3FA7]  }
0x31: {  	[smem:$0x3FB0] =	sst s10  }
0x32: {  	s10 =	sld [smem:$0x3FAE];
	_ =	sdelay $0x3  }
0x33: {  	p0 =	seq.s32 s10, $0x1;
	s10 =	sld [smem:$0x3FB0];
	_ =	sdelay $0x3  }
0x34: {  	[smem:$0x3FB0] =	sst s10  }
0x35: {  	s10 =	sld [smem:$0x3FAF];
	_ =	sdelay $0x3  }
0x36: {  	p1 =	seq.s32 s10, $0x1;
	s10 =	sld [smem:$0x3FB0];
	_ =	sdelay $0x3  }
0x37: {  	[smem:$0x3FB0] =	sst s10  }
0x38: {  	s10 =	sld [smem:$0x3FB1]  }
0x39: {  	_ = 	snop;
	(pc) =	sbr.ind lr, $3  }
0x3a: {  	_ = 	snop  }
0x3b: {  	_ = 	snop  }
0x3c: {  	p2 =	seq.s32 s10, $0x1;
	s10 =	sld [smem:$0x3FB0]  }
0x3d: {  	_ =	shalt  }
0x3e: {  	_ =	shalt  }
0x3f: {  	_ =	shalt  }
0x40: {  	_ =	shalt  }
0x41: {  	_ =	shalt  }
0x42: {  	_ =	shalt  }
0x43: {  	_ =	shalt  }
0x44: {  	_ =	shalt  }
0x45: {  	_ =	shalt  }
0x46: {  	_ =	shalt  }
0x47: {  	_ =	shalt  }
0x48: {  	_ =	shalt  }
0x49: {  	_ =	shalt  }
0x4a: {  	_ =	shalt  }
0x4b: {  	_ =	shalt  }
0x4c: {  	_ =	shalt  }
0x4d: {  	_ =	shalt  }
0x4e: {  	_ =	shalt  }
0x4f: {  	_ =	shalt  }
0x50: {  	_ =	shalt  }
0x51: {  	_ =	shalt  }
0x52: {  	_ =	shalt  }
0x53: {  	_ =	shalt  }
0x54: {  	_ =	shalt  }
0x55: {  	_ =	shalt  }
0x56: {  	_ =	shalt  }
0x57: {  	_ =	shalt  }
0x58: {  	_ =	shalt  }
0x59: {  	_ =	shalt  }
0x5a: {  	_ =	shalt  }
0x5b: {  	_ =	shalt  }
0x5c: {  	_ =	shalt  }
0x5d: {  	_ =	shalt  }
0x5e: {  	_ =	shalt  }
0x5f: {  	_ =	shalt  }
0x60: {  	_ =	shalt  }
0x61: {  	_ =	shalt  }
0x62: {  	_ =	shalt  }
0x63: {  	_ =	shalt  }
0x64: {  	_ =	shalt  }
0x65: {  	_ =	shalt  }
0x66: {  	_ =	shalt  }
0x67: {  	_ =	shalt  }
0x68: {  	_ =	shalt  }
0x69: {  	_ =	shalt  }
0x6a: {  	_ =	shalt  }
0x6b: {  	_ =	shalt  }
0x6c: {  	_ =	shalt  }
0x6d: {  	_ =	shalt  }
0x6e: {  	_ =	shalt  }
0x6f: {  	_ =	shalt  }
0x70: {  	_ =	shalt  }
0x71: {  	_ =	shalt  }
0x72: {  	_ =	shalt  }
0x73: {  	_ =	shalt  }
0x74: {  	_ =	shalt  }
0x75: {  	_ =	shalt  }
0x76: {  	_ =	shalt  }
0x77: {  	_ =	shalt  }
0x78: {  	_ =	shalt  }
0x79: {  	_ =	shalt  }
0x7a: {  	_ =	shalt  }
0x7b: {  	_ =	shalt  }
0x7c: {  	_ =	shalt  }
0x7d: {  	_ =	shalt  }
0x7e: {  	_ =	shalt  }
0x7f: {  	_ =	shalt  }
0x80: {  	_ =	shalt  }
0x81: {  	_ =	shalt  }
0x82: {  	_ =	shalt  }
0x83: {  	_ =	shalt  }
0x84: {  	_ =	shalt  }
0x85: {  	_ =	shalt  }
0x86: {  	_ =	shalt  }
0x87: {  	_ =	shalt  }
.Lfunc_end0:
.L_simem_size_0:
called_computation.1_lowered:
.L_overlay_start_0:
0x88: {  	s2 =	sld [smem:$0x3FD9]  }
0x89: {  	s3 =	sld [smem:$0x3FFE];
	_ =	sdelay $0x1  }
0x8a: {  	s1 =	srdreg.scid  }
0x8b: {  	s0 =	sand.u32 $0x1, s1  }
0x8c: {  	s14 =	sshll.u32 s0, $0xA;
	s2 =	sadd.s32 s3, s2  }
0x8d: {  	s2 =	sadd.s32 s2, s14  }
0x8e: {  	[smem:$0x3FBC] =	sst s2  }
0x8f: {  	_ = 	snop  }
0x90: {  	s2 =	sld [smem:$0x3FD0];
	_ =	sdelay $0x2  }
0x91: {  	s15 =	simm.s32 $0xA;
	s4 =	simm.s32 $0x10  }
0x92: {  	[smem:s4], [sflag:s15] =	dma.local [hbm:s2], $0x1  }
0x93: {  	_ =	swait.eq [sflag:s15], $0x1  }
0x94: {  	s16 =	sld [smem:$0x11];
	[sflag:s15] =	ssyncset.done $0x0  }
0x95: {  	s17 =	sld [smem:$0x12];
	[sflag:s15] =	ssyncadd.s32 $0xFFFFFFFF  }
0x96: {  	s18 =	sld [smem:$0x13];
	(tm) =	ssettm $0x1  }
0x97: {  	s5 =	sld [smem:$0x3FFB];
	_ =	sdelay $0x3  }
0x98: {  	_ =	strace s5  }
0x99: {  	s5 =	sld [smem:$0x3FFC];
	_ =	sdelay $0x3  }
0x9a: {  	_ =	strace s5  }
0x9b: {  	s5 =	sld [smem:$0x3FFD];
	_ =	sdelay $0x3  }
0x9c: {  	_ =	strace s5  }
0x9d: {  	_ =	strace $0x8FFFFFFF  }
0x9e: {  	s19 =	sld [smem:$0x3FDB];
	_ =	sdelay $0x1  }
0x9f: {  	s6 =	simm.s32 $_scs_section_size  }
0xa0: {  	s7 =	simm.s32 $_size__tile_overlayer_lowered;
	s8 =	simm.s32 $_tile_overlayer_lowered  }
0xa1: {  	s22 =	simm.s32 $0x1BFF;
	s21 =	sshll.u32 s8, $0x1;
	s5 =	sadd.s32 s6, s19  }
0xa2: {  	s9 =	simm.s32 $0x0;
	s20 =	sshll.u32 s7, $0x1;
	s7 =	sadd.s32 s21, s5  }
0xa3: {  	[timem:s9], [sflag:s22] =	dma.local [hbm:s7], s20  }
0xa4: {  	_ =	swait.ge [sflag:s22], s20  }
0xa5: {  	s6 =	ssub.s32 $0x0, s20;
	[sflag:s22] =	ssyncset.done $0x0  }
0xa6: {  	[sflag:s22] =	ssyncadd.s32 s6;
	_ =	sdelay $0x1  }
0xa7: {  	s23 =	simm.s32 $0x1B8B  }
0xa8: {  	_ =	swait.ge [sflag:s23], $0x1  }
0xa9: {  	[sflag:s23] =	ssyncset.done $0x0  }
0xaa: {  	s25 =	simm.s32 $0x1B8E;
	s24 =	sld [smem:$0x3FFE];
	[sflag:s23] =	ssyncadd.s32 $0xFFFFFFFF  }
0xab: {  	s26 =	simm.s32 $execute0_lowered;
	[smem:$0x3FD2] =	sst s25  }
0xac: {  	s7 =	sshll.u32 s26, $0x1;
	_ =	strace $0x80000049;
	[dreg:$0x1] =	wrdreg $0xFFFFFFFF  }
0xad: {  	s28 =	simm.s32 $_size_execute0_lowered;
	s5 =	sadd.s32 s5, s7;
	[dreg:$0x0] =	wrdreg $0x0  }
0xae: {  	s7 =	sshll.u32 s28, $0x1;
	[dreg:$0x2] =	wrdreg s5  }
0xaf: {  	[dreg:$0x3] =	wrdreg s7  }
0xb0: {  	[dreg:$0x4] =	wrdreg $0xC0  }
0xb1: {  	_ =	task [dreg:s9], $0x5FFFF  }
0xb2: {  	[dreg:$0x1] =	wrdreg $0xFFFFFFFF  }
0xb3: {  	[dreg:$0x0] =	wrdreg $0x60  }
0xb4: {  	[dreg:$0x2] =	wrdreg s16  }
0xb5: {  	[dreg:$0x3] =	wrdreg s18  }
0xb6: {  	[dreg:$0x4] =	wrdreg s17  }
0xb7: {  	[dreg:$0x5] =	wrdreg s24  }
0xb8: {  	[dreg:$0x6] =	wrdreg $0x0  }
0xb9: {  	[dreg:$0x7] =	wrdreg $0x9  }
0xba: {  	_ =	task.clear_ibuf [dreg:s9], $0x8FFFF;
	_ =	strace $0x90000049  }
0xbb: {  	s29 =	simm.s32 $0x9;
	_ =	strace $0x8000004B  }
0xbc: {  	_ =	swait.ge [sflag:s29], $0x1  }
0xbd: {  	[sflag:s29] =	ssyncadd.s32 $0xFFFFFFFF  }
0xbe: {  	_ =	strace $0x9000004B  }
0xbf: {  	_ =	sfence  }
0xc0: {  	s30 =	sld [smem:$0x0];
	_ =	sdelay $0x2  }
0xc1: {  	s31 =	sshll.u32 s1, $0xD;
	s1 =	sshrl.u32 s1, $0x2  }
0xc2: {  	s3 =	sand.u32 $0x4000, s31;
	s1 =	sadd.s32 s1, s30  }
0xc3: {  	s0 =	sor.u32 s3, s0;
	s1 =	sshll.u32 s1, $0x11  }
0xc4: {  	s0 =	sor.u32 s1, s0  }
0xc5: {  	s0 =	sadd.s32 $0x8F2B, s0  }
0xc6: {  	[sflag:s0] =	ssyncadd.remote.s32 $0x1  }
0xc7: {  	_ =	sfence.sel $0xFFFF  }
0xc8: {  	[dreg:$0x0] =	wrdreg $0xFFFFFFFF;
	(pc) =	sbr.abs _section_cstart, $3  }
0xc9: {  	[dreg:$0x1] =	wrdreg $0xFFFFFFFF  }
0xca: {  	_ =	task.clear_ibuf [dreg:s9], $0x2FFFF;
	_ =	strace $0x9FFFFFFF  }
0xcb: {  	(tm) =	ssettm $0x7FFFFFFF  }
tec
execute0_lowered:
.L_overlay_start_1:
0x0: {  	(tag) =	ssettag $0x1  }
0x1: {  	s0 =	rddreg [dreg:$0x0]  }
0x2: {  	s1 =	rddreg [dreg:$0x1]  }
0x3: {  	s2 =	rddreg [dreg:$0x2]  }
0x4: {  	s3 =	srdreg.scid;
	s4 =	rddreg [dreg:$0x3]  }
0x5: {  	s5 =	rddreg [dreg:$0x4];
	s15 =	stileid.u32;
	s6 =	simm.s32 $0x0  }
0x6: {  	s28 =	simm.s32 $0x6;
	s29 =	simm.s32 $0x4;
	s30 =	simm.s32 $0x8  }
0x7: {  	s3 =	sand.u32 $0x1, s3;
	[smem:$0x7FF] =	sst s6;
	s4 =	sadd.s32 $0x2800, s4  }
0x8: {  	s25 =	sshll.u32 s15, $0xA;
	p0 =	slt.u32 s15, $0x2;
	p1 =	sgt.u32 s15, $0x1  }
0x9: {  	s7 =	sshll.u32 s3, $0x4;
	s8 =	ssub.s32 $0x2, s3;
	s21 =	smul.u32 $0x138800, s3  }
0xa: {  	s3 =	smul.u32 $0x27100, s3;
	s7 =	sor.u32 s15, s7;
	s9 =	sshrl.u32 s8, $0x1  }
0xb: {  	s7 =	smul.u32 $0x2710, s7;
	s8 =	ssub.s32 s8, s9;
	s9 =	sor.u32 $0x138000, s25  }
0xc: {  	_ =	strace $0x8000004A;
	s25 =	smul.u32 $0x2710, s15;
	s24 =	sadd.s32 s9, s5  }
0xd: {  	s9 =	sadd.s32 s21, s9;
	s10 =	sshrl.u32 s7, $0x3;
	s20 =	sadd.s32 $0x300, s7  }
0xe: {  	s22 =	sadd.s32 $0x380, s7;
	s7 =	sadd.s32 $0x400, s7;
	[dreg:$0x11] =	wrdreg s24  }
0xf: {  	s3 =	sadd.s32 s25, s3;
	s11 =	sadd.s32 s1, s10;
	[dreg:$0x6] =	wrdreg s20  }
0x10: {  	s26 =	sadd.s32 s2, s10;
	s31 =	sadd.s32 $0x10, s10;
	[dreg:$0x7] =	wrdreg s22  }
0x11: {  	s12 =	sadd.s32 $0x20, s10;
	s17 =	sadd.s32 $0x30, s10;
	[dreg:$0x8] =	wrdreg s7  }
0x12: {  	s19 =	sadd.s32 $0x40, s10;
	s10 =	sadd.s32 $0x4E0, s10;
	[dreg:$0x9] =	wrdreg s11  }
0x13: {  	s3 =	sadd.s32 $0x280, s3;
	[dreg:$0xa] =	wrdreg s26;
	s13 =	sadd.s32 s1, s31  }
0x14: {  	s11 =	sadd.s32 s2, s31;
	s14 =	sadd.s32 s1, s12;
	[dreg:$0xb] =	wrdreg s13  }
0x15: {  	s16 =	sadd.s32 s2, s12;
	s18 =	sadd.s32 s1, s17;
	[dreg:$0xc] =	wrdreg s11  }
0x16: {  	s23 =	sadd.s32 s1, s19;
	s31 =	smul.u32 $0x4E000, s15;
	[dreg:$0xd] =	wrdreg s14  }
0x17: {  	s3 =	sshrl.u32 s3, $0x3;
	s12 =	simm.s32 $0x80;
	[dreg:$0xe] =	wrdreg s16  }
0x18: {  	[dreg:$0xf] =	wrdreg s18;
	s11 =	sadd.s32 s2, s17;
	s14 =	smul.u32 $0x13800, s15  }
0x19: {  	[dreg:$0x12] =	wrdreg s23;
	s13 =	sadd.s32 s1, s10;
	s18 =	sshrl.u32 s9, $0x3  }
0x1a: {  	s20 =	sadd.s32 s3, s2;
	s3 =	sadd.s32 s3, s1;
	[dreg:$0x10] =	wrdreg s11  }
0x1b: {  	s9 =	simm.s32 $0x13A80;
	s11 =	sadd.s32 s2, s19;
	[dreg:$0x14] =	wrdreg s13  }
0x1c: {  	s17 =	sshrl.u32 s31, $0x2;
	s19 =	smax.u32 s8, $0x1;
	[dreg:$0x1a] =	wrdreg s20  }
0x1d: {  	[dreg:$0x1b] =	wrdreg s3;
	s3 =	simm.s32 $0x13880;
	s8 =	simm.s32 $0x13A00  }
0x1e: {  	s13 =	simm.s32 $0x13D80;
	s20 =	simm.s32 $0x9;
	[dreg:$0x13] =	wrdreg s11  }
0x1f: {  	s26 =	sadd.s32 s14, s21;
	s14 =	sadd.s32 s2, s10;
	[dreg:$0x19] =	wrdreg s19  }
0x20: {  	s25 =	sadd.s32 s17, s5;
	s10 =	simm.s32 $0x13B00;
	[dreg:$0x15] =	wrdreg s14  }
0x21: {  	s11 =	simm.s32 $0x1;
	s21 =	sadd.s32 $0x3400, s25;
	[dreg:$0x17] =	wrdreg s25  }
0x22: {  	s17 =	simm.s32 $0x13B80;
	s22 =	sadd.s32 $0x6800, s25;
	[dreg:$0x1c] =	wrdreg s21  }
0x23: {  	s16 =	sshrl.u32 s26, $0x3;
	s23 =	sadd.s32 $0x9C00, s25;
	[dreg:$0x1d] =	wrdreg s22  }
0x24: {  	s26 =	sadd.s32 $0xD000, s25;
	s31 =	sadd.s32 $0x10400, s25;
	[dreg:$0x1e] =	wrdreg s23  }
0x25: {  	s14 =	simm.s32 $0x2;
	s7 =	sadd.s32 s4, s16;
	[dreg:$0x1f] =	wrdreg s26  }
0x26: {  	s4 =	sadd.s32 s4, s18;
	[smem:$0x7FD] =	sst s31;
	s16 =	simm.s32 $0x17D80  }
0x27: {  	s18 =	simm.s32 $0x13C00;
	s22 =	simm.s32 $0x5;
	s23 =	simm.s32 $0x3  }
0x28: {  	s26 =	simm.s32 $0x7;
	s21 =	simm.s32 $0x0;
	[dreg:$0x16] =	wrdreg s7  }
0x29: {  	v0 =	vimm.f32 $0.0e+00;
	[dreg:$0x18] =	wrdreg s4;
	s4 =	simm.s32 $0x13900;
	s7 =	simm.s32 $0x13980  }
.LBB2_1:
0x2a: {  	[smem:$0x7FC] =	sst s21  }
0x2b: {  	s15 =	rddreg [dreg:$0x9]  }
0x2c: {  	[tilespmem:s3], [sflag:$0x1] =	stream.linear.gather [hbm4b:s15+s6], $0x80, $0x38;
	[tilespmem:$0x1F180] =	vst v63  }
0x2d: {  	s31 =	rddreg [dreg:$0xa]  }
0x2e: {  	[tilespmem:s4], [sflag:$0x1] =	stream.linear.gather [hbm4b:s31+s6], $0x80, $0x38;
	[tilespmem:$0x1F180] =	vst v63  }
0x2f: {  	s19 =	rddreg [dreg:$0xb]  }
0x30: {  	[tilespmem:s7], [sflag:$0x2] =	stream.linear.gather [hbm4b:s19+s6], $0x80, $0x38;
	[tilespmem:$0x1F180] =	vst v63  }
0x31: {  	s21 =	rddreg [dreg:$0xc]  }
0x32: {  	[tilespmem:s8], [sflag:$0x2] =	stream.linear.gather [hbm4b:s21+s6], $0x80, $0x38;
	[tilespmem:$0x1F180] =	vst v63  }
0x33: {  	s31 =	rddreg [dreg:$0xd]  }
0x34: {  	[tilespmem:s9], [sflag:$0x3] =	stream.linear.gather [hbm4b:s31+s6], $0x80, $0x38;
	[tilespmem:$0x1F180] =	vst v63  }
0x35: {  	s19 =	rddreg [dreg:$0xe]  }
0x36: {  	[tilespmem:s10], [sflag:$0x3] =	stream.linear.gather [hbm4b:s19+s6], $0x80, $0x38;
	[tilespmem:$0x1F180] =	vst v63  }
0x37: {  	_ =	swait.ge [sflag:s11], $0x80  }
0x38: {  	[sflag:s11] =	ssyncset.done $0x0  }
0x39: {  	[sflag:s11] =	ssyncadd.s32 $0xFFFFFF80  }
0x3a: {  	_ =	swait.ge [sflag:s11], $0x80  }
0x3b: {  	[sflag:s11] =	ssyncset.done $0x0  }
0x3c: {  	[sflag:s11] =	ssyncadd.s32 $0xFFFFFF80  }
0x3d: {  	[tilespmem:s13], [sflag:$0x5] =	stream.indirect.gather [hbm4b:s0+s12], $0x80, s3, s12, $0xb8;
	[tilespmem:$0x1F180] =	vst v63  }
0x3e: {  	_ =	swait.ge [sflag:s14], $0x80  }
0x3f: {  	[sflag:s14] =	ssyncset.done $0x0  }
0x40: {  	[sflag:s14] =	ssyncadd.s32 $0xFFFFFF80  }
0x41: {  	_ =	swait.ge [sflag:s14], $0x80  }
0x42: {  	[sflag:s14] =	ssyncset.done $0x0  }
0x43: {  	[sflag:s14] =	ssyncadd.s32 $0xFFFFFF80  }
0x44: {  	[tilespmem:s16], [sflag:$0x6] =	stream.indirect.gather [hbm4b:s0+s12], $0x80, s7, s12, $0xb8;
	[tilespmem:$0x1F180] =	vst v63  }
0x45: {  	s21 =	rddreg [dreg:$0xf]  }
0x46: {  	[tilespmem:s17], [sflag:$0x4] =	stream.linear.gather [hbm4b:s21+s6], $0x80, $0x38;
	[tilespmem:$0x1F180] =	vst v63  }
0x47: {  	s15 =	simm.s32 $0x0;
	s31 =	rddreg [dreg:$0x10];
	s21 =	simm.s32 $0x200  }
0x48: {  	[tilespmem:s18], [sflag:$0x4] =	stream.linear.gather [hbm4b:s31+s6], $0x80, $0x38;
	[tilespmem:$0x1F180] =	vst v63  }
.LBB2_2:
0x49: {  	p2 =	seq.s32 s21, $0xCE00;
	[tilespmem:s15+$0x1BDF0] =	vst v0  }
0x4a: {  	[tilespmem:s15+$0x1BD80] =	vst v0  }
0x4b: {  	[tilespmem:s15+$0x1BD90] =	vst v0  }
.Ltmp0:
0x4c: {  	[tilespmem:s15+$0x1BDA0] =	vst v0;
	(pc) =	sbr.rel @!p2 .LBB2_2-.Ltmp0, $4  }
0x4d: {  	[tilespmem:s15+$0x1BDB0] =	vst v0  }
0x4e: {  	[tilespmem:s15+$0x1BDC0] =	vst v0  }
0x4f: {  	[tilespmem:s15+$0x1BDD0] =	vst v0  }
0x50: {  	[tilespmem:s15+$0x1BDE0] =	vst v0;
	s15 =	sshra.s32 s21, $0x2;
	s21 =	sadd.s32 $0x200, s21  }
0x51: {  	[tilespmem:s15+$0x1BDF0] =	vst v0  }
0x52: {  	[tilespmem:s15+$0x1BD80] =	vst v0  }
0x53: {  	[tilespmem:s15+$0x1BD90] =	vst v0  }
0x54: {  	[tilespmem:s15+$0x1BDA0] =	vst v0  }
0x55: {  	[tilespmem:s15+$0x1BDB0] =	vst v0  }
0x56: {  	[tilespmem:s15+$0x1BDC0] =	vst v0  }
0x57: {  	[tilespmem:s15+$0x1BDD0] =	vst v0  }
0x58: {  	[tilespmem:s15+$0x1BDE0] =	vst v0;
	s19 =	simm.s32 $0x1BD80  }
0x59: {  	[spmem:s25] =	stream.linear.scatter [tilespmem:s19], [sflag:$0x9], $0x3400, $0x38;
	[tilespmem:$0x1F180] =	vst v63  }
0x5a: {  	_ =	swait.ge [sflag:s20], $0x3400  }
0x5b: {  	[sflag:s20] =	ssyncset.done $0x0  }
0x5c: {  	s31 =	rddreg [dreg:$0x1c];
	[sflag:s20] =	ssyncadd.s32 $0xFFFFCC00  }
0x5d: {  	[spmem:s31] =	stream.linear.scatter [tilespmem:s19], [sflag:$0x9], $0x3400, $0x38;
	[tilespmem:$0x1F180] =	vst v63  }
0x5e: {  	_ =	swait.ge [sflag:s20], $0x3400  }
0x5f: {  	[sflag:s20] =	ssyncset.done $0x0  }
0x60: {  	s21 =	rddreg [dreg:$0x1d];
	[sflag:s20] =	ssyncadd.s32 $0xFFFFCC00  }
0x61: {  	[spmem:s21] =	stream.linear.scatter [tilespmem:s19], [sflag:$0x9], $0x3400, $0x38;
	[tilespmem:$0x1F180] =	vst v63  }
0x62: {  	_ =	swait.ge [sflag:s20], $0x3400  }
0x63: {  	[sflag:s20] =	ssyncset.done $0x0  }
0x64: {  	s25 =	rddreg [dreg:$0x1e];
	[sflag:s20] =	ssyncadd.s32 $0xFFFFCC00  }
0x65: {  	[spmem:s25] =	stream.linear.scatter [tilespmem:s19], [sflag:$0x9], $0x3400, $0x38;
	[tilespmem:$0x1F180] =	vst v63  }
0x66: {  	_ =	swait.ge [sflag:s20], $0x3400  }
0x67: {  	[sflag:s20] =	ssyncset.done $0x0  }
0x68: {  	s31 =	rddreg [dreg:$0x1f];
	[sflag:s20] =	ssyncadd.s32 $0xFFFFCC00  }
0x69: {  	[spmem:s31] =	stream.linear.scatter [tilespmem:s19], [sflag:$0x9], $0x3400, $0x38;
	[tilespmem:$0x1F180] =	vst v63  }
0x6a: {  	_ =	swait.ge [sflag:s20], $0x3400  }
0x6b: {  	s21 =	sld [smem:$0x7FD]  }
0x6c: {  	[sflag:s20] =	ssyncset.done $0x0  }
0x6d: {  	[sflag:s20] =	ssyncadd.s32 $0xFFFFCC00  }
0x6e: {  	[spmem:s21] =	stream.linear.scatter [tilespmem:s19], [sflag:$0x9], $0x3400, $0x38;
	[tilespmem:$0x1F180] =	vst v63  }
0x6f: {  	_ =	swait.ge [sflag:s20], $0x3400  }
0x70: {  	[sflag:s20] =	ssyncset.done $0x0  }
0x71: {  	s15 =	simm.s32 @p0 $0x1BD80;
	[sflag:s20] =	ssyncadd.s32 $0xFFFFCC00  }
0x72: {  	[spmem:s24] =	stream.linear.scatter @p0 [tilespmem:s15], [sflag:$0x9], $0x400, $0x38;
	[tilespmem:$0x1F180] =	vst v63  }
0x73: {  	s15 =	simm.s32 @p0 $0x9  }
0x74: {  	_ =	swait.ge @p0 [sflag:s15], $0x400  }
0x75: {  	[sflag:s15] =	ssyncset.done @p0 $0x0  }
0x76: {  	[sflag:s15] =	ssyncadd.s32 @p0 $0xFFFFFC00  }
0x77: {  	[bflag:$0x0] =	sbarrier.arrive $0xFFFF  }
0x78: {  	_ =	swait.ge [sflag:s22], $0x4000  }
0x79: {  	[sflag:s22] =	ssyncset.done $0x0  }
0x7a: {  	[sflag:s22] =	ssyncadd.s32 $0xFFFFC000  }
0x7b: {  	[spmem:s5] =	stream.indirect.scatter.add.f32 [tilespmem:s13], [sflag:$0x7], $0x80, s4, s12, $0xb8;
	[tilespmem:$0x1F180] =	vst v63  }
0x7c: {  	_ =	swait.ge [sflag:s23], $0x80  }
0x7d: {  	[sflag:s23] =	ssyncset.done $0x0  }
0x7e: {  	[sflag:s23] =	ssyncadd.s32 $0xFFFFFF80  }
0x7f: {  	_ =	swait.ge [sflag:s23], $0x80  }
0x80: {  	[sflag:s23] =	ssyncset.done $0x0  }
0x81: {  	[sflag:s23] =	ssyncadd.s32 $0xFFFFFF80  }
0x82: {  	_ =	swait.ge [sflag:s26], $0x4000  }
0x83: {  	[sflag:s26] =	ssyncset.done $0x0  }
0x84: {  	[sflag:s26] =	ssyncadd.s32 $0xFFFFC000  }
0x85: {  	[tilespmem:s13], [sflag:$0x5] =	stream.indirect.gather [hbm4b:s0+s12], $0x80, s9, s12, $0xb8;
	[tilespmem:$0x1F180] =	vst v63  }
0x86: {  	s15 =	simm.s32 $0x0;
	s24 =	rddreg [dreg:$0x12]  }
0x87: {  	[tilespmem:s3], [sflag:$0x1] =	stream.linear.gather [hbm4b:s24+s15], $0x80, $0x38;
	[tilespmem:$0x1F180] =	vst v63  }
0x88: {  	s25 =	rddreg [dreg:$0x13]  }
0x89: {  	[tilespmem:s4], [sflag:$0x1] =	stream.linear.gather [hbm4b:s25+s15], $0x80, $0x38;
	[tilespmem:$0x1F180] =	vst v63  }
0x8a: {  	_ =	swait.ge [sflag:s28], $0x4000  }
0x8b: {  	[sflag:s28] =	ssyncset.done $0x0  }
0x8c: {  	[sflag:s28] =	ssyncadd.s32 $0xFFFFC000  }
0x8d: {  	[spmem:s5] =	stream.indirect.scatter.add.f32 [tilespmem:s16], [sflag:$0x8], $0x80, s8, s12, $0xb8;
	[tilespmem:$0x1F180] =	vst v63  }
0x8e: {  	_ =	swait.ge [sflag:s29], $0x80  }
0x8f: {  	[sflag:s29] =	ssyncset.done $0x0  }
0x90: {  	[sflag:s29] =	ssyncadd.s32 $0xFFFFFF80  }
0x91: {  	_ =	swait.ge [sflag:s29], $0x80  }
0x92: {  	[sflag:s29] =	ssyncset.done $0x0  }
0x93: {  	[sflag:s29] =	ssyncadd.s32 $0xFFFFFF80  }
0x94: {  	_ =	swait.ge [sflag:s30], $0x4000  }
0x95: {  	[sflag:s30] =	ssyncset.done $0x0  }
0x96: {  	[sflag:s30] =	ssyncadd.s32 $0xFFFFC000  }
0x97: {  	[tilespmem:s16], [sflag:$0x6] =	stream.indirect.gather [hbm4b:s0+s12], $0x80, s17, s12, $0xb8;
	[tilespmem:$0x1F180] =	vst v63  }
0x98: {  	s25 =	rddreg [dreg:$0x1b]  }
0x99: {  	[tilespmem:s7], [sflag:$0x2] =	stream.linear.gather [hbm4b:s25+s6], $0x80, $0x38;
	[tilespmem:$0x1F180] =	vst v63  }
0x9a: {  	s19 =	rddreg [dreg:$0x1a]  }
0x9b: {  	[tilespmem:s8], [sflag:$0x2] =	stream.linear.gather [hbm4b:s19+s6], $0x80, $0x38;
	[tilespmem:$0x1F180] =	vst v63  }
0x9c: {  	_ =	swait.ge [sflag:s22], $0x4000  }
0x9d: {  	[sflag:s22] =	ssyncset.done $0x0  }
0x9e: {  	[sflag:s22] =	ssyncadd.s32 $0xFFFFC000  }
0x9f: {  	[spmem:s5] =	stream.indirect.scatter.add.f32 [tilespmem:s13], [sflag:$0x7], $0x80, s10, s12, $0xb8;
	[tilespmem:$0x1F180] =	vst v63  }
0xa0: {  	_ =	swait.ge [sflag:s11], $0x80  }
0xa1: {  	[sflag:s11] =	ssyncset.done $0x0  }
0xa2: {  	[sflag:s11] =	ssyncadd.s32 $0xFFFFFF80  }
0xa3: {  	_ =	swait.ge [sflag:s11], $0x80  }
0xa4: {  	[sflag:s11] =	ssyncset.done $0x0  }
0xa5: {  	[sflag:s11] =	ssyncadd.s32 $0xFFFFFF80  }
0xa6: {  	s31 =	smin.u32 s15, $0x47;
	_ =	swait.ge [sflag:s26], $0x4000  }
0xa7: {  	s24 =	sshll.u32 s31, $0x7;
	s21 =	rddreg [dreg:$0x6]  }
0xa8: {  	[sflag:s26] =	ssyncset.done $0x0;
	s21 =	sadd.s32 s24, s21  }
0xa9: {  	[sflag:s26] =	ssyncadd.s32 $0xFFFFC000;
	s21 =	sshrl.u32 s21, $0x3  }
0xaa: {  	[tilespmem:s13], [sflag:$0x5] =	stream.indirect.gather [hbm4b:s0+s12], $0x80, s3, s12, $0xb8;
	[tilespmem:$0x1F180] =	vst v63  }
0xab: {  	s31 =	sadd.s32 s1, s21  }
0xac: {  	[tilespmem:s9], [sflag:$0x3] =	stream.linear.gather [hbm4b:s31+s6], $0x80, $0x38;
	[tilespmem:$0x1F180] =	vst v63  }
0xad: {  	s21 =	sadd.s32 s2, s21  }
0xae: {  	[tilespmem:s10], [sflag:$0x3] =	stream.linear.gather [hbm4b:s21+s6], $0x80, $0x38;
	[tilespmem:$0x1F180] =	vst v63  }
0xaf: {  	_ =	swait.ge [sflag:s28], $0x4000  }
0xb0: {  	[sflag:s28] =	ssyncset.done $0x0  }
0xb1: {  	[sflag:s28] =	ssyncadd.s32 $0xFFFFC000  }
0xb2: {  	[spmem:s5] =	stream.indirect.scatter.add.f32 [tilespmem:s16], [sflag:$0x8], $0x80, s18, s12, $0xb8;
	[tilespmem:$0x1F180] =	vst v63  }
0xb3: {  	_ =	swait.ge [sflag:s14], $0x80  }
0xb4: {  	[sflag:s14] =	ssyncset.done $0x0  }
0xb5: {  	[sflag:s14] =	ssyncadd.s32 $0xFFFFFF80  }
0xb6: {  	_ =	swait.ge [sflag:s14], $0x80  }
0xb7: {  	[sflag:s14] =	ssyncset.done $0x0  }
0xb8: {  	[sflag:s14] =	ssyncadd.s32 $0xFFFFFF80  }
0xb9: {  	s24 =	smin.u32 s15, $0x46;
	_ =	swait.ge [sflag:s30], $0x4000  }
0xba: {  	s21 =	sshll.u32 s24, $0x7;
	[sflag:s30] =	ssyncset.done $0x0;
	s31 =	rddreg [dreg:$0x7]  }
0xbb: {  	[sflag:s30] =	ssyncadd.s32 $0xFFFFC000;
	s21 =	sadd.s32 s21, s31  }
0xbc: {  	[tilespmem:s16], [sflag:$0x6] =	stream.indirect.gather [hbm4b:s0+s12], $0x80, s7, s12, $0xb8;
	[tilespmem:$0x1F180] =	vst v63  }
0xbd: {  	s21 =	sshrl.u32 s21, $0x3  }
0xbe: {  	s31 =	sadd.s32 s1, s21  }
0xbf: {  	[tilespmem:s17], [sflag:$0x4] =	stream.linear.gather [hbm4b:s31+s6], $0x80, $0x38;
	[tilespmem:$0x1F180] =	vst v63  }
0xc0: {  	s21 =	sadd.s32 s2, s21  }
0xc1: {  	[tilespmem:s18], [sflag:$0x4] =	stream.linear.gather [hbm4b:s21+s6], $0x80, $0x38;
	[tilespmem:$0x1F180] =	vst v63  }
0xc2: {  	_ =	swait.ge [sflag:s22], $0x4000  }
0xc3: {  	[sflag:s22] =	ssyncset.done $0x0  }
0xc4: {  	[sflag:s22] =	ssyncadd.s32 $0xFFFFC000  }
0xc5: {  	[spmem:s5] =	stream.indirect.scatter.add.f32 [tilespmem:s13], [sflag:$0x7], $0x80, s4, s12, $0xb8;
	[tilespmem:$0x1F180] =	vst v63  }
0xc6: {  	_ =	swait.ge [sflag:s23], $0x80  }
0xc7: {  	[sflag:s23] =	ssyncset.done $0x0  }
0xc8: {  	[sflag:s23] =	ssyncadd.s32 $0xFFFFFF80  }
0xc9: {  	_ =	swait.ge [sflag:s23], $0x80  }
0xca: {  	[sflag:s23] =	ssyncset.done $0x0  }
0xcb: {  	[sflag:s23] =	ssyncadd.s32 $0xFFFFFF80  }
0xcc: {  	s15 =	smin.u32 s15, $0x45;
	_ =	swait.ge [sflag:s26], $0x4000  }
0xcd: {  	s15 =	sshll.u32 s15, $0x7;
	[sflag:s26] =	ssyncset.done $0x0;
	s24 =	rddreg [dreg:$0x8]  }
0xce: {  	[sflag:s26] =	ssyncadd.s32 $0xFFFFC000;
	s15 =	sadd.s32 s15, s24  }
0xcf: {  	[tilespmem:s13], [sflag:$0x5] =	stream.indirect.gather [hbm4b:s0+s12], $0x80, s9, s12, $0xb8;
	[tilespmem:$0x1F180] =	vst v63  }
0xd0: {  	s15 =	sshrl.u32 s15, $0x3  }
0xd1: {  	s31 =	sadd.s32 s1, s15  }
0xd2: {  	[tilespmem:s3], [sflag:$0x1] =	stream.linear.gather [hbm4b:s31+s6], $0x80, $0x38;
	[tilespmem:$0x1F180] =	vst v63  }
0xd3: {  	s15 =	sadd.s32 s2, s15  }
0xd4: {  	[tilespmem:s4], [sflag:$0x1] =	stream.linear.gather [hbm4b:s15+s6], $0x80, $0x38;
	[tilespmem:$0x1F180] =	vst v63  }
0xd5: {  	s24 =	smov.u32 s19;
	s15 =	simm.s32 $0x4;
	_ =	swait.ge [sflag:s28], $0x4000  }
.LBB2_4:
0xd6: {  	[sflag:s28] =	ssyncset.done $0x0  }
0xd7: {  	[sflag:s28] =	ssyncadd.s32 $0xFFFFC000  }
0xd8: {  	[spmem:s5] =	stream.indirect.scatter.add.f32 [tilespmem:s16], [sflag:$0x8], $0x80, s8, s12, $0xb8;
	[tilespmem:$0x1F180] =	vst v63  }
0xd9: {  	_ =	swait.ge [sflag:s29], $0x80  }
0xda: {  	[sflag:s29] =	ssyncset.done $0x0  }
0xdb: {  	[sflag:s29] =	ssyncadd.s32 $0xFFFFFF80  }
0xdc: {  	_ =	swait.ge [sflag:s29], $0x80  }
0xdd: {  	[sflag:s29] =	ssyncset.done $0x0  }
0xde: {  	[sflag:s29] =	ssyncadd.s32 $0xFFFFFF80  }
0xdf: {  	_ =	swait.ge [sflag:s30], $0x4000  }
0xe0: {  	[sflag:s30] =	ssyncset.done $0x0  }
0xe1: {  	[sflag:s30] =	ssyncadd.s32 $0xFFFFC000  }
0xe2: {  	[tilespmem:s16], [sflag:$0x6] =	stream.indirect.gather [hbm4b:s0+s12], $0x80, s17, s12, $0xb8;
	[tilespmem:$0x1F180] =	vst v63  }
0xe3: {  	s25 =	sadd.s32 $0x40, s25  }
0xe4: {  	[tilespmem:s7], [sflag:$0x2] =	stream.linear.gather [hbm4b:s25+s6], $0x80, $0x38;
	[tilespmem:$0x1F180] =	vst v63  }
0xe5: {  	s24 =	sadd.s32 $0x40, s24  }
0xe6: {  	[tilespmem:s8], [sflag:$0x2] =	stream.linear.gather [hbm4b:s24+s6], $0x80, $0x38;
	[tilespmem:$0x1F180] =	vst v63  }
0xe7: {  	_ =	swait.ge [sflag:s22], $0x4000  }
0xe8: {  	[sflag:s22] =	ssyncset.done $0x0  }
0xe9: {  	[sflag:s22] =	ssyncadd.s32 $0xFFFFC000  }
0xea: {  	[spmem:s5] =	stream.indirect.scatter.add.f32 [tilespmem:s13], [sflag:$0x7], $0x80, s10, s12, $0xb8;
	[tilespmem:$0x1F180] =	vst v63  }
0xeb: {  	_ =	swait.ge [sflag:s11], $0x80  }
0xec: {  	[sflag:s11] =	ssyncset.done $0x0  }
0xed: {  	[sflag:s11] =	ssyncadd.s32 $0xFFFFFF80  }
0xee: {  	_ =	swait.ge [sflag:s11], $0x80  }
0xef: {  	[sflag:s11] =	ssyncset.done $0x0  }
0xf0: {  	s21 =	smov.u32 s15;
	[sflag:s11] =	ssyncadd.s32 $0xFFFFFF80  }
0xf1: {  	s31 =	smin.u32 s21, $0x47;
	_ =	swait.ge [sflag:s26], $0x4000  }
0xf2: {  	s31 =	sshll.u32 s31, $0x7;
	s19 =	rddreg [dreg:$0x6]  }
0xf3: {  	[sflag:s26] =	ssyncset.done $0x0;
	s19 =	sadd.s32 s31, s19  }
0xf4: {  	[sflag:s26] =	ssyncadd.s32 $0xFFFFC000;
	s19 =	sshrl.u32 s19, $0x3  }
0xf5: {  	[tilespmem:s13], [sflag:$0x5] =	stream.indirect.gather [hbm4b:s0+s12], $0x80, s3, s12, $0xb8;
	[tilespmem:$0x1F180] =	vst v63  }
0xf6: {  	s31 =	sadd.s32 s1, s19  }
0xf7: {  	[tilespmem:s9], [sflag:$0x3] =	stream.linear.gather [hbm4b:s31+s6], $0x80, $0x38;
	[tilespmem:$0x1F180] =	vst v63  }
0xf8: {  	s19 =	sadd.s32 s2, s19  }
0xf9: {  	[tilespmem:s10], [sflag:$0x3] =	stream.linear.gather [hbm4b:s19+s6], $0x80, $0x38;
	[tilespmem:$0x1F180] =	vst v63  }
0xfa: {  	_ =	swait.ge [sflag:s28], $0x4000  }
0xfb: {  	[sflag:s28] =	ssyncset.done $0x0  }
0xfc: {  	[sflag:s28] =	ssyncadd.s32 $0xFFFFC000  }
0xfd: {  	[spmem:s5] =	stream.indirect.scatter.add.f32 [tilespmem:s16], [sflag:$0x8], $0x80, s18, s12, $0xb8;
	[tilespmem:$0x1F180] =	vst v63  }
0xfe: {  	_ =	swait.ge [sflag:s14], $0x80  }
0xff: {  	[sflag:s14] =	ssyncset.done $0x0  }
0x100: {  	[sflag:s14] =	ssyncadd.s32 $0xFFFFFF80  }
0x101: {  	_ =	swait.ge [sflag:s14], $0x80  }
0x102: {  	[sflag:s14] =	ssyncset.done $0x0  }
0x103: {  	[sflag:s14] =	ssyncadd.s32 $0xFFFFFF80  }
0x104: {  	s31 =	smin.u32 s21, $0x46;
	_ =	swait.ge [sflag:s30], $0x4000  }
0x105: {  	s19 =	sshll.u32 s31, $0x7;
	[sflag:s30] =	ssyncset.done $0x0;
	s31 =	rddreg [dreg:$0x7]  }
0x106: {  	[sflag:s30] =	ssyncadd.s32 $0xFFFFC000;
	s19 =	sadd.s32 s19, s31  }
0x107: {  	[tilespmem:s16], [sflag:$0x6] =	stream.indirect.gather [hbm4b:s0+s12], $0x80, s7, s12, $0xb8;
	[tilespmem:$0x1F180] =	vst v63  }
0x108: {  	s19 =	sshrl.u32 s19, $0x3  }
0x109: {  	s31 =	sadd.s32 s1, s19  }
0x10a: {  	[tilespmem:s17], [sflag:$0x4] =	stream.linear.gather [hbm4b:s31+s6], $0x80, $0x38;
	[tilespmem:$0x1F180] =	vst v63  }
0x10b: {  	s19 =	sadd.s32 s2, s19  }
0x10c: {  	[tilespmem:s18], [sflag:$0x4] =	stream.linear.gather [hbm4b:s19+s6], $0x80, $0x38;
	[tilespmem:$0x1F180] =	vst v63  }
0x10d: {  	_ =	swait.ge [sflag:s22], $0x4000  }
0x10e: {  	[sflag:s22] =	ssyncset.done $0x0  }
0x10f: {  	[sflag:s22] =	ssyncadd.s32 $0xFFFFC000  }
0x110: {  	[spmem:s5] =	stream.indirect.scatter.add.f32 [tilespmem:s13], [sflag:$0x7], $0x80, s4, s12, $0xb8;
	[tilespmem:$0x1F180] =	vst v63  }
0x111: {  	_ =	swait.ge [sflag:s23], $0x80  }
0x112: {  	[sflag:s23] =	ssyncset.done $0x0  }
0x113: {  	[sflag:s23] =	ssyncadd.s32 $0xFFFFFF80  }
0x114: {  	_ =	swait.ge [sflag:s23], $0x80  }
0x115: {  	[sflag:s23] =	ssyncset.done $0x0  }
0x116: {  	[sflag:s23] =	ssyncadd.s32 $0xFFFFFF80  }
0x117: {  	s21 =	smin.u32 s21, $0x45;
	_ =	swait.ge [sflag:s26], $0x4000  }
0x118: {  	s19 =	sshll.u32 s21, $0x7;
	[sflag:s26] =	ssyncset.done $0x0;
	s31 =	rddreg [dreg:$0x8]  }
0x119: {  	[sflag:s26] =	ssyncadd.s32 $0xFFFFC000;
	s19 =	sadd.s32 s19, s31  }
0x11a: {  	[tilespmem:s13], [sflag:$0x5] =	stream.indirect.gather [hbm4b:s0+s12], $0x80, s9, s12, $0xb8;
	[tilespmem:$0x1F180] =	vst v63  }
0x11b: {  	p2 =	sne.s32 s15, $0x48;
	s19 =	sshrl.u32 s19, $0x3  }
.Ltmp1:
0x11c: {  	s31 =	sadd.s32 s1, s19;
	(pc) =	sbr.rel @p2 .LBB2_4-.Ltmp1, $4  }
0x11d: {  	[tilespmem:s3], [sflag:$0x1] =	stream.linear.gather [hbm4b:s31+s6], $0x80, $0x38;
	[tilespmem:$0x1F180] =	vst v63  }
0x11e: {  	s19 =	sadd.s32 s2, s19  }
0x11f: {  	[tilespmem:s4], [sflag:$0x1] =	stream.linear.gather [hbm4b:s19+s6], $0x80, $0x38;
	[tilespmem:$0x1F180] =	vst v63  }
0x120: {  	s15 =	sadd.s32 $0x4, s15;
	_ =	swait.ge [sflag:s28], $0x4000  }
0x121: {  	[sflag:s28] =	ssyncset.done $0x0  }
0x122: {  	[sflag:s28] =	ssyncadd.s32 $0xFFFFC000  }
0x123: {  	[spmem:s5] =	stream.indirect.scatter.add.f32 [tilespmem:s16], [sflag:$0x8], $0x80, s8, s12, $0xb8;
	[tilespmem:$0x1F180] =	vst v63  }
0x124: {  	_ =	swait.ge [sflag:s29], $0x80  }
0x125: {  	[sflag:s29] =	ssyncset.done $0x0  }
0x126: {  	[sflag:s29] =	ssyncadd.s32 $0xFFFFFF80  }
0x127: {  	_ =	swait.ge [sflag:s29], $0x80  }
0x128: {  	[sflag:s29] =	ssyncset.done $0x0  }
0x129: {  	[sflag:s29] =	ssyncadd.s32 $0xFFFFFF80  }
0x12a: {  	_ =	swait.ge [sflag:s11], $0x80  }
0x12b: {  	[sflag:s11] =	ssyncset.done $0x0  }
0x12c: {  	[sflag:s11] =	ssyncadd.s32 $0xFFFFFF80  }
0x12d: {  	_ =	swait.ge [sflag:s11], $0x80  }
0x12e: {  	[sflag:s11] =	ssyncset.done $0x0  }
0x12f: {  	[sflag:s11] =	ssyncadd.s32 $0xFFFFFF80  }
0x130: {  	_ =	swait.ge [sflag:s22], $0x4000  }
0x131: {  	[sflag:s22] =	ssyncset.done $0x0  }
0x132: {  	[sflag:s22] =	ssyncadd.s32 $0xFFFFC000  }
0x133: {  	_ =	swait.ge [sflag:s30], $0x4000  }
0x134: {  	[sflag:s30] =	ssyncset.done $0x0  }
0x135: {  	s19 =	simm.s32 $0x13C80;
	s15 =	rddreg [dreg:$0x14];
	[sflag:s30] =	ssyncadd.s32 $0xFFFFC000  }
0x136: {  	[tilespmem:s19], [sflag:$0x9] =	stream.linear.gather [hbm4b:s15+s6], $0x10, $0x38;
	[tilespmem:$0x1F180] =	vst v63  }
0x137: {  	_ =	swait.ge [sflag:s20], $0x10  }
0x138: {  	[sflag:s20] =	ssyncset.done $0x0  }
0x139: {  	s21 =	simm.s32 $0x13D00;
	s25 =	rddreg [dreg:$0x15];
	[sflag:s20] =	ssyncadd.s32 $0xFFFFFFF0  }
0x13a: {  	[tilespmem:s21], [sflag:$0x9] =	stream.linear.gather [hbm4b:s25+s6], $0x10, $0x38;
	[tilespmem:$0x1F180] =	vst v63  }
0x13b: {  	_ =	swait.ge [sflag:s20], $0x10  }
0x13c: {  	[sflag:s20] =	ssyncset.done $0x0  }
0x13d: {  	s31 =	simm.s32 $0x10;
	[sflag:s20] =	ssyncadd.s32 $0xFFFFFFF0  }
0x13e: {  	[tilespmem:s13], [sflag:$0x5] =	stream.indirect.gather [hbm4b:s0+s31], $0x80, s19, s31, $0xb8;
	[tilespmem:$0x1F180] =	vst v63  }
0x13f: {  	_ =	swait.ge [sflag:s22], $0x800  }
0x140: {  	[sflag:s22] =	ssyncset.done $0x0  }
0x141: {  	[sflag:s22] =	ssyncadd.s32 $0xFFFFF800  }
0x142: {  	[spmem:s5] =	stream.indirect.scatter.add.f32 [tilespmem:s13], [sflag:$0x9], $0x80, s21, s31, $0xb8;
	[tilespmem:$0x1F180] =	vst v63  }
0x143: {  	_ =	swait.ge [sflag:s20], $0x800  }
0x144: {  	[sflag:s20] =	ssyncset.done $0x0  }
0x145: {  	[sflag:s20] =	ssyncadd.s32 $0xFFFFF800  }
0x146: {  	s21 =	stileid.u32;
	[bflag:$0x0] =	sbarrier.arrive $0xFFFF  }
0x147: {  	s15 =	sshll.u32 s21, $0x6;
	s25 =	rddreg [dreg:$0x17]  }
0x148: {  	s15 =	sor.u32 $0x1C09, s15;
	s31 =	rddreg [dreg:$0x16];
	s24 =	sshrl.u32 s25, $0x3  }
0x149: {  	[hbm:s31], [sflag:s15] =	dma.local [spmem:s24], $0x2700  }
0x14a: {  	_ =	swait.ge [sflag:s20], $0x2700  }
0x14b: {  	[sflag:s20] =	ssyncset.done $0x0;
	s24 =	rddreg [dreg:$0x11]  }
0x14c: {  	s21 =	rddreg [dreg:$0x18];
	[sflag:s20] =	ssyncadd.s32 $0xFFFFD900;
	s19 =	sshrl.u32 @!p1 s24, $0x3  }
0x14d: {  	[hbm:s21], [sflag:s15] =	dma.local @!p1 [spmem:s19], $0x80  }
0x14e: {  	s15 =	simm.s32 @!p1 $0x9  }
0x14f: {  	_ =	swait.ge @!p1 [sflag:s15], $0x80  }
0x150: {  	s19 =	sld [smem:$0x7FC];
	_ =	sdelay $0x2  }
0x151: {  	s31 =	rddreg [dreg:$0x19];
	s21 =	sadd.s32 $0x1, s19  }
0x152: {  	p2 =	sne.s32 s21, s31  }
.Ltmp2:
0x153: {  	_ = 	snop;
	(pc) =	sbr.rel @p2 .LBB2_1-.Ltmp2, $3  }
0x154: {  	_ =	sdelay $0x1  }
0x155: {  	[sflag:s15] =	ssyncset.done @!p1 $0x0  }
0x156: {  	[sflag:s15] =	ssyncadd.s32 @!p1 $0xFFFFFF80  }
0x157: {  	_ =	sfence.sel $0x180000  }
0x158: {  	[bflag:$0x0] =	sbarrier.arrive $0xFFFF  }
0x159: {  	_ =	strace $0x9000004A  }
0x15a: {  	s0 =	stileid.u32;
	[bflag:$0x2] =	sbarrier.arrive $0xFFFF  }
0x15b: {  	p0 =	sne.s32 s0, $0x0;
	s0 =	rddreg [dreg:$0x5]  }
0x15c: {  	s0 =	sadd.s32 @!p0 $0x100000, s0  }
0x15d: {  	[sflag:s0] =	ssyncadd.tile.s32 @!p0 $0x1;
	_ =	shalt  }
.Lfunc_end2:
_tile_overlayer_lowered:
.L_overlay_start_2:
0x15e: {  	(tag) =	ssettag $0x2  }
0x15f: {  	s0 =	rddreg [dreg:$0x0];
	s2 =	stileid.u32  }
0x160: {  	s1 =	rddreg [dreg:$0x1];
	p0 =	sne.s32 s2, $0x0  }
0x161: {  	s3 =	rddreg [dreg:$0x2];
	[bflag:$0x3] =	sbarrier.arrive $0xFFFF;
	s2 =	simm.s32 @!p0 $0x1C09  }
0x162: {  	[timem:s3], [sflag:s2] =	dma.local @!p0 [hbm:s0], s1  }
0x163: {  	s0 =	simm.s32 @!p0 $0x9  }
0x164: {  	_ =	swait.ge @!p0 [sflag:s0], s1  }
0x165: {  	s1 =	ssub.s32 @!p0 $0x0, s1;
	[sflag:s0] =	ssyncset.done @!p0 $0x0  }
0x166: {  	[sflag:s0] =	ssyncadd.s32 @!p0 s1  }
0x167: {  	[bflag:$0x3] =	sbarrier.arrive $0xFFFF  }
0x168: {  	_ =	shalt  }

// kernel: kernel.7.cloned.1.call-start
scs
__scs_entry_jumppad:
0x0: {  	(pc) =	sbr.rel $0x88, $3  }
0x1: {  	(tag) =	ssettag $0x0;
	lr =	simm.s32 $0x1  }
0x2: {  	[smem:$0x3F95] =	sst lr;
	_ =	strace $0xD0000000  }
0x3: {  	_ = 	snop  }
0x4: {  	_ = 	snop  }
0x5: {  	_ = 	snop  }
0x6: {  	_ = 	snop  }
0x7: {  	_ = 	snop  }
__scs_overlays_trampoline_lowered:
0x8: {  	[smem:$0x3FA4] =	sst s0  }
0x9: {  	[smem:$0x3FA5] =	sst s1  }
0xa: {  	[smem:$0x3FA6] =	sst s2  }
0xb: {  	[smem:$0x3FA7] =	sst s3  }
0xc: {  	[smem:$0x3FA8] =	sst s4  }
0xd: {  	[smem:$0x3FA9] =	sst s5  }
0xe: {  	[smem:$0x3FAA] =	sst s6  }
0xf: {  	[smem:$0x3FAB] =	sst s7  }
0x10: {  	[smem:$0x3FAC] =	sst s8  }
0x11: {  	[smem:$0x3FAD] =	sst s9;
	s0 =	simm.s32 @!p0 $0x0  }
0x12: {  	s1 =	sld [smem:$0x3F93];
	s0 =	simm.s32 @p0 $0x1  }
0x13: {  	[smem:$0x3FAE] =	sst s0;
	s0 =	simm.s32 @!p1 $0x0  }
0x14: {  	s2 =	sld [smem:$0x3F92];
	s0 =	simm.s32 @p1 $0x1  }
0x15: {  	[smem:$0x3FAF] =	sst s0;
	s0 =	simm.s32 @!p2 $0x0  }
0x16: {  	s3 =	sld [smem:$0x3FDB];
	s0 =	simm.s32 @p2 $0x1  }
0x17: {  	s4 =	simm.s32 $0x1BF5;
	[smem:$0x3FB1] =	sst s0  }
0x18: {  	s0 =	sld [smem:$0x3F94];
	_ =	swait.ge [sflag:s4], $0x0  }
0x19: {  	s7 =	sld [smem:$0x3F95]  }
0x1a: {  	s8 =	sadd.s32 $0xFFFFE003, lr  }
0x1b: {  	s9 =	sadd.s32 $0xFFFFFEF7, lr;
	s5 =	simm.s32 $0xFFFFFFFF;
	p2 =	slt.u32 s8, $0xFFFFF086  }
0x1c: {  	p1 =	slt.u32 s9, $0xF7A;
	s5 =	simm.s32 @!p2 $0x0  }
0x1d: {  	s5 =	simm.s32 @p1 $0x1;
	p0 =	seq.s32 s7, s2  }
0x1e: {  	s7 =	smul.u32 @!p0 $0xF7A, s2;
	p2 =	seq.s32 @!p0 s5, $0x0  }
0x1f: {  	s9 =	smul.u32 $0xF7A, s1;
	s8 =	simm.s32 @!p0 $0x1BF5;
	p2 =	por !p2, p0  }
0x20: {  	[sflag:s8] =	ssyncset.s32 @!p0 $0xFFFFF086;
	s6 =	sadd.s32 @!p0 s3, s7;
	s7 =	simm.s32 @!p0 $0x108  }
0x21: {  	s3 =	sadd.s32 s3, s9;
	s6 =	sadd.s32 @!p0 $0x88, s6;
	s7 =	simm.s32 @p2 $0x1082  }
0x22: {  	[simem:s7], [sflag:s8] =	dma.local @!p0 [hbm:s6], $0xF7A  }
0x23: {  	s9 =	sor.u32 $0xD0000000, s2;
	s6 =	simm.s32 $0x108;
	_ =	swait.ge @!p0 [sflag:s8], $0x0  }
0x24: {  	s3 =	sadd.s32 $0x88, s3;
	s6 =	simm.s32 @!p1 $0x1082;
	[sflag:s4] =	ssyncset.s32 $0xFFFFF086  }
0x25: {  	[simem:s6], [sflag:s4] =	dma.local [hbm:s3], $0xF7A  }
0x26: {  	[smem:$0x3F95] =	sst s1;
	(tag) =	ssettag s2;
	_ =	strace s9  }
0x27: {  	s1 =	sld [smem:$0x3FA5]  }
0x28: {  	s2 =	sld [smem:$0x3FA6]  }
0x29: {  	s4 =	sld [smem:$0x3FA8]  }
0x2a: {  	p0 =	seq.s32 s5, $0x0;
	s5 =	sld [smem:$0x3FA9]  }
0x2b: {  	s6 =	sld [smem:$0x3FAA]  }
0x2c: {  	s7 =	sld [smem:$0x3FAB]  }
0x2d: {  	s3 =	simm.s32 $0x108;
	s8 =	sld [smem:$0x3FAC]  }
0x2e: {  	s3 =	simm.s32 @!p0 $0x1082;
	s9 =	sld [smem:$0x3FAD]  }
0x2f: {  	lr =	sadd.s32 s0, s3;
	s0 =	sld [smem:$0x3FA4]  }
0x30: {  	s3 =	sld [smem:$0x3FA7]  }
0x31: {  	[smem:$0x3FB0] =	sst s10  }
0x32: {  	s10 =	sld [smem:$0x3FAE];
	_ =	sdelay $0x3  }
0x33: {  	p0 =	seq.s32 s10, $0x1;
	s10 =	sld [smem:$0x3FB0];
	_ =	sdelay $0x3  }
0x34: {  	[smem:$0x3FB0] =	sst s10  }
0x35: {  	s10 =	sld [smem:$0x3FAF];
	_ =	sdelay $0x3  }
0x36: {  	p1 =	seq.s32 s10, $0x1;
	s10 =	sld [smem:$0x3FB0];
	_ =	sdelay $0x3  }
0x37: {  	[smem:$0x3FB0] =	sst s10  }
0x38: {  	s10 =	sld [smem:$0x3FB1]  }
0x39: {  	_ = 	snop;
	(pc) =	sbr.ind lr, $3  }
0x3a: {  	_ = 	snop  }
0x3b: {  	_ = 	snop  }
0x3c: {  	p2 =	seq.s32 s10, $0x1;
	s10 =	sld [smem:$0x3FB0]  }
0x3d: {  	_ =	shalt  }
0x3e: {  	_ =	shalt  }
0x3f: {  	_ =	shalt  }
0x40: {  	_ =	shalt  }
0x41: {  	_ =	shalt  }
0x42: {  	_ =	shalt  }
0x43: {  	_ =	shalt  }
0x44: {  	_ =	shalt  }
0x45: {  	_ =	shalt  }
0x46: {  	_ =	shalt  }
0x47: {  	_ =	shalt  }
0x48: {  	_ =	shalt  }
0x49: {  	_ =	shalt  }
0x4a: {  	_ =	shalt  }
0x4b: {  	_ =	shalt  }
0x4c: {  	_ =	shalt  }
0x4d: {  	_ =	shalt  }
0x4e: {  	_ =	shalt  }
0x4f: {  	_ =	shalt  }
0x50: {  	_ =	shalt  }
0x51: {  	_ =	shalt  }
0x52: {  	_ =	shalt  }
0x53: {  	_ =	shalt  }
0x54: {  	_ =	shalt  }
0x55: {  	_ =	shalt  }
0x56: {  	_ =	shalt  }
0x57: {  	_ =	shalt  }
0x58: {  	_ =	shalt  }
0x59: {  	_ =	shalt  }
0x5a: {  	_ =	shalt  }
0x5b: {  	_ =	shalt  }
0x5c: {  	_ =	shalt  }
0x5d: {  	_ =	shalt  }
0x5e: {  	_ =	shalt  }
0x5f: {  	_ =	shalt  }
0x60: {  	_ =	shalt  }
0x61: {  	_ =	shalt  }
0x62: {  	_ =	shalt  }
0x63: {  	_ =	shalt  }
0x64: {  	_ =	shalt  }
0x65: {  	_ =	shalt  }
0x66: {  	_ =	shalt  }
0x67: {  	_ =	shalt  }
0x68: {  	_ =	shalt  }
0x69: {  	_ =	shalt  }
0x6a: {  	_ =	shalt  }
0x6b: {  	_ =	shalt  }
0x6c: {  	_ =	shalt  }
0x6d: {  	_ =	shalt  }
0x6e: {  	_ =	shalt  }
0x6f: {  	_ =	shalt  }
0x70: {  	_ =	shalt  }
0x71: {  	_ =	shalt  }
0x72: {  	_ =	shalt  }
0x73: {  	_ =	shalt  }
0x74: {  	_ =	shalt  }
0x75: {  	_ =	shalt  }
0x76: {  	_ =	shalt  }
0x77: {  	_ =	shalt  }
0x78: {  	_ =	shalt  }
0x79: {  	_ =	shalt  }
0x7a: {  	_ =	shalt  }
0x7b: {  	_ =	shalt  }
0x7c: {  	_ =	shalt  }
0x7d: {  	_ =	shalt  }
0x7e: {  	_ =	shalt  }
0x7f: {  	_ =	shalt  }
0x80: {  	_ =	shalt  }
0x81: {  	_ =	shalt  }
0x82: {  	_ =	shalt  }
0x83: {  	_ =	shalt  }
0x84: {  	_ =	shalt  }
0x85: {  	_ =	shalt  }
0x86: {  	_ =	shalt  }
0x87: {  	_ =	shalt  }
.Lfunc_end0:
.L_simem_size_0:
called_computation_lowered:
.L_overlay_start_0:
0x88: {  	s2 =	sld [smem:$0x3FD9]  }
0x89: {  	s3 =	sld [smem:$0x3FFE];
	_ =	sdelay $0x1  }
0x8a: {  	s1 =	srdreg.scid  }
0x8b: {  	s0 =	sand.u32 $0x1, s1  }
0x8c: {  	s14 =	sshll.u32 s0, $0xA;
	s2 =	sadd.s32 s3, s2  }
0x8d: {  	s2 =	sadd.s32 s2, s14  }
0x8e: {  	[smem:$0x3FBC] =	sst s2  }
0x8f: {  	_ = 	snop  }
0x90: {  	s2 =	sld [smem:$0x3FD0];
	_ =	sdelay $0x2  }
0x91: {  	s4 =	simm.s32 $0xA;
	s5 =	simm.s32 $0x10;
	s15 =	sld [smem:$0x3FC9]  }
0x92: {  	[smem:s5], [sflag:s4] =	dma.local [hbm:s2], $0x1  }
0x93: {  	_ =	swait.eq [sflag:s4], $0x1  }
0x94: {  	[sflag:s4] =	ssyncset.done $0x0  }
0x95: {  	s16 =	sld [smem:$0x12];
	[sflag:s4] =	ssyncadd.s32 $0xFFFFFFFF  }
0x96: {  	s17 =	sld [smem:$0x13];
	(tm) =	ssettm $0x1  }
0x97: {  	s18 =	sld [smem:$0x3FFB];
	_ =	sdelay $0x3  }
0x98: {  	_ =	strace s18  }
0x99: {  	s5 =	sld [smem:$0x3FFC];
	_ =	sdelay $0x3  }
0x9a: {  	_ =	strace s5  }
0x9b: {  	s5 =	sld [smem:$0x3FFD];
	_ =	sdelay $0x3  }
0x9c: {  	_ =	strace s5  }
0x9d: {  	_ =	strace $0x8FFFFFFF  }
0x9e: {  	s19 =	sld [smem:$0x3FDB];
	_ =	sdelay $0x1  }
0x9f: {  	s6 =	simm.s32 $_scs_section_size  }
0xa0: {  	s7 =	simm.s32 $_size__tile_overlayer_lowered;
	s8 =	simm.s32 $_tile_overlayer_lowered  }
0xa1: {  	s22 =	simm.s32 $0x1BFF;
	s21 =	sshll.u32 s8, $0x1;
	s5 =	sadd.s32 s6, s19  }
0xa2: {  	s9 =	simm.s32 $0x0;
	s20 =	sshll.u32 s7, $0x1;
	s7 =	sadd.s32 s21, s5  }
0xa3: {  	[timem:s9], [sflag:s22] =	dma.local [hbm:s7], s20  }
0xa4: {  	_ =	swait.ge [sflag:s22], s20  }
0xa5: {  	s6 =	ssub.s32 $0x0, s20;
	[sflag:s22] =	ssyncset.done $0x0  }
0xa6: {  	[sflag:s22] =	ssyncadd.s32 s6;
	_ =	sdelay $0x1  }
0xa7: {  	s23 =	simm.s32 $0x1B8B  }
0xa8: {  	_ =	swait.ge [sflag:s23], $0x1  }
0xa9: {  	[sflag:s23] =	ssyncset.done $0x0  }
0xaa: {  	s25 =	simm.s32 $0x1B8E;
	s24 =	sld [smem:$0x3FFE];
	[sflag:s23] =	ssyncadd.s32 $0xFFFFFFFF  }
0xab: {  	s26 =	simm.s32 $execute0_lowered;
	[smem:$0x3FD2] =	sst s25  }
0xac: {  	s7 =	sshll.u32 s26, $0x1;
	_ =	strace $0x80000046;
	[dreg:$0x1] =	wrdreg $0xFFFFFFFF  }
0xad: {  	s28 =	simm.s32 $_size_execute0_lowered;
	s5 =	sadd.s32 s5, s7;
	[dreg:$0x0] =	wrdreg $0x0  }
0xae: {  	s7 =	sshll.u32 s28, $0x1;
	[dreg:$0x2] =	wrdreg s5  }
0xaf: {  	[dreg:$0x3] =	wrdreg s7  }
0xb0: {  	[dreg:$0x4] =	wrdreg $0xC0  }
0xb1: {  	_ =	task [dreg:s9], $0x5FFFF  }
0xb2: {  	[dreg:$0x1] =	wrdreg $0xFFFFFFFF  }
0xb3: {  	[dreg:$0x0] =	wrdreg $0x60  }
0xb4: {  	[dreg:$0x2] =	wrdreg s15  }
0xb5: {  	[dreg:$0x3] =	wrdreg s17  }
0xb6: {  	[dreg:$0x4] =	wrdreg s16  }
0xb7: {  	[dreg:$0x5] =	wrdreg s24  }
0xb8: {  	[dreg:$0x6] =	wrdreg $0x0  }
0xb9: {  	[dreg:$0x7] =	wrdreg $0x9  }
0xba: {  	_ =	task.clear_ibuf [dreg:s9], $0x8FFFF;
	_ =	strace $0x90000046  }
0xbb: {  	s29 =	simm.s32 $0x9;
	_ =	strace $0x80000048  }
0xbc: {  	_ =	swait.ge [sflag:s29], $0x1  }
0xbd: {  	[sflag:s29] =	ssyncadd.s32 $0xFFFFFFFF  }
0xbe: {  	_ =	strace $0x90000048  }
0xbf: {  	_ =	sfence  }
0xc0: {  	s30 =	sld [smem:$0x0];
	_ =	sdelay $0x2  }
0xc1: {  	s31 =	sshll.u32 s1, $0xD;
	s1 =	sshrl.u32 s1, $0x2  }
0xc2: {  	s3 =	sand.u32 $0x4000, s31;
	s1 =	sadd.s32 s1, s30  }
0xc3: {  	s0 =	sor.u32 s3, s0;
	s1 =	sshll.u32 s1, $0x11  }
0xc4: {  	s0 =	sor.u32 s1, s0  }
0xc5: {  	s0 =	sadd.s32 $0x8F2B, s0  }
0xc6: {  	[sflag:s0] =	ssyncadd.remote.s32 $0x1  }
0xc7: {  	_ =	sfence.sel $0xFFFF  }
0xc8: {  	[dreg:$0x0] =	wrdreg $0xFFFFFFFF;
	(pc) =	sbr.abs _section_cstart, $3  }
0xc9: {  	[dreg:$0x1] =	wrdreg $0xFFFFFFFF  }
0xca: {  	_ =	task.clear_ibuf [dreg:s9], $0x2FFFF;
	_ =	strace $0x9FFFFFFF  }
0xcb: {  	(tm) =	ssettm $0x7FFFFFFF  }
tec
execute0_lowered:
.L_overlay_start_1:
0x0: {  	(tag) =	ssettag $0x1  }
0x1: {  	s0 =	rddreg [dreg:$0x0]  }
0x2: {  	s1 =	rddreg [dreg:$0x1]  }
0x3: {  	s2 =	rddreg [dreg:$0x2]  }
0x4: {  	s3 =	srdreg.scid;
	s4 =	rddreg [dreg:$0x3]  }
0x5: {  	s5 =	rddreg [dreg:$0x4];
	s15 =	stileid.u32;
	s6 =	simm.s32 $0x0  }
0x6: {  	s28 =	simm.s32 $0x6;
	s29 =	simm.s32 $0x4;
	s30 =	simm.s32 $0x8  }
0x7: {  	s3 =	sand.u32 $0x1, s3;
	[smem:$0x7FF] =	sst s6;
	s4 =	sadd.s32 $0x2800, s4  }
0x8: {  	s25 =	sshll.u32 s15, $0xA;
	p0 =	slt.u32 s15, $0x2;
	p1 =	sgt.u32 s15, $0x1  }
0x9: {  	s7 =	sshll.u32 s3, $0x4;
	s8 =	ssub.s32 $0x2, s3;
	s21 =	smul.u32 $0x138800, s3  }
0xa: {  	s3 =	smul.u32 $0x27100, s3;
	s7 =	sor.u32 s15, s7;
	s9 =	sshrl.u32 s8, $0x1  }
0xb: {  	s7 =	smul.u32 $0x2710, s7;
	s8 =	ssub.s32 s8, s9;
	s9 =	sor.u32 $0x138000, s25  }
0xc: {  	_ =	strace $0x80000047;
	s25 =	smul.u32 $0x2710, s15;
	s24 =	sadd.s32 s9, s5  }
0xd: {  	s9 =	sadd.s32 s21, s9;
	s10 =	sshrl.u32 s7, $0x3;
	s20 =	sadd.s32 $0x300, s7  }
0xe: {  	s22 =	sadd.s32 $0x380, s7;
	s7 =	sadd.s32 $0x400, s7;
	[dreg:$0x11] =	wrdreg s24  }
0xf: {  	s3 =	sadd.s32 s25, s3;
	s11 =	sadd.s32 s1, s10;
	[dreg:$0x6] =	wrdreg s20  }
0x10: {  	s26 =	sadd.s32 s2, s10;
	s31 =	sadd.s32 $0x10, s10;
	[dreg:$0x7] =	wrdreg s22  }
0x11: {  	s12 =	sadd.s32 $0x20, s10;
	s17 =	sadd.s32 $0x30, s10;
	[dreg:$0x8] =	wrdreg s7  }
0x12: {  	s19 =	sadd.s32 $0x40, s10;
	s10 =	sadd.s32 $0x4E0, s10;
	[dreg:$0x9] =	wrdreg s11  }
0x13: {  	s3 =	sadd.s32 $0x280, s3;
	[dreg:$0xa] =	wrdreg s26;
	s13 =	sadd.s32 s1, s31  }
0x14: {  	s11 =	sadd.s32 s2, s31;
	s14 =	sadd.s32 s1, s12;
	[dreg:$0xb] =	wrdreg s13  }
0x15: {  	s16 =	sadd.s32 s2, s12;
	s18 =	sadd.s32 s1, s17;
	[dreg:$0xc] =	wrdreg s11  }
0x16: {  	s23 =	sadd.s32 s1, s19;
	s31 =	smul.u32 $0x4E000, s15;
	[dreg:$0xd] =	wrdreg s14  }
0x17: {  	s3 =	sshrl.u32 s3, $0x3;
	s12 =	simm.s32 $0x80;
	[dreg:$0xe] =	wrdreg s16  }
0x18: {  	[dreg:$0xf] =	wrdreg s18;
	s11 =	sadd.s32 s2, s17;
	s14 =	smul.u32 $0x13800, s15  }
0x19: {  	[dreg:$0x12] =	wrdreg s23;
	s13 =	sadd.s32 s1, s10;
	s18 =	sshrl.u32 s9, $0x3  }
0x1a: {  	s20 =	sadd.s32 s3, s2;
	s3 =	sadd.s32 s3, s1;
	[dreg:$0x10] =	wrdreg s11  }
0x1b: {  	s9 =	simm.s32 $0x13A80;
	s11 =	sadd.s32 s2, s19;
	[dreg:$0x14] =	wrdreg s13  }
0x1c: {  	s17 =	sshrl.u32 s31, $0x2;
	s19 =	smax.u32 s8, $0x1;
	[dreg:$0x1a] =	wrdreg s20  }
0x1d: {  	[dreg:$0x1b] =	wrdreg s3;
	s3 =	simm.s32 $0x13880;
	s8 =	simm.s32 $0x13A00  }
0x1e: {  	s13 =	simm.s32 $0x13D80;
	s20 =	simm.s32 $0x9;
	[dreg:$0x13] =	wrdreg s11  }
0x1f: {  	s26 =	sadd.s32 s14, s21;
	s14 =	sadd.s32 s2, s10;
	[dreg:$0x19] =	wrdreg s19  }
0x20: {  	s25 =	sadd.s32 s17, s5;
	s10 =	simm.s32 $0x13B00;
	[dreg:$0x15] =	wrdreg s14  }
0x21: {  	s11 =	simm.s32 $0x1;
	s21 =	sadd.s32 $0x3400, s25;
	[dreg:$0x17] =	wrdreg s25  }
0x22: {  	s17 =	simm.s32 $0x13B80;
	s22 =	sadd.s32 $0x6800, s25;
	[dreg:$0x1c] =	wrdreg s21  }
0x23: {  	s16 =	sshrl.u32 s26, $0x3;
	s23 =	sadd.s32 $0x9C00, s25;
	[dreg:$0x1d] =	wrdreg s22  }
0x24: {  	s26 =	sadd.s32 $0xD000, s25;
	s31 =	sadd.s32 $0x10400, s25;
	[dreg:$0x1e] =	wrdreg s23  }
0x25: {  	s14 =	simm.s32 $0x2;
	s7 =	sadd.s32 s4, s16;
	[dreg:$0x1f] =	wrdreg s26  }
0x26: {  	s4 =	sadd.s32 s4, s18;
	[smem:$0x7FD] =	sst s31;
	s16 =	simm.s32 $0x17D80  }
0x27: {  	s18 =	simm.s32 $0x13C00;
	s22 =	simm.s32 $0x5;
	s23 =	simm.s32 $0x3  }
0x28: {  	s26 =	simm.s32 $0x7;
	s21 =	simm.s32 $0x0;
	[dreg:$0x16] =	wrdreg s7  }
0x29: {  	v0 =	vimm.f32 $0.0e+00;
	[dreg:$0x18] =	wrdreg s4;
	s4 =	simm.s32 $0x13900;
	s7 =	simm.s32 $0x13980  }
.LBB2_1:
0x2a: {  	[smem:$0x7FC] =	sst s21  }
0x2b: {  	s15 =	rddreg [dreg:$0x9]  }
0x2c: {  	[tilespmem:s3], [sflag:$0x1] =	stream.linear.gather [hbm4b:s15+s6], $0x80, $0x38;
	[tilespmem:$0x1F180] =	vst v63  }
0x2d: {  	s31 =	rddreg [dreg:$0xa]  }
0x2e: {  	[tilespmem:s4], [sflag:$0x1] =	stream.linear.gather [hbm4b:s31+s6], $0x80, $0x38;
	[tilespmem:$0x1F180] =	vst v63  }
0x2f: {  	s19 =	rddreg [dreg:$0xb]  }
0x30: {  	[tilespmem:s7], [sflag:$0x2] =	stream.linear.gather [hbm4b:s19+s6], $0x80, $0x38;
	[tilespmem:$0x1F180] =	vst v63  }
0x31: {  	s21 =	rddreg [dreg:$0xc]  }
0x32: {  	[tilespmem:s8], [sflag:$0x2] =	stream.linear.gather [hbm4b:s21+s6], $0x80, $0x38;
	[tilespmem:$0x1F180] =	vst v63  }
0x33: {  	s31 =	rddreg [dreg:$0xd]  }
0x34: {  	[tilespmem:s9], [sflag:$0x3] =	stream.linear.gather [hbm4b:s31+s6], $0x80, $0x38;
	[tilespmem:$0x1F180] =	vst v63  }
0x35: {  	s19 =	rddreg [dreg:$0xe]  }
0x36: {  	[tilespmem:s10], [sflag:$0x3] =	stream.linear.gather [hbm4b:s19+s6], $0x80, $0x38;
	[tilespmem:$0x1F180] =	vst v63  }
0x37: {  	_ =	swait.ge [sflag:s11], $0x80  }
0x38: {  	[sflag:s11] =	ssyncset.done $0x0  }
0x39: {  	[sflag:s11] =	ssyncadd.s32 $0xFFFFFF80  }
0x3a: {  	_ =	swait.ge [sflag:s11], $0x80  }
0x3b: {  	[sflag:s11] =	ssyncset.done $0x0  }
0x3c: {  	[sflag:s11] =	ssyncadd.s32 $0xFFFFFF80  }
0x3d: {  	[tilespmem:s13], [sflag:$0x5] =	stream.indirect.gather [hbm4b:s0+s12], $0x80, s3, s12, $0xb8;
	[tilespmem:$0x1F180] =	vst v63  }
0x3e: {  	_ =	swait.ge [sflag:s14], $0x80  }
0x3f: {  	[sflag:s14] =	ssyncset.done $0x0  }
0x40: {  	[sflag:s14] =	ssyncadd.s32 $0xFFFFFF80  }
0x41: {  	_ =	swait.ge [sflag:s14], $0x80  }
0x42: {  	[sflag:s14] =	ssyncset.done $0x0  }
0x43: {  	[sflag:s14] =	ssyncadd.s32 $0xFFFFFF80  }
0x44: {  	[tilespmem:s16], [sflag:$0x6] =	stream.indirect.gather [hbm4b:s0+s12], $0x80, s7, s12, $0xb8;
	[tilespmem:$0x1F180] =	vst v63  }
0x45: {  	s21 =	rddreg [dreg:$0xf]  }
0x46: {  	[tilespmem:s17], [sflag:$0x4] =	stream.linear.gather [hbm4b:s21+s6], $0x80, $0x38;
	[tilespmem:$0x1F180] =	vst v63  }
0x47: {  	s15 =	simm.s32 $0x0;
	s31 =	rddreg [dreg:$0x10];
	s21 =	simm.s32 $0x200  }
0x48: {  	[tilespmem:s18], [sflag:$0x4] =	stream.linear.gather [hbm4b:s31+s6], $0x80, $0x38;
	[tilespmem:$0x1F180] =	vst v63  }
.LBB2_2:
0x49: {  	p2 =	seq.s32 s21, $0xCE00;
	[tilespmem:s15+$0x1BDF0] =	vst v0  }
0x4a: {  	[tilespmem:s15+$0x1BD80] =	vst v0  }
0x4b: {  	[tilespmem:s15+$0x1BD90] =	vst v0  }
.Ltmp0:
0x4c: {  	[tilespmem:s15+$0x1BDA0] =	vst v0;
	(pc) =	sbr.rel @!p2 .LBB2_2-.Ltmp0, $4  }
0x4d: {  	[tilespmem:s15+$0x1BDB0] =	vst v0  }
0x4e: {  	[tilespmem:s15+$0x1BDC0] =	vst v0  }
0x4f: {  	[tilespmem:s15+$0x1BDD0] =	vst v0  }
0x50: {  	[tilespmem:s15+$0x1BDE0] =	vst v0;
	s15 =	sshra.s32 s21, $0x2;
	s21 =	sadd.s32 $0x200, s21  }
0x51: {  	[tilespmem:s15+$0x1BDF0] =	vst v0  }
0x52: {  	[tilespmem:s15+$0x1BD80] =	vst v0  }
0x53: {  	[tilespmem:s15+$0x1BD90] =	vst v0  }
0x54: {  	[tilespmem:s15+$0x1BDA0] =	vst v0  }
0x55: {  	[tilespmem:s15+$0x1BDB0] =	vst v0  }
0x56: {  	[tilespmem:s15+$0x1BDC0] =	vst v0  }
0x57: {  	[tilespmem:s15+$0x1BDD0] =	vst v0  }
0x58: {  	[tilespmem:s15+$0x1BDE0] =	vst v0;
	s19 =	simm.s32 $0x1BD80  }
0x59: {  	[spmem:s25] =	stream.linear.scatter [tilespmem:s19], [sflag:$0x9], $0x3400, $0x38;
	[tilespmem:$0x1F180] =	vst v63  }
0x5a: {  	_ =	swait.ge [sflag:s20], $0x3400  }
0x5b: {  	[sflag:s20] =	ssyncset.done $0x0  }
0x5c: {  	s31 =	rddreg [dreg:$0x1c];
	[sflag:s20] =	ssyncadd.s32 $0xFFFFCC00  }
0x5d: {  	[spmem:s31] =	stream.linear.scatter [tilespmem:s19], [sflag:$0x9], $0x3400, $0x38;
	[tilespmem:$0x1F180] =	vst v63  }
0x5e: {  	_ =	swait.ge [sflag:s20], $0x3400  }
0x5f: {  	[sflag:s20] =	ssyncset.done $0x0  }
0x60: {  	s21 =	rddreg [dreg:$0x1d];
	[sflag:s20] =	ssyncadd.s32 $0xFFFFCC00  }
0x61: {  	[spmem:s21] =	stream.linear.scatter [tilespmem:s19], [sflag:$0x9], $0x3400, $0x38;
	[tilespmem:$0x1F180] =	vst v63  }
0x62: {  	_ =	swait.ge [sflag:s20], $0x3400  }
0x63: {  	[sflag:s20] =	ssyncset.done $0x0  }
0x64: {  	s25 =	rddreg [dreg:$0x1e];
	[sflag:s20] =	ssyncadd.s32 $0xFFFFCC00  }
0x65: {  	[spmem:s25] =	stream.linear.scatter [tilespmem:s19], [sflag:$0x9], $0x3400, $0x38;
	[tilespmem:$0x1F180] =	vst v63  }
0x66: {  	_ =	swait.ge [sflag:s20], $0x3400  }
0x67: {  	[sflag:s20] =	ssyncset.done $0x0  }
0x68: {  	s31 =	rddreg [dreg:$0x1f];
	[sflag:s20] =	ssyncadd.s32 $0xFFFFCC00  }
0x69: {  	[spmem:s31] =	stream.linear.scatter [tilespmem:s19], [sflag:$0x9], $0x3400, $0x38;
	[tilespmem:$0x1F180] =	vst v63  }
0x6a: {  	_ =	swait.ge [sflag:s20], $0x3400  }
0x6b: {  	s21 =	sld [smem:$0x7FD]  }
0x6c: {  	[sflag:s20] =	ssyncset.done $0x0  }
0x6d: {  	[sflag:s20] =	ssyncadd.s32 $0xFFFFCC00  }
0x6e: {  	[spmem:s21] =	stream.linear.scatter [tilespmem:s19], [sflag:$0x9], $0x3400, $0x38;
	[tilespmem:$0x1F180] =	vst v63  }
0x6f: {  	_ =	swait.ge [sflag:s20], $0x3400  }
0x70: {  	[sflag:s20] =	ssyncset.done $0x0  }
0x71: {  	s15 =	simm.s32 @p0 $0x1BD80;
	[sflag:s20] =	ssyncadd.s32 $0xFFFFCC00  }
0x72: {  	[spmem:s24] =	stream.linear.scatter @p0 [tilespmem:s15], [sflag:$0x9], $0x400, $0x38;
	[tilespmem:$0x1F180] =	vst v63  }
0x73: {  	s15 =	simm.s32 @p0 $0x9  }
0x74: {  	_ =	swait.ge @p0 [sflag:s15], $0x400  }
0x75: {  	[sflag:s15] =	ssyncset.done @p0 $0x0  }
0x76: {  	[sflag:s15] =	ssyncadd.s32 @p0 $0xFFFFFC00  }
0x77: {  	[bflag:$0x0] =	sbarrier.arrive $0xFFFF  }
0x78: {  	_ =	swait.ge [sflag:s22], $0x4000  }
0x79: {  	[sflag:s22] =	ssyncset.done $0x0  }
0x7a: {  	[sflag:s22] =	ssyncadd.s32 $0xFFFFC000  }
0x7b: {  	[spmem:s5] =	stream.indirect.scatter.add.f32 [tilespmem:s13], [sflag:$0x7], $0x80, s4, s12, $0xb8;
	[tilespmem:$0x1F180] =	vst v63  }
0x7c: {  	_ =	swait.ge [sflag:s23], $0x80  }
0x7d: {  	[sflag:s23] =	ssyncset.done $0x0  }
0x7e: {  	[sflag:s23] =	ssyncadd.s32 $0xFFFFFF80  }
0x7f: {  	_ =	swait.ge [sflag:s23], $0x80  }
0x80: {  	[sflag:s23] =	ssyncset.done $0x0  }
0x81: {  	[sflag:s23] =	ssyncadd.s32 $0xFFFFFF80  }
0x82: {  	_ =	swait.ge [sflag:s26], $0x4000  }
0x83: {  	[sflag:s26] =	ssyncset.done $0x0  }
0x84: {  	[sflag:s26] =	ssyncadd.s32 $0xFFFFC000  }
0x85: {  	[tilespmem:s13], [sflag:$0x5] =	stream.indirect.gather [hbm4b:s0+s12], $0x80, s9, s12, $0xb8;
	[tilespmem:$0x1F180] =	vst v63  }
0x86: {  	s15 =	simm.s32 $0x0;
	s24 =	rddreg [dreg:$0x12]  }
0x87: {  	[tilespmem:s3], [sflag:$0x1] =	stream.linear.gather [hbm4b:s24+s15], $0x80, $0x38;
	[tilespmem:$0x1F180] =	vst v63  }
0x88: {  	s25 =	rddreg [dreg:$0x13]  }
0x89: {  	[tilespmem:s4], [sflag:$0x1] =	stream.linear.gather [hbm4b:s25+s15], $0x80, $0x38;
	[tilespmem:$0x1F180] =	vst v63  }
0x8a: {  	_ =	swait.ge [sflag:s28], $0x4000  }
0x8b: {  	[sflag:s28] =	ssyncset.done $0x0  }
0x8c: {  	[sflag:s28] =	ssyncadd.s32 $0xFFFFC000  }
0x8d: {  	[spmem:s5] =	stream.indirect.scatter.add.f32 [tilespmem:s16], [sflag:$0x8], $0x80, s8, s12, $0xb8;
	[tilespmem:$0x1F180] =	vst v63  }
0x8e: {  	_ =	swait.ge [sflag:s29], $0x80  }
0x8f: {  	[sflag:s29] =	ssyncset.done $0x0  }
0x90: {  	[sflag:s29] =	ssyncadd.s32 $0xFFFFFF80  }
0x91: {  	_ =	swait.ge [sflag:s29], $0x80  }
0x92: {  	[sflag:s29] =	ssyncset.done $0x0  }
0x93: {  	[sflag:s29] =	ssyncadd.s32 $0xFFFFFF80  }
0x94: {  	_ =	swait.ge [sflag:s30], $0x4000  }
0x95: {  	[sflag:s30] =	ssyncset.done $0x0  }
0x96: {  	[sflag:s30] =	ssyncadd.s32 $0xFFFFC000  }
0x97: {  	[tilespmem:s16], [sflag:$0x6] =	stream.indirect.gather [hbm4b:s0+s12], $0x80, s17, s12, $0xb8;
	[tilespmem:$0x1F180] =	vst v63  }
0x98: {  	s25 =	rddreg [dreg:$0x1b]  }
0x99: {  	[tilespmem:s7], [sflag:$0x2] =	stream.linear.gather [hbm4b:s25+s6], $0x80, $0x38;
	[tilespmem:$0x1F180] =	vst v63  }
0x9a: {  	s19 =	rddreg [dreg:$0x1a]  }
0x9b: {  	[tilespmem:s8], [sflag:$0x2] =	stream.linear.gather [hbm4b:s19+s6], $0x80, $0x38;
	[tilespmem:$0x1F180] =	vst v63  }
0x9c: {  	_ =	swait.ge [sflag:s22], $0x4000  }
0x9d: {  	[sflag:s22] =	ssyncset.done $0x0  }
0x9e: {  	[sflag:s22] =	ssyncadd.s32 $0xFFFFC000  }
0x9f: {  	[spmem:s5] =	stream.indirect.scatter.add.f32 [tilespmem:s13], [sflag:$0x7], $0x80, s10, s12, $0xb8;
	[tilespmem:$0x1F180] =	vst v63  }
0xa0: {  	_ =	swait.ge [sflag:s11], $0x80  }
0xa1: {  	[sflag:s11] =	ssyncset.done $0x0  }
0xa2: {  	[sflag:s11] =	ssyncadd.s32 $0xFFFFFF80  }
0xa3: {  	_ =	swait.ge [sflag:s11], $0x80  }
0xa4: {  	[sflag:s11] =	ssyncset.done $0x0  }
0xa5: {  	[sflag:s11] =	ssyncadd.s32 $0xFFFFFF80  }
0xa6: {  	s31 =	smin.u32 s15, $0x47;
	_ =	swait.ge [sflag:s26], $0x4000  }
0xa7: {  	s24 =	sshll.u32 s31, $0x7;
	s21 =	rddreg [dreg:$0x6]  }
0xa8: {  	[sflag:s26] =	ssyncset.done $0x0;
	s21 =	sadd.s32 s24, s21  }
0xa9: {  	[sflag:s26] =	ssyncadd.s32 $0xFFFFC000;
	s21 =	sshrl.u32 s21, $0x3  }
0xaa: {  	[tilespmem:s13], [sflag:$0x5] =	stream.indirect.gather [hbm4b:s0+s12], $0x80, s3, s12, $0xb8;
	[tilespmem:$0x1F180] =	vst v63  }
0xab: {  	s31 =	sadd.s32 s1, s21  }
0xac: {  	[tilespmem:s9], [sflag:$0x3] =	stream.linear.gather [hbm4b:s31+s6], $0x80, $0x38;
	[tilespmem:$0x1F180] =	vst v63  }
0xad: {  	s21 =	sadd.s32 s2, s21  }
0xae: {  	[tilespmem:s10], [sflag:$0x3] =	stream.linear.gather [hbm4b:s21+s6], $0x80, $0x38;
	[tilespmem:$0x1F180] =	vst v63  }
0xaf: {  	_ =	swait.ge [sflag:s28], $0x4000  }
0xb0: {  	[sflag:s28] =	ssyncset.done $0x0  }
0xb1: {  	[sflag:s28] =	ssyncadd.s32 $0xFFFFC000  }
0xb2: {  	[spmem:s5] =	stream.indirect.scatter.add.f32 [tilespmem:s16], [sflag:$0x8], $0x80, s18, s12, $0xb8;
	[tilespmem:$0x1F180] =	vst v63  }
0xb3: {  	_ =	swait.ge [sflag:s14], $0x80  }
0xb4: {  	[sflag:s14] =	ssyncset.done $0x0  }
0xb5: {  	[sflag:s14] =	ssyncadd.s32 $0xFFFFFF80  }
0xb6: {  	_ =	swait.ge [sflag:s14], $0x80  }
0xb7: {  	[sflag:s14] =	ssyncset.done $0x0  }
0xb8: {  	[sflag:s14] =	ssyncadd.s32 $0xFFFFFF80  }
0xb9: {  	s24 =	smin.u32 s15, $0x46;
	_ =	swait.ge [sflag:s30], $0x4000  }
0xba: {  	s21 =	sshll.u32 s24, $0x7;
	[sflag:s30] =	ssyncset.done $0x0;
	s31 =	rddreg [dreg:$0x7]  }
0xbb: {  	[sflag:s30] =	ssyncadd.s32 $0xFFFFC000;
	s21 =	sadd.s32 s21, s31  }
0xbc: {  	[tilespmem:s16], [sflag:$0x6] =	stream.indirect.gather [hbm4b:s0+s12], $0x80, s7, s12, $0xb8;
	[tilespmem:$0x1F180] =	vst v63  }
0xbd: {  	s21 =	sshrl.u32 s21, $0x3  }
0xbe: {  	s31 =	sadd.s32 s1, s21  }
0xbf: {  	[tilespmem:s17], [sflag:$0x4] =	stream.linear.gather [hbm4b:s31+s6], $0x80, $0x38;
	[tilespmem:$0x1F180] =	vst v63  }
0xc0: {  	s21 =	sadd.s32 s2, s21  }
0xc1: {  	[tilespmem:s18], [sflag:$0x4] =	stream.linear.gather [hbm4b:s21+s6], $0x80, $0x38;
	[tilespmem:$0x1F180] =	vst v63  }
0xc2: {  	_ =	swait.ge [sflag:s22], $0x4000  }
0xc3: {  	[sflag:s22] =	ssyncset.done $0x0  }
0xc4: {  	[sflag:s22] =	ssyncadd.s32 $0xFFFFC000  }
0xc5: {  	[spmem:s5] =	stream.indirect.scatter.add.f32 [tilespmem:s13], [sflag:$0x7], $0x80, s4, s12, $0xb8;
	[tilespmem:$0x1F180] =	vst v63  }
0xc6: {  	_ =	swait.ge [sflag:s23], $0x80  }
0xc7: {  	[sflag:s23] =	ssyncset.done $0x0  }
0xc8: {  	[sflag:s23] =	ssyncadd.s32 $0xFFFFFF80  }
0xc9: {  	_ =	swait.ge [sflag:s23], $0x80  }
0xca: {  	[sflag:s23] =	ssyncset.done $0x0  }
0xcb: {  	[sflag:s23] =	ssyncadd.s32 $0xFFFFFF80  }
0xcc: {  	s15 =	smin.u32 s15, $0x45;
	_ =	swait.ge [sflag:s26], $0x4000  }
0xcd: {  	s15 =	sshll.u32 s15, $0x7;
	[sflag:s26] =	ssyncset.done $0x0;
	s24 =	rddreg [dreg:$0x8]  }
0xce: {  	[sflag:s26] =	ssyncadd.s32 $0xFFFFC000;
	s15 =	sadd.s32 s15, s24  }
0xcf: {  	[tilespmem:s13], [sflag:$0x5] =	stream.indirect.gather [hbm4b:s0+s12], $0x80, s9, s12, $0xb8;
	[tilespmem:$0x1F180] =	vst v63  }
0xd0: {  	s15 =	sshrl.u32 s15, $0x3  }
0xd1: {  	s31 =	sadd.s32 s1, s15  }
0xd2: {  	[tilespmem:s3], [sflag:$0x1] =	stream.linear.gather [hbm4b:s31+s6], $0x80, $0x38;
	[tilespmem:$0x1F180] =	vst v63  }
0xd3: {  	s15 =	sadd.s32 s2, s15  }
0xd4: {  	[tilespmem:s4], [sflag:$0x1] =	stream.linear.gather [hbm4b:s15+s6], $0x80, $0x38;
	[tilespmem:$0x1F180] =	vst v63  }
0xd5: {  	s24 =	smov.u32 s19;
	s15 =	simm.s32 $0x4;
	_ =	swait.ge [sflag:s28], $0x4000  }
.LBB2_4:
0xd6: {  	[sflag:s28] =	ssyncset.done $0x0  }
0xd7: {  	[sflag:s28] =	ssyncadd.s32 $0xFFFFC000  }
0xd8: {  	[spmem:s5] =	stream.indirect.scatter.add.f32 [tilespmem:s16], [sflag:$0x8], $0x80, s8, s12, $0xb8;
	[tilespmem:$0x1F180] =	vst v63  }
0xd9: {  	_ =	swait.ge [sflag:s29], $0x80  }
0xda: {  	[sflag:s29] =	ssyncset.done $0x0  }
0xdb: {  	[sflag:s29] =	ssyncadd.s32 $0xFFFFFF80  }
0xdc: {  	_ =	swait.ge [sflag:s29], $0x80  }
0xdd: {  	[sflag:s29] =	ssyncset.done $0x0  }
0xde: {  	[sflag:s29] =	ssyncadd.s32 $0xFFFFFF80  }
0xdf: {  	_ =	swait.ge [sflag:s30], $0x4000  }
0xe0: {  	[sflag:s30] =	ssyncset.done $0x0  }
0xe1: {  	[sflag:s30] =	ssyncadd.s32 $0xFFFFC000  }
0xe2: {  	[tilespmem:s16], [sflag:$0x6] =	stream.indirect.gather [hbm4b:s0+s12], $0x80, s17, s12, $0xb8;
	[tilespmem:$0x1F180] =	vst v63  }
0xe3: {  	s25 =	sadd.s32 $0x40, s25  }
0xe4: {  	[tilespmem:s7], [sflag:$0x2] =	stream.linear.gather [hbm4b:s25+s6], $0x80, $0x38;
	[tilespmem:$0x1F180] =	vst v63  }
0xe5: {  	s24 =	sadd.s32 $0x40, s24  }
0xe6: {  	[tilespmem:s8], [sflag:$0x2] =	stream.linear.gather [hbm4b:s24+s6], $0x80, $0x38;
	[tilespmem:$0x1F180] =	vst v63  }
0xe7: {  	_ =	swait.ge [sflag:s22], $0x4000  }
0xe8: {  	[sflag:s22] =	ssyncset.done $0x0  }
0xe9: {  	[sflag:s22] =	ssyncadd.s32 $0xFFFFC000  }
0xea: {  	[spmem:s5] =	stream.indirect.scatter.add.f32 [tilespmem:s13], [sflag:$0x7], $0x80, s10, s12, $0xb8;
	[tilespmem:$0x1F180] =	vst v63  }
0xeb: {  	_ =	swait.ge [sflag:s11], $0x80  }
0xec: {  	[sflag:s11] =	ssyncset.done $0x0  }
0xed: {  	[sflag:s11] =	ssyncadd.s32 $0xFFFFFF80  }
0xee: {  	_ =	swait.ge [sflag:s11], $0x80  }
0xef: {  	[sflag:s11] =	ssyncset.done $0x0  }
0xf0: {  	s21 =	smov.u32 s15;
	[sflag:s11] =	ssyncadd.s32 $0xFFFFFF80  }
0xf1: {  	s31 =	smin.u32 s21, $0x47;
	_ =	swait.ge [sflag:s26], $0x4000  }
0xf2: {  	s31 =	sshll.u32 s31, $0x7;
	s19 =	rddreg [dreg:$0x6]  }
0xf3: {  	[sflag:s26] =	ssyncset.done $0x0;
	s19 =	sadd.s32 s31, s19  }
0xf4: {  	[sflag:s26] =	ssyncadd.s32 $0xFFFFC000;
	s19 =	sshrl.u32 s19, $0x3  }
0xf5: {  	[tilespmem:s13], [sflag:$0x5] =	stream.indirect.gather [hbm4b:s0+s12], $0x80, s3, s12, $0xb8;
	[tilespmem:$0x1F180] =	vst v63  }
0xf6: {  	s31 =	sadd.s32 s1, s19  }
0xf7: {  	[tilespmem:s9], [sflag:$0x3] =	stream.linear.gather [hbm4b:s31+s6], $0x80, $0x38;
	[tilespmem:$0x1F180] =	vst v63  }
0xf8: {  	s19 =	sadd.s32 s2, s19  }
0xf9: {  	[tilespmem:s10], [sflag:$0x3] =	stream.linear.gather [hbm4b:s19+s6], $0x80, $0x38;
	[tilespmem:$0x1F180] =	vst v63  }
0xfa: {  	_ =	swait.ge [sflag:s28], $0x4000  }
0xfb: {  	[sflag:s28] =	ssyncset.done $0x0  }
0xfc: {  	[sflag:s28] =	ssyncadd.s32 $0xFFFFC000  }
0xfd: {  	[spmem:s5] =	stream.indirect.scatter.add.f32 [tilespmem:s16], [sflag:$0x8], $0x80, s18, s12, $0xb8;
	[tilespmem:$0x1F180] =	vst v63  }
0xfe: {  	_ =	swait.ge [sflag:s14], $0x80  }
0xff: {  	[sflag:s14] =	ssyncset.done $0x0  }
0x100: {  	[sflag:s14] =	ssyncadd.s32 $0xFFFFFF80  }
0x101: {  	_ =	swait.ge [sflag:s14], $0x80  }
0x102: {  	[sflag:s14] =	ssyncset.done $0x0  }
0x103: {  	[sflag:s14] =	ssyncadd.s32 $0xFFFFFF80  }
0x104: {  	s31 =	smin.u32 s21, $0x46;
	_ =	swait.ge [sflag:s30], $0x4000  }
0x105: {  	s19 =	sshll.u32 s31, $0x7;
	[sflag:s30] =	ssyncset.done $0x0;
	s31 =	rddreg [dreg:$0x7]  }
0x106: {  	[sflag:s30] =	ssyncadd.s32 $0xFFFFC000;
	s19 =	sadd.s32 s19, s31  }
0x107: {  	[tilespmem:s16], [sflag:$0x6] =	stream.indirect.gather [hbm4b:s0+s12], $0x80, s7, s12, $0xb8;
	[tilespmem:$0x1F180] =	vst v63  }
0x108: {  	s19 =	sshrl.u32 s19, $0x3  }
0x109: {  	s31 =	sadd.s32 s1, s19  }
0x10a: {  	[tilespmem:s17], [sflag:$0x4] =	stream.linear.gather [hbm4b:s31+s6], $0x80, $0x38;
	[tilespmem:$0x1F180] =	vst v63  }
0x10b: {  	s19 =	sadd.s32 s2, s19  }
0x10c: {  	[tilespmem:s18], [sflag:$0x4] =	stream.linear.gather [hbm4b:s19+s6], $0x80, $0x38;
	[tilespmem:$0x1F180] =	vst v63  }
0x10d: {  	_ =	swait.ge [sflag:s22], $0x4000  }
0x10e: {  	[sflag:s22] =	ssyncset.done $0x0  }
0x10f: {  	[sflag:s22] =	ssyncadd.s32 $0xFFFFC000  }
0x110: {  	[spmem:s5] =	stream.indirect.scatter.add.f32 [tilespmem:s13], [sflag:$0x7], $0x80, s4, s12, $0xb8;
	[tilespmem:$0x1F180] =	vst v63  }
0x111: {  	_ =	swait.ge [sflag:s23], $0x80  }
0x112: {  	[sflag:s23] =	ssyncset.done $0x0  }
0x113: {  	[sflag:s23] =	ssyncadd.s32 $0xFFFFFF80  }
0x114: {  	_ =	swait.ge [sflag:s23], $0x80  }
0x115: {  	[sflag:s23] =	ssyncset.done $0x0  }
0x116: {  	[sflag:s23] =	ssyncadd.s32 $0xFFFFFF80  }
0x117: {  	s21 =	smin.u32 s21, $0x45;
	_ =	swait.ge [sflag:s26], $0x4000  }
0x118: {  	s19 =	sshll.u32 s21, $0x7;
	[sflag:s26] =	ssyncset.done $0x0;
	s31 =	rddreg [dreg:$0x8]  }
0x119: {  	[sflag:s26] =	ssyncadd.s32 $0xFFFFC000;
	s19 =	sadd.s32 s19, s31  }
0x11a: {  	[tilespmem:s13], [sflag:$0x5] =	stream.indirect.gather [hbm4b:s0+s12], $0x80, s9, s12, $0xb8;
	[tilespmem:$0x1F180] =	vst v63  }
0x11b: {  	p2 =	sne.s32 s15, $0x48;
	s19 =	sshrl.u32 s19, $0x3  }
.Ltmp1:
0x11c: {  	s31 =	sadd.s32 s1, s19;
	(pc) =	sbr.rel @p2 .LBB2_4-.Ltmp1, $4  }
0x11d: {  	[tilespmem:s3], [sflag:$0x1] =	stream.linear.gather [hbm4b:s31+s6], $0x80, $0x38;
	[tilespmem:$0x1F180] =	vst v63  }
0x11e: {  	s19 =	sadd.s32 s2, s19  }
0x11f: {  	[tilespmem:s4], [sflag:$0x1] =	stream.linear.gather [hbm4b:s19+s6], $0x80, $0x38;
	[tilespmem:$0x1F180] =	vst v63  }
0x120: {  	s15 =	sadd.s32 $0x4, s15;
	_ =	swait.ge [sflag:s28], $0x4000  }
0x121: {  	[sflag:s28] =	ssyncset.done $0x0  }
0x122: {  	[sflag:s28] =	ssyncadd.s32 $0xFFFFC000  }
0x123: {  	[spmem:s5] =	stream.indirect.scatter.add.f32 [tilespmem:s16], [sflag:$0x8], $0x80, s8, s12, $0xb8;
	[tilespmem:$0x1F180] =	vst v63  }
0x124: {  	_ =	swait.ge [sflag:s29], $0x80  }
0x125: {  	[sflag:s29] =	ssyncset.done $0x0  }
0x126: {  	[sflag:s29] =	ssyncadd.s32 $0xFFFFFF80  }
0x127: {  	_ =	swait.ge [sflag:s29], $0x80  }
0x128: {  	[sflag:s29] =	ssyncset.done $0x0  }
0x129: {  	[sflag:s29] =	ssyncadd.s32 $0xFFFFFF80  }
0x12a: {  	_ =	swait.ge [sflag:s11], $0x80  }
0x12b: {  	[sflag:s11] =	ssyncset.done $0x0  }
0x12c: {  	[sflag:s11] =	ssyncadd.s32 $0xFFFFFF80  }
0x12d: {  	_ =	swait.ge [sflag:s11], $0x80  }
0x12e: {  	[sflag:s11] =	ssyncset.done $0x0  }
0x12f: {  	[sflag:s11] =	ssyncadd.s32 $0xFFFFFF80  }
0x130: {  	_ =	swait.ge [sflag:s22], $0x4000  }
0x131: {  	[sflag:s22] =	ssyncset.done $0x0  }
0x132: {  	[sflag:s22] =	ssyncadd.s32 $0xFFFFC000  }
0x133: {  	_ =	swait.ge [sflag:s30], $0x4000  }
0x134: {  	[sflag:s30] =	ssyncset.done $0x0  }
0x135: {  	s19 =	simm.s32 $0x13C80;
	s15 =	rddreg [dreg:$0x14];
	[sflag:s30] =	ssyncadd.s32 $0xFFFFC000  }
0x136: {  	[tilespmem:s19], [sflag:$0x9] =	stream.linear.gather [hbm4b:s15+s6], $0x10, $0x38;
	[tilespmem:$0x1F180] =	vst v63  }
0x137: {  	_ =	swait.ge [sflag:s20], $0x10  }
0x138: {  	[sflag:s20] =	ssyncset.done $0x0  }
0x139: {  	s21 =	simm.s32 $0x13D00;
	s25 =	rddreg [dreg:$0x15];
	[sflag:s20] =	ssyncadd.s32 $0xFFFFFFF0  }
0x13a: {  	[tilespmem:s21], [sflag:$0x9] =	stream.linear.gather [hbm4b:s25+s6], $0x10, $0x38;
	[tilespmem:$0x1F180] =	vst v63  }
0x13b: {  	_ =	swait.ge [sflag:s20], $0x10  }
0x13c: {  	[sflag:s20] =	ssyncset.done $0x0  }
0x13d: {  	s31 =	simm.s32 $0x10;
	[sflag:s20] =	ssyncadd.s32 $0xFFFFFFF0  }
0x13e: {  	[tilespmem:s13], [sflag:$0x5] =	stream.indirect.gather [hbm4b:s0+s31], $0x80, s19, s31, $0xb8;
	[tilespmem:$0x1F180] =	vst v63  }
0x13f: {  	_ =	swait.ge [sflag:s22], $0x800  }
0x140: {  	[sflag:s22] =	ssyncset.done $0x0  }
0x141: {  	[sflag:s22] =	ssyncadd.s32 $0xFFFFF800  }
0x142: {  	[spmem:s5] =	stream.indirect.scatter.add.f32 [tilespmem:s13], [sflag:$0x9], $0x80, s21, s31, $0xb8;
	[tilespmem:$0x1F180] =	vst v63  }
0x143: {  	_ =	swait.ge [sflag:s20], $0x800  }
0x144: {  	[sflag:s20] =	ssyncset.done $0x0  }
0x145: {  	[sflag:s20] =	ssyncadd.s32 $0xFFFFF800  }
0x146: {  	s21 =	stileid.u32;
	[bflag:$0x0] =	sbarrier.arrive $0xFFFF  }
0x147: {  	s15 =	sshll.u32 s21, $0x6;
	s25 =	rddreg [dreg:$0x17]  }
0x148: {  	s15 =	sor.u32 $0x1C09, s15;
	s31 =	rddreg [dreg:$0x16];
	s24 =	sshrl.u32 s25, $0x3  }
0x149: {  	[hbm:s31], [sflag:s15] =	dma.local [spmem:s24], $0x2700  }
0x14a: {  	_ =	swait.ge [sflag:s20], $0x2700  }
0x14b: {  	[sflag:s20] =	ssyncset.done $0x0;
	s24 =	rddreg [dreg:$0x11]  }
0x14c: {  	s21 =	rddreg [dreg:$0x18];
	[sflag:s20] =	ssyncadd.s32 $0xFFFFD900;
	s19 =	sshrl.u32 @!p1 s24, $0x3  }
0x14d: {  	[hbm:s21], [sflag:s15] =	dma.local @!p1 [spmem:s19], $0x80  }
0x14e: {  	s15 =	simm.s32 @!p1 $0x9  }
0x14f: {  	_ =	swait.ge @!p1 [sflag:s15], $0x80  }
0x150: {  	s19 =	sld [smem:$0x7FC];
	_ =	sdelay $0x2  }
0x151: {  	s31 =	rddreg [dreg:$0x19];
	s21 =	sadd.s32 $0x1, s19  }
0x152: {  	p2 =	sne.s32 s21, s31  }
.Ltmp2:
0x153: {  	_ = 	snop;
	(pc) =	sbr.rel @p2 .LBB2_1-.Ltmp2, $3  }
0x154: {  	_ =	sdelay $0x1  }
0x155: {  	[sflag:s15] =	ssyncset.done @!p1 $0x0  }
0x156: {  	[sflag:s15] =	ssyncadd.s32 @!p1 $0xFFFFFF80  }
0x157: {  	_ =	sfence.sel $0x180000  }
0x158: {  	[bflag:$0x0] =	sbarrier.arrive $0xFFFF  }
0x159: {  	_ =	strace $0x90000047  }
0x15a: {  	s0 =	stileid.u32;
	[bflag:$0x2] =	sbarrier.arrive $0xFFFF  }
0x15b: {  	p0 =	sne.s32 s0, $0x0;
	s0 =	rddreg [dreg:$0x5]  }
0x15c: {  	s0 =	sadd.s32 @!p0 $0x100000, s0  }
0x15d: {  	[sflag:s0] =	ssyncadd.tile.s32 @!p0 $0x1;
	_ =	shalt  }
.Lfunc_end2:
_tile_overlayer_lowered:
.L_overlay_start_2:
0x15e: {  	(tag) =	ssettag $0x2  }
0x15f: {  	s0 =	rddreg [dreg:$0x0];
	s2 =	stileid.u32  }
0x160: {  	s1 =	rddreg [dreg:$0x1];
	p0 =	sne.s32 s2, $0x0  }
0x161: {  	s3 =	rddreg [dreg:$0x2];
	[bflag:$0x3] =	sbarrier.arrive $0xFFFF;
	s2 =	simm.s32 @!p0 $0x1C09  }
0x162: {  	[timem:s3], [sflag:s2] =	dma.local @!p0 [hbm:s0], s1  }
0x163: {  	s0 =	simm.s32 @!p0 $0x9  }
0x164: {  	_ =	swait.ge @!p0 [sflag:s0], s1  }
0x165: {  	s1 =	ssub.s32 @!p0 $0x0, s1;
	[sflag:s0] =	ssyncset.done @!p0 $0x0  }
0x166: {  	[sflag:s0] =	ssyncadd.s32 @!p0 s1  }
0x167: {  	[bflag:$0x3] =	sbarrier.arrive $0xFFFF  }
0x168: {  	_ =	shalt  }

</sc_bundles>
